<compile_context>
chip_gen: v7x
topology: tpu7x:2x2x1
jax: 0.10.2.dev20260603
libtpu: 0.0.44.dev20260713+nightly
codegen_flags: <defaults>
</compile_context>

<pallas_src>
import functools

import jax
import jax.numpy as jnp
from jax import lax
from jax.experimental import pallas as pl
from jax.experimental.pallas import tpu as pltpu
from jax.experimental.pallas import tpu_sc as plsc

B = 4
N_PER = 4096
STRIDE = 4
NSAMPLE = 16
IN_C = 256
OUT_C = 512
M_PER = N_PER // STRIDE
EPS = 1e-5


_FS = 8
_FL = N_PER // _FS
_MS = 8
_ML = M_PER // _MS


def _fps_body(pt_ref, cx_ref, cy_ref, cz_ref):
    px = pt_ref[0]
    py = pt_ref[1]
    pz = pt_ref[2]

    io = (lax.broadcasted_iota(jnp.int32, (B, _FS, _FL), 1) * _FL
          + lax.broadcasted_iota(jnp.int32, (B, _FS, _FL), 2))
    im = (lax.broadcasted_iota(jnp.int32, (B, _MS, _ML), 1) * _ML
          + lax.broadcasted_iota(jnp.int32, (B, _MS, _ML), 2))

    def _rmax(a):
        return jnp.max(jnp.max(a, axis=2, keepdims=True), axis=1,
                       keepdims=True)

    def _rmin(a):
        return jnp.min(jnp.min(a, axis=2, keepdims=True), axis=1,
                       keepdims=True)

    def _rsum(a):
        return jnp.sum(jnp.sum(a, axis=2, keepdims=True), axis=1,
                       keepdims=True)

    c0x = px[:, 0:1, 0:1]
    c0y = py[:, 0:1, 0:1]
    c0z = pz[:, 0:1, 0:1]
    dx = px - c0x
    dy = py - c0y
    dz = pz - c0z
    dist = (dx * dx + dy * dy) + dz * dz

    accx = jnp.where(im == 0, c0x, 0.0)
    accy = jnp.where(im == 0, c0y, 0.0)
    accz = jnp.where(im == 0, c0z, 0.0)

    def body(i, state):
        dist, accx, accy, accz = state
        mx = _rmax(dist)
        nxt = _rmin(jnp.where(dist == mx, io, N_PER))
        onehot = io == nxt
        cx = _rsum(jnp.where(onehot, px, 0.0))
        cy = _rsum(jnp.where(onehot, py, 0.0))
        cz = _rsum(jnp.where(onehot, pz, 0.0))
        dx = px - cx
        dy = py - cy
        dz = pz - cz
        d = (dx * dx + dy * dy) + dz * dz
        dist = jnp.minimum(dist, d)
        accx = jnp.where(im == i, cx, accx)
        accy = jnp.where(im == i, cy, accy)
        accz = jnp.where(im == i, cz, accz)
        return dist, accx, accy, accz

    def body2(j, state):
        state = body(2 + 2 * j, state)
        return body(3 + 2 * j, state)

    state = body(1, (dist, accx, accy, accz))
    _, accx, accy, accz = lax.fori_loop(0, (M_PER - 2) // 2, body2, state)
    cx_ref[...] = accx
    cy_ref[...] = accy
    cz_ref[...] = accz


def _run_fps(pt):
    out = jax.ShapeDtypeStruct((B, _MS, _ML), jnp.float32)
    return pl.pallas_call(
        _fps_body,
        out_shape=(out, out, out),
    )(pt)


_KNN_MB = 128


def _knn_body(cx_ref, cy_ref, cz_ref, pt_ref, knn_ref):
    b = pl.program_id(0)
    px = pt_ref[0, 0:1, :]
    py = pt_ref[0, 1:2, :]
    pz = pt_ref[0, 2:3, :]
    cx = cx_ref[0]
    cy = cy_ref[0]
    cz = cz_ref[0]

    dx = cx - px
    dy = cy - py
    dz = cz - pz
    d = (dx * dx + dy * dy) + dz * dz

    lane_n = lax.broadcasted_iota(jnp.int32, (_KNN_MB, N_PER), 1)
    base = b * N_PER
    inf = jnp.float32(jnp.inf)
    for k in range(NSAMPLE):
        am = jnp.argmin(d, axis=1).astype(jnp.int32)[:, None]
        knn_ref[0, :, k:k + 1] = am + base
        d = jnp.where(lane_n == am, inf, d)


def _run_knn(cxT, cyT, czT, ptb):
    grid = (B, M_PER // _KNN_MB)
    cspec = pl.BlockSpec((1, _KNN_MB, 1), lambda b, m: (b, m, 0))
    return pl.pallas_call(
        _knn_body,
        grid=grid,
        in_specs=[
            cspec, cspec, cspec,
            pl.BlockSpec((1, 3, N_PER), lambda b, m: (b, 0, 0)),
        ],
        out_specs=pl.BlockSpec((1, _KNN_MB, NSAMPLE), lambda b, m: (b, m, 0)),
        out_shape=jax.ShapeDtypeStruct((B, M_PER, NSAMPLE), jnp.int32),
        compiler_params=pltpu.CompilerParams(
            dimension_semantics=("parallel", "parallel")),
    )(cxT, cyT, czT, ptb)


_PROJ_RB = 1024


def _proj_body(x_ref, p_ref, wxt_ref, w3_ref, y_ref):
    y = jnp.dot(x_ref[...], wxt_ref[...], preferred_element_type=jnp.float32)
    y += p_ref[:, 0:1] * w3_ref[0:1, :]
    y += p_ref[:, 1:2] * w3_ref[1:2, :]
    y += p_ref[:, 2:3] * w3_ref[2:3, :]
    y_ref[...] = y


def _run_proj(x, p, wxt, w3):
    n = x.shape[0]
    grid = (n // _PROJ_RB,)
    return pl.pallas_call(
        _proj_body,
        grid=grid,
        in_specs=[
            pl.BlockSpec((_PROJ_RB, IN_C), lambda i: (i, 0)),
            pl.BlockSpec((_PROJ_RB, 3), lambda i: (i, 0)),
            pl.BlockSpec((IN_C, OUT_C), lambda i: (0, 0)),
            pl.BlockSpec((3, OUT_C), lambda i: (0, 0)),
        ],
        out_specs=pl.BlockSpec((_PROJ_RB, OUT_C), lambda i: (i, 0)),
        out_shape=jax.ShapeDtypeStruct((n, OUT_C), jnp.float32),
        compiler_params=pltpu.CompilerParams(
            dimension_semantics=("parallel",)),
    )(x, p, wxt, w3)


_SC_CHUNK = 128


def _run_sc_gather(table, idx):
    total = idx.shape[0]
    info = plsc.get_sparse_core_info()
    nw = info.num_cores * info.num_subcores
    per_w = total // nw
    nchunk = per_w // _SC_CHUNK
    mesh = plsc.VectorSubcoreMesh(core_axis_name="c", subcore_axis_name="s")

    @functools.partial(
        pl.kernel,
        mesh=mesh,
        out_type=jax.ShapeDtypeStruct((total, OUT_C), jnp.float32),
        scratch_types=[
            pltpu.VMEM((_SC_CHUNK,), jnp.int32),
            pltpu.VMEM((_SC_CHUNK, OUT_C), jnp.float32),
            pltpu.SemaphoreType.DMA,
        ],
    )
    def gather_k(table_hbm, idx_hbm, out_hbm, idx_v, rows_v, sem):
        wid = lax.axis_index("s") * info.num_cores + lax.axis_index("c")
        base = wid * per_w

        def body(j, carry):
            off = base + j * _SC_CHUNK
            pltpu.sync_copy(idx_hbm.at[pl.ds(off, _SC_CHUNK)], idx_v)
            pltpu.async_copy(table_hbm.at[idx_v], rows_v, sem).wait()
            pltpu.sync_copy(rows_v, out_hbm.at[pl.ds(off, _SC_CHUNK)])
            return carry

        lax.fori_loop(0, nchunk, body, 0)

    return gather_k(table, idx)


_LN_MB = 128


def _ln_body(g_ref, cx_ref, cy_ref, cz_ref, w3_ref, gam_ref, bet_ref, o_ref):
    cx = cx_ref[0]
    cy = cy_ref[0]
    cz = cz_ref[0]
    wx = w3_ref[0:1, :]
    wy = w3_ref[1:2, :]
    wz = w3_ref[2:3, :]
    projc = cx * wx + cy * wy + cz * wz
    gam = gam_ref[0:1, :]
    bet = bet_ref[0:1, :]

    acc = jnp.full((_LN_MB, OUT_C), -jnp.inf, dtype=jnp.float32)
    for k in range(NSAMPLE):
        z = g_ref[0, :, k] - projc
        mu = jnp.mean(z, axis=1, keepdims=True)
        zc = z - mu
        var = jnp.mean(zc * zc, axis=1, keepdims=True)
        y = zc * lax.rsqrt(var + EPS) * gam + bet
        acc = jnp.maximum(acc, y)
    o_ref[...] = jnp.maximum(acc, 0.0)


def _run_ln(g4, cxT, cyT, czT, w3, gamma2, beta2):
    nb = g4.shape[0]
    grid = (nb, M_PER // _LN_MB)
    cspec = pl.BlockSpec((1, _LN_MB, 1), lambda b, m: (b, m, 0))
    vspec = pl.BlockSpec((1, OUT_C), lambda b, m: (0, 0))
    return pl.pallas_call(
        _ln_body,
        grid=grid,
        in_specs=[
            pl.BlockSpec((1, _LN_MB, NSAMPLE, OUT_C), lambda b, m: (b, m, 0, 0)),
            cspec, cspec, cspec,
            pl.BlockSpec((3, OUT_C), lambda b, m: (0, 0)),
            vspec, vspec,
        ],
        out_specs=pl.BlockSpec((_LN_MB, OUT_C), lambda b, m: (b * (M_PER // _LN_MB) + m, 0)),
        out_shape=jax.ShapeDtypeStruct((nb * M_PER, OUT_C), jnp.float32),
        compiler_params=pltpu.CompilerParams(
            dimension_semantics=("parallel", "parallel")),
    )(g4, cxT, cyT, czT, w3, gamma2, beta2)


def kernel(p, x, o, W, gamma, beta):
    pb = p.reshape(B, N_PER, 3)
    pt = pb.reshape(B, _FS, _FL, 3).transpose(3, 0, 1, 2)
    ptb = pb.transpose(0, 2, 1)
    cx, cy, cz = (a.reshape(B, M_PER) for a in _run_fps(pt))
    cxT, cyT, czT = cx[..., None], cy[..., None], cz[..., None]

    knn = _run_knn(cxT, cyT, czT, ptb)

    w3 = W[:, :3].T
    wxt = W[:, 3:].T
    y_all = _run_proj(x, p, wxt, w3)

    idx_flat = knn.reshape(B * NSAMPLE * M_PER)
    per_b = NSAMPLE * M_PER
    gam2, bet2 = gamma[None, :], beta[None, :]
    grouped = [
        _run_sc_gather(y_all, idx_flat[b * per_b:(b + 1) * per_b])
        for b in range(B)
    ]
    x_out = jnp.concatenate([
        _run_ln(grouped[b].reshape(1, M_PER, NSAMPLE, OUT_C),
                cxT[b:b + 1], cyT[b:b + 1], czT[b:b + 1], w3, gam2, bet2)
        for b in range(B)
    ], axis=0)

    n_p = jnp.stack([cx, cy, cz], axis=-1).reshape(B * M_PER, 3)
    n_o = (jnp.arange(1, B + 1) * M_PER).astype(jnp.int32)
    return (n_p, x_out, n_o)

# --- scband reference (transcript-rebuilt; emitter-appended) ---
"""Pipeline reference for scband-transition-down-fps-63479616634981 (READ-ONLY COPY).

The authoritative reference and input builder live on the scoring server;
editing this copy changes nothing except your own understanding.
"""

import jax, jax.numpy as jnp
import numpy as np

B = 4
N_PER = 4096
STRIDE = 4
NSAMPLE = 16
IN_C = 256
OUT_C = 512
M_PER = N_PER // STRIDE
EPS = 1e-5


def _fps(pts, m):
    # farthest point sampling over one batch segment, starting from point 0
    dist0 = jnp.sum((pts - pts[0]) ** 2, axis=-1)
    idx0 = jnp.zeros((m,), dtype=jnp.int32)

    def body(i, state):
        dist, idx = state
        nxt = jnp.argmax(dist).astype(jnp.int32)
        idx = idx.at[i].set(nxt)
        d = jnp.sum((pts - pts[nxt]) ** 2, axis=-1)
        dist = jnp.minimum(dist, d)
        return (dist, idx)

    _, idx = jax.lax.fori_loop(1, m, body, (dist0, idx0))
    return idx


def setup_inputs(seed: int = 0):
    key = jax.random.key(seed)
    k1, k2, k3 = jax.random.split(key, 3)
    p = jax.random.uniform(k1, (B * N_PER, 3), dtype=jnp.float32)
    x = jax.random.normal(k2, (B * N_PER, IN_C), dtype=jnp.float32)
    o = (jnp.arange(1, B + 1) * N_PER).astype(jnp.int32)
    W = jax.random.normal(k3, (OUT_C, 3 + IN_C), dtype=jnp.float32) / np.sqrt(3 + IN_C)
    gamma = jnp.ones((OUT_C,), dtype=jnp.float32)
    beta = jnp.zeros((OUT_C,), dtype=jnp.float32)
    return {"p": p, "x": x, "o": o, "W": W, "gamma": gamma, "beta": beta}


def reference(p, x, o, W, gamma, beta):
    # o encodes equal-size batch segments: [N_PER, 2*N_PER, ...]
    pb = p.reshape(B, N_PER, 3)
    # farthest point sampling per segment (pointops.farthest_point_sampling)
    fps_idx = jax.vmap(lambda pts: _fps(pts, M_PER))(pb)  # [B, M_PER]
    n_pb = jnp.take_along_axis(pb, fps_idx[..., None], axis=1)  # [B, M_PER, 3]
    # knn_query: nsample nearest neighbors of each sampled centroid within its segment
    d = jnp.sum((n_pb[:, :, None, :] - pb[:, None, :, :]) ** 2, axis=-1)  # [B, M_PER, N_PER]
    _, knn = jax.lax.top_k(-d, NSAMPLE)  # [B, M_PER, NSAMPLE]
    base = (jnp.arange(B) * N_PER)[:, None, None]
    knn_g = (knn + base).reshape(B * M_PER, NSAMPLE)
    n_p = n_pb.reshape(B * M_PER, 3)
    # pointops.grouping with with_xyz=True: relative coords concat features
    grouped_xyz = p[knn_g] - n_p[:, None, :]  # [M, NSAMPLE, 3]
    grouped_x = x[knn_g]  # [M, NSAMPLE, IN_C]
    feat = jnp.concatenate([grouped_xyz, grouped_x], axis=-1)  # [M, NSAMPLE, 3+IN_C]
    # linear (no bias) -> layernorm -> relu
    y = feat @ W.T  # [M, NSAMPLE, OUT_C]
    mu = jnp.mean(y, axis=-1, keepdims=True)
    var = jnp.var(y, axis=-1, keepdims=True)
    y = (y - mu) / jnp.sqrt(var + EPS) * gamma + beta
    y = jnp.maximum(y, 0.0)
    # maxpool over the nsample neighbors
    x_out = jnp.max(y, axis=1)  # [M, OUT_C]
    n_o = (jnp.arange(1, B + 1) * M_PER).astype(jnp.int32)
    return (n_p, x_out, n_o)

if __name__ == "__main__":
    import jax
    _d = setup_inputs()
    print(jax.jit(kernel)(*tuple(_d.values())))

</pallas_src>

<mosaic_0001>
#map = affine_map<(d0, d1) -> (0, 0)>
#map1 = affine_map<(d0, d1) -> (0)>
module attributes {stable_mosaic.version = 14 : i64} {
  func.func @gather_k(%arg0: i32, %arg1: i32, %arg2: memref<16384x512xf32, #tpu.memory_space<hbm>>, %arg3: memref<16384xi32, #tpu.memory_space<hbm>>, %arg4: memref<16384x512xf32, #tpu.memory_space<hbm>>, %arg5: memref<128xi32, #tpu.memory_space<vmem>>, %arg6: memref<128x512xf32, #tpu.memory_space<vmem>>, %arg7: memref<!tpu.dma_semaphore, #tpu.memory_space<semaphore_mem>>) attributes {dimension_semantics = [#tpu.dimension_semantics<core_parallel>, #tpu.dimension_semantics<subcore_parallel>], iteration_bounds = array<i64: 2, 16>, scalar_prefetch = 0 : i64, scratch_operands = 3 : i64, tpu.core_type = #tpu.core_type<sc_vector_subcore>, window_params = [{transform_indices = #map}, {transform_indices = #map1}, {transform_indices = #map}]} {
    %mul3A = arith.constant 2 : i32
    %mul3A_0 = arith.muli %arg1, %mul3A : i32
    %add3A = arith.addi %mul3A_0, %arg0 : i32
    %mul3A_1 = arith.constant 512 : i32
    %mul3A_2 = arith.muli %add3A, %mul3A_1 : i32
    %scan3A = arith.constant 0 : i32
    %scan3A_3 = arith.constant 0 : i32
    %scan3A_4 = arith.constant 4 : i32
    %scan3A_5 = arith.addi %scan3A_3, %scan3A_4 : i32
    %scan3A_6 = arith.constant 1 : i32
    scf.for %scan3A_8 = %scan3A_3 to %scan3A_5 step %scan3A_6  : i32 {
      %mul3A_9 = arith.constant 128 : i32
      %mul3A_10 = arith.muli %scan3A_8, %mul3A_9 : i32
      %add3A_11 = arith.addi %mul3A_2, %mul3A_10 : i32
      "tpu.region"() ({
        %run_scoped3A = tpu.sem_alloc : memref<!tpu.dma_semaphore, #tpu.memory_space<semaphore_mem>>
        %dma_start3A_16 = tpu.memref_slice %arg3[%add3A_11] : memref<16384xi32, #tpu.memory_space<hbm>> -> memref<128xi32, #tpu.memory_space<hbm>>
        %dma_start3A_17 = tpu.memref_slice %arg3[%add3A_11] : memref<16384xi32, #tpu.memory_space<hbm>> -> memref<128xi32, #tpu.memory_space<hbm>>
        tpu.enqueue_dma source(%dma_start3A_17 : memref<128xi32, #tpu.memory_space<hbm>>) target(%arg5 : memref<128xi32, #tpu.memory_space<vmem>>) target_semaphore(%run_scoped3A : memref<!tpu.dma_semaphore, #tpu.memory_space<semaphore_mem>>)
        %dma_wait3A_18 = tpu.memref_slice %arg3[%add3A_11] : memref<16384xi32, #tpu.memory_space<hbm>> -> memref<128xi32, #tpu.memory_space<hbm>>
        %dma_wait3A_19 = tpu.memref_slice %arg3[%add3A_11] : memref<16384xi32, #tpu.memory_space<hbm>> -> memref<128xi32, #tpu.memory_space<hbm>>
        tpu.wait_dma2 semaphore(%run_scoped3A : memref<!tpu.dma_semaphore, #tpu.memory_space<semaphore_mem>>) src(%dma_wait3A_19 : memref<128xi32, #tpu.memory_space<hbm>>) dst(%arg5 : memref<128xi32, #tpu.memory_space<vmem>>)
        tpu.yield
      }) : () -> ()
      %dma_start3A = arith.constant 0 : i32
      %dma_start3A_12 = arith.constant 0 : i32
      %dma_start3A_13 = tpu.memref_slice %arg2[%dma_start3A, %dma_start3A_12] : memref<16384x512xf32, #tpu.memory_space<hbm>> -> memref<16384x512xf32, #tpu.memory_space<hbm>>
      tpu.enqueue_indirect_dma source(%dma_start3A_13 : memref<16384x512xf32, #tpu.memory_space<hbm>>) target(%arg6 : memref<128x512xf32, #tpu.memory_space<vmem>>) offsets(%arg5 : memref<128xi32, #tpu.memory_space<vmem>>) semaphore(%arg7 : memref<!tpu.dma_semaphore, #tpu.memory_space<semaphore_mem>>)
      %dma_wait3A = arith.constant 0 : i32
      %dma_wait3A_14 = arith.constant 0 : i32
      %dma_wait3A_15 = tpu.memref_slice %arg2[%dma_wait3A, %dma_wait3A_14] : memref<16384x512xf32, #tpu.memory_space<hbm>> -> memref<16384x512xf32, #tpu.memory_space<hbm>>
      tpu.wait_indirect_dma semaphore(%arg7 : memref<!tpu.dma_semaphore, #tpu.memory_space<semaphore_mem>>) src(%dma_wait3A_15 : memref<16384x512xf32, #tpu.memory_space<hbm>>) dst(%arg6 : memref<128x512xf32, #tpu.memory_space<vmem>>)
      "tpu.region"() ({
        %run_scoped3A = tpu.sem_alloc : memref<!tpu.dma_semaphore, #tpu.memory_space<semaphore_mem>>
        %dma_start3A_16 = arith.constant 0 : i32
        %dma_start3A_17 = tpu.memref_slice %arg4[%add3A_11, %dma_start3A_16] : memref<16384x512xf32, #tpu.memory_space<hbm>> -> memref<128x512xf32, #tpu.memory_space<hbm>>
        %dma_start3A_18 = arith.constant 0 : i32
        %dma_start3A_19 = tpu.memref_slice %arg4[%add3A_11, %dma_start3A_18] : memref<16384x512xf32, #tpu.memory_space<hbm>> -> memref<128x512xf32, #tpu.memory_space<hbm>>
        tpu.enqueue_dma source(%arg6 : memref<128x512xf32, #tpu.memory_space<vmem>>) target(%dma_start3A_19 : memref<128x512xf32, #tpu.memory_space<hbm>>) target_semaphore(%run_scoped3A : memref<!tpu.dma_semaphore, #tpu.memory_space<semaphore_mem>>)
        %dma_wait3A_20 = arith.constant 0 : i32
        %dma_wait3A_21 = tpu.memref_slice %arg4[%add3A_11, %dma_wait3A_20] : memref<16384x512xf32, #tpu.memory_space<hbm>> -> memref<128x512xf32, #tpu.memory_space<hbm>>
        %dma_wait3A_22 = arith.constant 0 : i32
        %dma_wait3A_23 = tpu.memref_slice %arg4[%add3A_11, %dma_wait3A_22] : memref<16384x512xf32, #tpu.memory_space<hbm>> -> memref<128x512xf32, #tpu.memory_space<hbm>>
        tpu.wait_dma2 semaphore(%run_scoped3A : memref<!tpu.dma_semaphore, #tpu.memory_space<semaphore_mem>>) src(%arg6 : memref<128x512xf32, #tpu.memory_space<vmem>>) dst(%dma_wait3A_23 : memref<128x512xf32, #tpu.memory_space<hbm>>)
        tpu.yield
      }) : () -> ()
    }
    %scan3A_7 = arith.constant 4 : i32
    return
  }
}

#map = affine_map<(d0, d1) -> (0, 0)>
#map1 = affine_map<(d0, d1) -> (0)>
module attributes {stable_mosaic.version = 14 : i64} {
  func.func @gather_k(%arg0: i32, %arg1: i32, %arg2: memref<16384x512xf32, #tpu.memory_space<hbm>>, %arg3: memref<16384xi32, #tpu.memory_space<hbm>>, %arg4: memref<16384x512xf32, #tpu.memory_space<hbm>>, %arg5: memref<128xi32, #tpu.memory_space<vmem>>, %arg6: memref<128x512xf32, #tpu.memory_space<vmem>>, %arg7: memref<!tpu.dma_semaphore, #tpu.memory_space<semaphore_mem>>) attributes {dimension_semantics = [#tpu.dimension_semantics<core_parallel>, #tpu.dimension_semantics<subcore_parallel>], iteration_bounds = array<i64: 2, 16>, scalar_prefetch = 0 : i64, scratch_operands = 3 : i64, tpu.core_type = #tpu.core_type<sc_vector_subcore>, window_params = [{transform_indices = #map}, {transform_indices = #map1}, {transform_indices = #map}]} {
    %mul3A = arith.constant 2 : i32
    %mul3A_0 = arith.muli %arg1, %mul3A : i32
    %add3A = arith.addi %mul3A_0, %arg0 : i32
    %mul3A_1 = arith.constant 512 : i32
    %mul3A_2 = arith.muli %add3A, %mul3A_1 : i32
    %scan3A = arith.constant 0 : i32
    %scan3A_3 = arith.constant 0 : i32
    %scan3A_4 = arith.constant 4 : i32
    %scan3A_5 = arith.addi %scan3A_3, %scan3A_4 : i32
    %scan3A_6 = arith.constant 1 : i32
    scf.for %scan3A_8 = %scan3A_3 to %scan3A_5 step %scan3A_6  : i32 {
      %mul3A_9 = arith.constant 128 : i32
      %mul3A_10 = arith.muli %scan3A_8, %mul3A_9 : i32
      %add3A_11 = arith.addi %mul3A_2, %mul3A_10 : i32
      "tpu.region"() ({
        %run_scoped3A = tpu.sem_alloc : memref<!tpu.dma_semaphore, #tpu.memory_space<semaphore_mem>>
        %dma_start3A_16 = tpu.memref_slice %arg3[%add3A_11] : memref<16384xi32, #tpu.memory_space<hbm>> -> memref<128xi32, #tpu.memory_space<hbm>>
        %dma_start3A_17 = tpu.memref_slice %arg3[%add3A_11] : memref<16384xi32, #tpu.memory_space<hbm>> -> memref<128xi32, #tpu.memory_space<hbm>>
        tpu.enqueue_dma source(%dma_start3A_17 : memref<128xi32, #tpu.memory_space<hbm>>) target(%arg5 : memref<128xi32, #tpu.memory_space<vmem>>) target_semaphore(%run_scoped3A : memref<!tpu.dma_semaphore, #tpu.memory_space<semaphore_mem>>)
        %dma_wait3A_18 = tpu.memref_slice %arg3[%add3A_11] : memref<16384xi32, #tpu.memory_space<hbm>> -> memref<128xi32, #tpu.memory_space<hbm>>
        %dma_wait3A_19 = tpu.memref_slice %arg3[%add3A_11] : memref<16384xi32, #tpu.memory_space<hbm>> -> memref<128xi32, #tpu.memory_space<hbm>>
        tpu.wait_dma2 semaphore(%run_scoped3A : memref<!tpu.dma_semaphore, #tpu.memory_space<semaphore_mem>>) src(%dma_wait3A_19 : memref<128xi32, #tpu.memory_space<hbm>>) dst(%arg5 : memref<128xi32, #tpu.memory_space<vmem>>)
        tpu.yield
      }) : () -> ()
      %dma_start3A = arith.constant 0 : i32
      %dma_start3A_12 = arith.constant 0 : i32
      %dma_start3A_13 = tpu.memref_slice %arg2[%dma_start3A, %dma_start3A_12] : memref<16384x512xf32, #tpu.memory_space<hbm>> -> memref<16384x512xf32, #tpu.memory_space<hbm>>
      tpu.enqueue_indirect_dma source(%dma_start3A_13 : memref<16384x512xf32, #tpu.memory_space<hbm>>) target(%arg6 : memref<128x512xf32, #tpu.memory_space<vmem>>) offsets(%arg5 : memref<128xi32, #tpu.memory_space<vmem>>) semaphore(%arg7 : memref<!tpu.dma_semaphore, #tpu.memory_space<semaphore_mem>>)
      %dma_wait3A = arith.constant 0 : i32
      %dma_wait3A_14 = arith.constant 0 : i32
      %dma_wait3A_15 = tpu.memref_slice %arg2[%dma_wait3A, %dma_wait3A_14] : memref<16384x512xf32, #tpu.memory_space<hbm>> -> memref<16384x512xf32, #tpu.memory_space<hbm>>
      tpu.wait_indirect_dma semaphore(%arg7 : memref<!tpu.dma_semaphore, #tpu.memory_space<semaphore_mem>>) src(%dma_wait3A_15 : memref<16384x512xf32, #tpu.memory_space<hbm>>) dst(%arg6 : memref<128x512xf32, #tpu.memory_space<vmem>>)
      "tpu.region"() ({
        %run_scoped3A = tpu.sem_alloc : memref<!tpu.dma_semaphore, #tpu.memory_space<semaphore_mem>>
        %dma_start3A_16 = arith.constant 0 : i32
        %dma_start3A_17 = tpu.memref_slice %arg4[%add3A_11, %dma_start3A_16] : memref<16384x512xf32, #tpu.memory_space<hbm>> -> memref<128x512xf32, #tpu.memory_space<hbm>>
        %dma_start3A_18 = arith.constant 0 : i32
        %dma_start3A_19 = tpu.memref_slice %arg4[%add3A_11, %dma_start3A_18] : memref<16384x512xf32, #tpu.memory_space<hbm>> -> memref<128x512xf32, #tpu.memory_space<hbm>>
        tpu.enqueue_dma source(%arg6 : memref<128x512xf32, #tpu.memory_space<vmem>>) target(%dma_start3A_19 : memref<128x512xf32, #tpu.memory_space<hbm>>) target_semaphore(%run_scoped3A : memref<!tpu.dma_semaphore, #tpu.memory_space<semaphore_mem>>)
        %dma_wait3A_20 = arith.constant 0 : i32
        %dma_wait3A_21 = tpu.memref_slice %arg4[%add3A_11, %dma_wait3A_20] : memref<16384x512xf32, #tpu.memory_space<hbm>> -> memref<128x512xf32, #tpu.memory_space<hbm>>
        %dma_wait3A_22 = arith.constant 0 : i32
        %dma_wait3A_23 = tpu.memref_slice %arg4[%add3A_11, %dma_wait3A_22] : memref<16384x512xf32, #tpu.memory_space<hbm>> -> memref<128x512xf32, #tpu.memory_space<hbm>>
        tpu.wait_dma2 semaphore(%run_scoped3A : memref<!tpu.dma_semaphore, #tpu.memory_space<semaphore_mem>>) src(%arg6 : memref<128x512xf32, #tpu.memory_space<vmem>>) dst(%dma_wait3A_23 : memref<128x512xf32, #tpu.memory_space<hbm>>)
        tpu.yield
      }) : () -> ()
    }
    %scan3A_7 = arith.constant 4 : i32
    return
  }
}

#map = affine_map<(d0, d1) -> (0, 0)>
#map1 = affine_map<(d0, d1) -> (0)>
module attributes {stable_mosaic.version = 14 : i64} {
  func.func @gather_k(%arg0: i32, %arg1: i32, %arg2: memref<16384x512xf32, #tpu.memory_space<hbm>>, %arg3: memref<16384xi32, #tpu.memory_space<hbm>>, %arg4: memref<16384x512xf32, #tpu.memory_space<hbm>>, %arg5: memref<128xi32, #tpu.memory_space<vmem>>, %arg6: memref<128x512xf32, #tpu.memory_space<vmem>>, %arg7: memref<!tpu.dma_semaphore, #tpu.memory_space<semaphore_mem>>) attributes {dimension_semantics = [#tpu.dimension_semantics<core_parallel>, #tpu.dimension_semantics<subcore_parallel>], iteration_bounds = array<i64: 2, 16>, scalar_prefetch = 0 : i64, scratch_operands = 3 : i64, tpu.core_type = #tpu.core_type<sc_vector_subcore>, window_params = [{transform_indices = #map}, {transform_indices = #map1}, {transform_indices = #map}]} {
    %mul3A = arith.constant 2 : i32
    %mul3A_0 = arith.muli %arg1, %mul3A : i32
    %add3A = arith.addi %mul3A_0, %arg0 : i32
    %mul3A_1 = arith.constant 512 : i32
    %mul3A_2 = arith.muli %add3A, %mul3A_1 : i32
    %scan3A = arith.constant 0 : i32
    %scan3A_3 = arith.constant 0 : i32
    %scan3A_4 = arith.constant 4 : i32
    %scan3A_5 = arith.addi %scan3A_3, %scan3A_4 : i32
    %scan3A_6 = arith.constant 1 : i32
    scf.for %scan3A_8 = %scan3A_3 to %scan3A_5 step %scan3A_6  : i32 {
      %mul3A_9 = arith.constant 128 : i32
      %mul3A_10 = arith.muli %scan3A_8, %mul3A_9 : i32
      %add3A_11 = arith.addi %mul3A_2, %mul3A_10 : i32
      "tpu.region"() ({
        %run_scoped3A = tpu.sem_alloc : memref<!tpu.dma_semaphore, #tpu.memory_space<semaphore_mem>>
        %dma_start3A_16 = tpu.memref_slice %arg3[%add3A_11] : memref<16384xi32, #tpu.memory_space<hbm>> -> memref<128xi32, #tpu.memory_space<hbm>>
        %dma_start3A_17 = tpu.memref_slice %arg3[%add3A_11] : memref<16384xi32, #tpu.memory_space<hbm>> -> memref<128xi32, #tpu.memory_space<hbm>>
        tpu.enqueue_dma source(%dma_start3A_17 : memref<128xi32, #tpu.memory_space<hbm>>) target(%arg5 : memref<128xi32, #tpu.memory_space<vmem>>) target_semaphore(%run_scoped3A : memref<!tpu.dma_semaphore, #tpu.memory_space<semaphore_mem>>)
        %dma_wait3A_18 = tpu.memref_slice %arg3[%add3A_11] : memref<16384xi32, #tpu.memory_space<hbm>> -> memref<128xi32, #tpu.memory_space<hbm>>
        %dma_wait3A_19 = tpu.memref_slice %arg3[%add3A_11] : memref<16384xi32, #tpu.memory_space<hbm>> -> memref<128xi32, #tpu.memory_space<hbm>>
        tpu.wait_dma2 semaphore(%run_scoped3A : memref<!tpu.dma_semaphore, #tpu.memory_space<semaphore_mem>>) src(%dma_wait3A_19 : memref<128xi32, #tpu.memory_space<hbm>>) dst(%arg5 : memref<128xi32, #tpu.memory_space<vmem>>)
        tpu.yield
      }) : () -> ()
      %dma_start3A = arith.constant 0 : i32
      %dma_start3A_12 = arith.constant 0 : i32
      %dma_start3A_13 = tpu.memref_slice %arg2[%dma_start3A, %dma_start3A_12] : memref<16384x512xf32, #tpu.memory_space<hbm>> -> memref<16384x512xf32, #tpu.memory_space<hbm>>
      tpu.enqueue_indirect_dma source(%dma_start3A_13 : memref<16384x512xf32, #tpu.memory_space<hbm>>) target(%arg6 : memref<128x512xf32, #tpu.memory_space<vmem>>) offsets(%arg5 : memref<128xi32, #tpu.memory_space<vmem>>) semaphore(%arg7 : memref<!tpu.dma_semaphore, #tpu.memory_space<semaphore_mem>>)
      %dma_wait3A = arith.constant 0 : i32
      %dma_wait3A_14 = arith.constant 0 : i32
      %dma_wait3A_15 = tpu.memref_slice %arg2[%dma_wait3A, %dma_wait3A_14] : memref<16384x512xf32, #tpu.memory_space<hbm>> -> memref<16384x512xf32, #tpu.memory_space<hbm>>
      tpu.wait_indirect_dma semaphore(%arg7 : memref<!tpu.dma_semaphore, #tpu.memory_space<semaphore_mem>>) src(%dma_wait3A_15 : memref<16384x512xf32, #tpu.memory_space<hbm>>) dst(%arg6 : memref<128x512xf32, #tpu.memory_space<vmem>>)
      "tpu.region"() ({
        %run_scoped3A = tpu.sem_alloc : memref<!tpu.dma_semaphore, #tpu.memory_space<semaphore_mem>>
        %dma_start3A_16 = arith.constant 0 : i32
        %dma_start3A_17 = tpu.memref_slice %arg4[%add3A_11, %dma_start3A_16] : memref<16384x512xf32, #tpu.memory_space<hbm>> -> memref<128x512xf32, #tpu.memory_space<hbm>>
        %dma_start3A_18 = arith.constant 0 : i32
        %dma_start3A_19 = tpu.memref_slice %arg4[%add3A_11, %dma_start3A_18] : memref<16384x512xf32, #tpu.memory_space<hbm>> -> memref<128x512xf32, #tpu.memory_space<hbm>>
        tpu.enqueue_dma source(%arg6 : memref<128x512xf32, #tpu.memory_space<vmem>>) target(%dma_start3A_19 : memref<128x512xf32, #tpu.memory_space<hbm>>) target_semaphore(%run_scoped3A : memref<!tpu.dma_semaphore, #tpu.memory_space<semaphore_mem>>)
        %dma_wait3A_20 = arith.constant 0 : i32
        %dma_wait3A_21 = tpu.memref_slice %arg4[%add3A_11, %dma_wait3A_20] : memref<16384x512xf32, #tpu.memory_space<hbm>> -> memref<128x512xf32, #tpu.memory_space<hbm>>
        %dma_wait3A_22 = arith.constant 0 : i32
        %dma_wait3A_23 = tpu.memref_slice %arg4[%add3A_11, %dma_wait3A_22] : memref<16384x512xf32, #tpu.memory_space<hbm>> -> memref<128x512xf32, #tpu.memory_space<hbm>>
        tpu.wait_dma2 semaphore(%run_scoped3A : memref<!tpu.dma_semaphore, #tpu.memory_space<semaphore_mem>>) src(%arg6 : memref<128x512xf32, #tpu.memory_space<vmem>>) dst(%dma_wait3A_23 : memref<128x512xf32, #tpu.memory_space<hbm>>)
        tpu.yield
      }) : () -> ()
    }
    %scan3A_7 = arith.constant 4 : i32
    return
  }
}

#map = affine_map<(d0, d1) -> (0, 0)>
#map1 = affine_map<(d0, d1) -> (0)>
module attributes {stable_mosaic.version = 14 : i64} {
  func.func @gather_k(%arg0: i32, %arg1: i32, %arg2: memref<16384x512xf32, #tpu.memory_space<hbm>>, %arg3: memref<16384xi32, #tpu.memory_space<hbm>>, %arg4: memref<16384x512xf32, #tpu.memory_space<hbm>>, %arg5: memref<128xi32, #tpu.memory_space<vmem>>, %arg6: memref<128x512xf32, #tpu.memory_space<vmem>>, %arg7: memref<!tpu.dma_semaphore, #tpu.memory_space<semaphore_mem>>) attributes {dimension_semantics = [#tpu.dimension_semantics<core_parallel>, #tpu.dimension_semantics<subcore_parallel>], iteration_bounds = array<i64: 2, 16>, scalar_prefetch = 0 : i64, scratch_operands = 3 : i64, tpu.core_type = #tpu.core_type<sc_vector_subcore>, window_params = [{transform_indices = #map}, {transform_indices = #map1}, {transform_indices = #map}]} {
    %mul3A = arith.constant 2 : i32
    %mul3A_0 = arith.muli %arg1, %mul3A : i32
    %add3A = arith.addi %mul3A_0, %arg0 : i32
    %mul3A_1 = arith.constant 512 : i32
    %mul3A_2 = arith.muli %add3A, %mul3A_1 : i32
    %scan3A = arith.constant 0 : i32
    %scan3A_3 = arith.constant 0 : i32
    %scan3A_4 = arith.constant 4 : i32
    %scan3A_5 = arith.addi %scan3A_3, %scan3A_4 : i32
    %scan3A_6 = arith.constant 1 : i32
    scf.for %scan3A_8 = %scan3A_3 to %scan3A_5 step %scan3A_6  : i32 {
      %mul3A_9 = arith.constant 128 : i32
      %mul3A_10 = arith.muli %scan3A_8, %mul3A_9 : i32
      %add3A_11 = arith.addi %mul3A_2, %mul3A_10 : i32
      "tpu.region"() ({
        %run_scoped3A = tpu.sem_alloc : memref<!tpu.dma_semaphore, #tpu.memory_space<semaphore_mem>>
        %dma_start3A_16 = tpu.memref_slice %arg3[%add3A_11] : memref<16384xi32, #tpu.memory_space<hbm>> -> memref<128xi32, #tpu.memory_space<hbm>>
        %dma_start3A_17 = tpu.memref_slice %arg3[%add3A_11] : memref<16384xi32, #tpu.memory_space<hbm>> -> memref<128xi32, #tpu.memory_space<hbm>>
        tpu.enqueue_dma source(%dma_start3A_17 : memref<128xi32, #tpu.memory_space<hbm>>) target(%arg5 : memref<128xi32, #tpu.memory_space<vmem>>) target_semaphore(%run_scoped3A : memref<!tpu.dma_semaphore, #tpu.memory_space<semaphore_mem>>)
        %dma_wait3A_18 = tpu.memref_slice %arg3[%add3A_11] : memref<16384xi32, #tpu.memory_space<hbm>> -> memref<128xi32, #tpu.memory_space<hbm>>
        %dma_wait3A_19 = tpu.memref_slice %arg3[%add3A_11] : memref<16384xi32, #tpu.memory_space<hbm>> -> memref<128xi32, #tpu.memory_space<hbm>>
        tpu.wait_dma2 semaphore(%run_scoped3A : memref<!tpu.dma_semaphore, #tpu.memory_space<semaphore_mem>>) src(%dma_wait3A_19 : memref<128xi32, #tpu.memory_space<hbm>>) dst(%arg5 : memref<128xi32, #tpu.memory_space<vmem>>)
        tpu.yield
      }) : () -> ()
      %dma_start3A = arith.constant 0 : i32
      %dma_start3A_12 = arith.constant 0 : i32
      %dma_start3A_13 = tpu.memref_slice %arg2[%dma_start3A, %dma_start3A_12] : memref<16384x512xf32, #tpu.memory_space<hbm>> -> memref<16384x512xf32, #tpu.memory_space<hbm>>
      tpu.enqueue_indirect_dma source(%dma_start3A_13 : memref<16384x512xf32, #tpu.memory_space<hbm>>) target(%arg6 : memref<128x512xf32, #tpu.memory_space<vmem>>) offsets(%arg5 : memref<128xi32, #tpu.memory_space<vmem>>) semaphore(%arg7 : memref<!tpu.dma_semaphore, #tpu.memory_space<semaphore_mem>>)
      %dma_wait3A = arith.constant 0 : i32
      %dma_wait3A_14 = arith.constant 0 : i32
      %dma_wait3A_15 = tpu.memref_slice %arg2[%dma_wait3A, %dma_wait3A_14] : memref<16384x512xf32, #tpu.memory_space<hbm>> -> memref<16384x512xf32, #tpu.memory_space<hbm>>
      tpu.wait_indirect_dma semaphore(%arg7 : memref<!tpu.dma_semaphore, #tpu.memory_space<semaphore_mem>>) src(%dma_wait3A_15 : memref<16384x512xf32, #tpu.memory_space<hbm>>) dst(%arg6 : memref<128x512xf32, #tpu.memory_space<vmem>>)
      "tpu.region"() ({
        %run_scoped3A = tpu.sem_alloc : memref<!tpu.dma_semaphore, #tpu.memory_space<semaphore_mem>>
        %dma_start3A_16 = arith.constant 0 : i32
        %dma_start3A_17 = tpu.memref_slice %arg4[%add3A_11, %dma_start3A_16] : memref<16384x512xf32, #tpu.memory_space<hbm>> -> memref<128x512xf32, #tpu.memory_space<hbm>>
        %dma_start3A_18 = arith.constant 0 : i32
        %dma_start3A_19 = tpu.memref_slice %arg4[%add3A_11, %dma_start3A_18] : memref<16384x512xf32, #tpu.memory_space<hbm>> -> memref<128x512xf32, #tpu.memory_space<hbm>>
        tpu.enqueue_dma source(%arg6 : memref<128x512xf32, #tpu.memory_space<vmem>>) target(%dma_start3A_19 : memref<128x512xf32, #tpu.memory_space<hbm>>) target_semaphore(%run_scoped3A : memref<!tpu.dma_semaphore, #tpu.memory_space<semaphore_mem>>)
        %dma_wait3A_20 = arith.constant 0 : i32
        %dma_wait3A_21 = tpu.memref_slice %arg4[%add3A_11, %dma_wait3A_20] : memref<16384x512xf32, #tpu.memory_space<hbm>> -> memref<128x512xf32, #tpu.memory_space<hbm>>
        %dma_wait3A_22 = arith.constant 0 : i32
        %dma_wait3A_23 = tpu.memref_slice %arg4[%add3A_11, %dma_wait3A_22] : memref<16384x512xf32, #tpu.memory_space<hbm>> -> memref<128x512xf32, #tpu.memory_space<hbm>>
        tpu.wait_dma2 semaphore(%run_scoped3A : memref<!tpu.dma_semaphore, #tpu.memory_space<semaphore_mem>>) src(%arg6 : memref<128x512xf32, #tpu.memory_space<vmem>>) dst(%dma_wait3A_23 : memref<128x512xf32, #tpu.memory_space<hbm>>)
        tpu.yield
      }) : () -> ()
    }
    %scan3A_7 = arith.constant 4 : i32
    return
  }
}

module attributes {stable_mosaic.version = 14 : i64} {
  func.func @_fps_body(%arg0: memref<3x4x8x512xf32, #tpu.memory_space<vmem>>, %arg1: memref<4x8x128xf32, #tpu.memory_space<vmem>>, %arg2: memref<4x8x128xf32, #tpu.memory_space<vmem>>, %arg3: memref<4x8x128xf32, #tpu.memory_space<vmem>>) attributes {dimension_semantics = [], scalar_prefetch = 0 : i64, scratch_operands = 0 : i64, tpu.core_type = #tpu.core_type<tc>} {
    %get3A = arith.constant 0 : index
    %get3A_0 = arith.constant 0 : index
    %get3A_1 = arith.constant 0 : index
    %get3A_2 = arith.constant 0 : index
    %get3A_3 = vector.load %arg0[%get3A, %get3A_0, %get3A_1, %get3A_2] : memref<3x4x8x512xf32, #tpu.memory_space<vmem>>, vector<1x4x8x512xf32>
    %get3A_4 = vector.shape_cast %get3A_3 : vector<1x4x8x512xf32> to vector<4x8x512xf32>
    %get3A_5 = arith.constant 1 : index
    %get3A_6 = arith.constant 0 : index
    %get3A_7 = arith.constant 0 : index
    %get3A_8 = arith.constant 0 : index
    %get3A_9 = vector.load %arg0[%get3A_5, %get3A_6, %get3A_7, %get3A_8] : memref<3x4x8x512xf32, #tpu.memory_space<vmem>>, vector<1x4x8x512xf32>
    %get3A_10 = vector.shape_cast %get3A_9 : vector<1x4x8x512xf32> to vector<4x8x512xf32>
    %get3A_11 = arith.constant 2 : index
    %get3A_12 = arith.constant 0 : index
    %get3A_13 = arith.constant 0 : index
    %get3A_14 = arith.constant 0 : index
    %get3A_15 = vector.load %arg0[%get3A_11, %get3A_12, %get3A_13, %get3A_14] : memref<3x4x8x512xf32, #tpu.memory_space<vmem>>, vector<1x4x8x512xf32>
    %get3A_16 = vector.shape_cast %get3A_15 : vector<1x4x8x512xf32> to vector<4x8x512xf32>
    %iota3A = tpu.iota {dimensions = array<i32: 1>} : vector<4x8x512xi32>
    %mul3A = arith.constant 512 : i32
    %mul3A_17 = vector.broadcast %mul3A : i32 to vector<4x8x512xi32>
    %mul3A_18 = arith.muli %iota3A, %mul3A_17 : vector<4x8x512xi32>
    %iota3A_19 = tpu.iota {dimensions = array<i32: 2>} : vector<4x8x512xi32>
    %add3A = arith.addi %mul3A_18, %iota3A_19 : vector<4x8x512xi32>
    %iota3A_20 = tpu.iota {dimensions = array<i32: 1>} : vector<4x8x128xi32>
    %mul3A_21 = arith.constant 128 : i32
    %mul3A_22 = vector.broadcast %mul3A_21 : i32 to vector<4x8x128xi32>
    %mul3A_23 = arith.muli %iota3A_20, %mul3A_22 : vector<4x8x128xi32>
    %iota3A_24 = tpu.iota {dimensions = array<i32: 2>} : vector<4x8x128xi32>
    %add3A_25 = arith.addi %mul3A_23, %iota3A_24 : vector<4x8x128xi32>
    %slice3A = vector.extract_strided_slice %get3A_4 {offsets = [0, 0, 0], sizes = [4, 1, 1], strides = [1, 1, 1]} : vector<4x8x512xf32> to vector<4x1x1xf32>
    %slice3A_26 = vector.extract_strided_slice %get3A_10 {offsets = [0, 0, 0], sizes = [4, 1, 1], strides = [1, 1, 1]} : vector<4x8x512xf32> to vector<4x1x1xf32>
    %slice3A_27 = vector.extract_strided_slice %get3A_16 {offsets = [0, 0, 0], sizes = [4, 1, 1], strides = [1, 1, 1]} : vector<4x8x512xf32> to vector<4x1x1xf32>
    %sub3A = vector.broadcast %slice3A : vector<4x1x1xf32> to vector<4x8x512xf32>
    %sub3A_28 = arith.subf %get3A_4, %sub3A : vector<4x8x512xf32>
    %sub3A_29 = vector.broadcast %slice3A_26 : vector<4x1x1xf32> to vector<4x8x512xf32>
    %sub3A_30 = arith.subf %get3A_10, %sub3A_29 : vector<4x8x512xf32>
    %sub3A_31 = vector.broadcast %slice3A_27 : vector<4x1x1xf32> to vector<4x8x512xf32>
    %sub3A_32 = arith.subf %get3A_16, %sub3A_31 : vector<4x8x512xf32>
    %mul3A_33 = arith.mulf %sub3A_28, %sub3A_28 : vector<4x8x512xf32>
    %mul3A_34 = arith.mulf %sub3A_30, %sub3A_30 : vector<4x8x512xf32>
    %add3A_35 = arith.addf %mul3A_33, %mul3A_34 : vector<4x8x512xf32>
    %mul3A_36 = arith.mulf %sub3A_32, %sub3A_32 : vector<4x8x512xf32>
    %add3A_37 = arith.addf %add3A_35, %mul3A_36 : vector<4x8x512xf32>
    %eq3A = arith.constant 0 : i32
    %eq3A_38 = vector.broadcast %eq3A : i32 to vector<4x8x128xi32>
    %eq3A_39 = arith.cmpi eq, %add3A_25, %eq3A_38 : vector<4x8x128xi32>
    %jit3A = arith.constant 0.000000e+00 : f32
    %broadcast_in_dim3A = vector.shape_cast %slice3A : vector<4x1x1xf32> to vector<4x1x1xf32>
    %broadcast_in_dim3A_40 = vector.broadcast %broadcast_in_dim3A : vector<4x1x1xf32> to vector<4x8x128xf32>
    %broadcast_in_dim3A_41 = vector.broadcast %jit3A : f32 to vector<4x8x128xf32>
    %select_n3A = arith.select %eq3A_39, %broadcast_in_dim3A_40, %broadcast_in_dim3A_41 : vector<4x8x128xi1>, vector<4x8x128xf32>
    %eq3A_42 = arith.constant 0 : i32
    %eq3A_43 = vector.broadcast %eq3A_42 : i32 to vector<4x8x128xi32>
    %eq3A_44 = arith.cmpi eq, %add3A_25, %eq3A_43 : vector<4x8x128xi32>
    %jit3A_45 = arith.constant 0.000000e+00 : f32
    %broadcast_in_dim3A_46 = vector.shape_cast %slice3A_26 : vector<4x1x1xf32> to vector<4x1x1xf32>
    %broadcast_in_dim3A_47 = vector.broadcast %broadcast_in_dim3A_46 : vector<4x1x1xf32> to vector<4x8x128xf32>
    %broadcast_in_dim3A_48 = vector.broadcast %jit3A_45 : f32 to vector<4x8x128xf32>
    %select_n3A_49 = arith.select %eq3A_44, %broadcast_in_dim3A_47, %broadcast_in_dim3A_48 : vector<4x8x128xi1>, vector<4x8x128xf32>
    %eq3A_50 = arith.constant 0 : i32
    %eq3A_51 = vector.broadcast %eq3A_50 : i32 to vector<4x8x128xi32>
    %eq3A_52 = arith.cmpi eq, %add3A_25, %eq3A_51 : vector<4x8x128xi32>
    %jit3A_53 = arith.constant 0.000000e+00 : f32
    %broadcast_in_dim3A_54 = vector.shape_cast %slice3A_27 : vector<4x1x1xf32> to vector<4x1x1xf32>
    %broadcast_in_dim3A_55 = vector.broadcast %broadcast_in_dim3A_54 : vector<4x1x1xf32> to vector<4x8x128xf32>
    %broadcast_in_dim3A_56 = vector.broadcast %jit3A_53 : f32 to vector<4x8x128xf32>
    %select_n3A_57 = arith.select %eq3A_52, %broadcast_in_dim3A_55, %broadcast_in_dim3A_56 : vector<4x8x128xi1>, vector<4x8x128xf32>
    %reduce_max3A = arith.constant dense<0xFF800000> : vector<4x8xf32>
    %reduce_max3A_58 = vector.multi_reduction <maximumf>, %add3A_37, %reduce_max3A [2] : vector<4x8x512xf32> to vector<4x8xf32>
    %broadcast_in_dim3A_59 = vector.shape_cast %reduce_max3A_58 : vector<4x8xf32> to vector<4x8x1xf32>
    %reduce_max3A_60 = arith.constant dense<0xFF800000> : vector<4x1xf32>
    %reduce_max3A_61 = vector.multi_reduction <maximumf>, %broadcast_in_dim3A_59, %reduce_max3A_60 [1] : vector<4x8x1xf32> to vector<4x1xf32>
    %broadcast_in_dim3A_62 = vector.shape_cast %reduce_max3A_61 : vector<4x1xf32> to vector<4x1x1xf32>
    %eq3A_63 = vector.broadcast %broadcast_in_dim3A_62 : vector<4x1x1xf32> to vector<4x8x512xf32>
    %eq3A_64 = arith.cmpf oeq, %add3A_37, %eq3A_63 : vector<4x8x512xf32>
    %jit3A_65 = arith.constant 4096 : i32
    %broadcast_in_dim3A_66 = vector.broadcast %jit3A_65 : i32 to vector<4x8x512xi32>
    %select_n3A_67 = arith.select %eq3A_64, %add3A, %broadcast_in_dim3A_66 : vector<4x8x512xi1>, vector<4x8x512xi32>
    %reduce_min3A = arith.constant dense<2147483647> : vector<4x8xi32>
    %reduce_min3A_68 = vector.multi_reduction <minsi>, %select_n3A_67, %reduce_min3A [2] : vector<4x8x512xi32> to vector<4x8xi32>
    %broadcast_in_dim3A_69 = vector.shape_cast %reduce_min3A_68 : vector<4x8xi32> to vector<4x8x1xi32>
    %reduce_min3A_70 = arith.constant dense<2147483647> : vector<4x1xi32>
    %reduce_min3A_71 = vector.multi_reduction <minsi>, %broadcast_in_dim3A_69, %reduce_min3A_70 [1] : vector<4x8x1xi32> to vector<4x1xi32>
    %broadcast_in_dim3A_72 = vector.shape_cast %reduce_min3A_71 : vector<4x1xi32> to vector<4x1x1xi32>
    %eq3A_73 = vector.broadcast %broadcast_in_dim3A_72 : vector<4x1x1xi32> to vector<4x8x512xi32>
    %eq3A_74 = arith.cmpi eq, %add3A, %eq3A_73 : vector<4x8x512xi32>
    %jit3A_75 = arith.constant 0.000000e+00 : f32
    %broadcast_in_dim3A_76 = vector.broadcast %jit3A_75 : f32 to vector<4x8x512xf32>
    %select_n3A_77 = arith.select %eq3A_74, %get3A_4, %broadcast_in_dim3A_76 : vector<4x8x512xi1>, vector<4x8x512xf32>
    %reduce_sum3A = arith.constant dense<0.000000e+00> : vector<4x8xf32>
    %reduce_sum3A_78 = vector.multi_reduction <add>, %select_n3A_77, %reduce_sum3A [2] : vector<4x8x512xf32> to vector<4x8xf32>
    %broadcast_in_dim3A_79 = vector.shape_cast %reduce_sum3A_78 : vector<4x8xf32> to vector<4x8x1xf32>
    %reduce_sum3A_80 = arith.constant dense<0.000000e+00> : vector<4x1xf32>
    %reduce_sum3A_81 = vector.multi_reduction <add>, %broadcast_in_dim3A_79, %reduce_sum3A_80 [1] : vector<4x8x1xf32> to vector<4x1xf32>
    %broadcast_in_dim3A_82 = vector.shape_cast %reduce_sum3A_81 : vector<4x1xf32> to vector<4x1x1xf32>
    %jit3A_83 = arith.constant 0.000000e+00 : f32
    %broadcast_in_dim3A_84 = vector.broadcast %jit3A_83 : f32 to vector<4x8x512xf32>
    %select_n3A_85 = arith.select %eq3A_74, %get3A_10, %broadcast_in_dim3A_84 : vector<4x8x512xi1>, vector<4x8x512xf32>
    %reduce_sum3A_86 = arith.constant dense<0.000000e+00> : vector<4x8xf32>
    %reduce_sum3A_87 = vector.multi_reduction <add>, %select_n3A_85, %reduce_sum3A_86 [2] : vector<4x8x512xf32> to vector<4x8xf32>
    %broadcast_in_dim3A_88 = vector.shape_cast %reduce_sum3A_87 : vector<4x8xf32> to vector<4x8x1xf32>
    %reduce_sum3A_89 = arith.constant dense<0.000000e+00> : vector<4x1xf32>
    %reduce_sum3A_90 = vector.multi_reduction <add>, %broadcast_in_dim3A_88, %reduce_sum3A_89 [1] : vector<4x8x1xf32> to vector<4x1xf32>
    %broadcast_in_dim3A_91 = vector.shape_cast %reduce_sum3A_90 : vector<4x1xf32> to vector<4x1x1xf32>
    %jit3A_92 = arith.constant 0.000000e+00 : f32
    %broadcast_in_dim3A_93 = vector.broadcast %jit3A_92 : f32 to vector<4x8x512xf32>
    %select_n3A_94 = arith.select %eq3A_74, %get3A_16, %broadcast_in_dim3A_93 : vector<4x8x512xi1>, vector<4x8x512xf32>
    %reduce_sum3A_95 = arith.constant dense<0.000000e+00> : vector<4x8xf32>
    %reduce_sum3A_96 = vector.multi_reduction <add>, %select_n3A_94, %reduce_sum3A_95 [2] : vector<4x8x512xf32> to vector<4x8xf32>
    %broadcast_in_dim3A_97 = vector.shape_cast %reduce_sum3A_96 : vector<4x8xf32> to vector<4x8x1xf32>
    %reduce_sum3A_98 = arith.constant dense<0.000000e+00> : vector<4x1xf32>
    %reduce_sum3A_99 = vector.multi_reduction <add>, %broadcast_in_dim3A_97, %reduce_sum3A_98 [1] : vector<4x8x1xf32> to vector<4x1xf32>
    %broadcast_in_dim3A_100 = vector.shape_cast %reduce_sum3A_99 : vector<4x1xf32> to vector<4x1x1xf32>
    %sub3A_101 = vector.broadcast %broadcast_in_dim3A_82 : vector<4x1x1xf32> to vector<4x8x512xf32>
    %sub3A_102 = arith.subf %get3A_4, %sub3A_101 : vector<4x8x512xf32>
    %sub3A_103 = vector.broadcast %broadcast_in_dim3A_91 : vector<4x1x1xf32> to vector<4x8x512xf32>
    %sub3A_104 = arith.subf %get3A_10, %sub3A_103 : vector<4x8x512xf32>
    %sub3A_105 = vector.broadcast %broadcast_in_dim3A_100 : vector<4x1x1xf32> to vector<4x8x512xf32>
    %sub3A_106 = arith.subf %get3A_16, %sub3A_105 : vector<4x8x512xf32>
    %mul3A_107 = arith.mulf %sub3A_102, %sub3A_102 : vector<4x8x512xf32>
    %mul3A_108 = arith.mulf %sub3A_104, %sub3A_104 : vector<4x8x512xf32>
    %add3A_109 = arith.addf %mul3A_107, %mul3A_108 : vector<4x8x512xf32>
    %mul3A_110 = arith.mulf %sub3A_106, %sub3A_106 : vector<4x8x512xf32>
    %add3A_111 = arith.addf %add3A_109, %mul3A_110 : vector<4x8x512xf32>
    %min3A = arith.minimumf %add3A_37, %add3A_111 : vector<4x8x512xf32>
    %eq3A_112 = arith.constant 1 : i32
    %eq3A_113 = vector.broadcast %eq3A_112 : i32 to vector<4x8x128xi32>
    %eq3A_114 = arith.cmpi eq, %add3A_25, %eq3A_113 : vector<4x8x128xi32>
    %broadcast_in_dim3A_115 = vector.shape_cast %broadcast_in_dim3A_82 : vector<4x1x1xf32> to vector<4x1x1xf32>
    %broadcast_in_dim3A_116 = vector.broadcast %broadcast_in_dim3A_115 : vector<4x1x1xf32> to vector<4x8x128xf32>
    %select_n3A_117 = arith.select %eq3A_114, %broadcast_in_dim3A_116, %select_n3A : vector<4x8x128xi1>, vector<4x8x128xf32>
    %eq3A_118 = arith.constant 1 : i32
    %eq3A_119 = vector.broadcast %eq3A_118 : i32 to vector<4x8x128xi32>
    %eq3A_120 = arith.cmpi eq, %add3A_25, %eq3A_119 : vector<4x8x128xi32>
    %broadcast_in_dim3A_121 = vector.shape_cast %broadcast_in_dim3A_91 : vector<4x1x1xf32> to vector<4x1x1xf32>
    %broadcast_in_dim3A_122 = vector.broadcast %broadcast_in_dim3A_121 : vector<4x1x1xf32> to vector<4x8x128xf32>
    %select_n3A_123 = arith.select %eq3A_120, %broadcast_in_dim3A_122, %select_n3A_49 : vector<4x8x128xi1>, vector<4x8x128xf32>
    %eq3A_124 = arith.constant 1 : i32
    %eq3A_125 = vector.broadcast %eq3A_124 : i32 to vector<4x8x128xi32>
    %eq3A_126 = arith.cmpi eq, %add3A_25, %eq3A_125 : vector<4x8x128xi32>
    %broadcast_in_dim3A_127 = vector.shape_cast %broadcast_in_dim3A_100 : vector<4x1x1xf32> to vector<4x1x1xf32>
    %broadcast_in_dim3A_128 = vector.broadcast %broadcast_in_dim3A_127 : vector<4x1x1xf32> to vector<4x8x128xf32>
    %select_n3A_129 = arith.select %eq3A_126, %broadcast_in_dim3A_128, %select_n3A_57 : vector<4x8x128xi1>, vector<4x8x128xf32>
    %scan3A = arith.constant 0 : i32
    %scan3A_130 = arith.constant 511 : i32
    %scan3A_131 = arith.addi %scan3A, %scan3A_130 : i32
    %scan3A_132 = arith.constant 1 : i32
    %scan3A_133:4 = scf.for %scan3A_146 = %scan3A to %scan3A_131 step %scan3A_132 iter_args(%scan3A_147 = %min3A, %scan3A_148 = %select_n3A_117, %scan3A_149 = %select_n3A_123, %scan3A_150 = %select_n3A_129) -> (vector<4x8x512xf32>, vector<4x8x128xf32>, vector<4x8x128xf32>, vector<4x8x128xf32>)  : i32 {
      %mul3A_151 = arith.constant 2 : i32
      %mul3A_152 = arith.muli %mul3A_151, %scan3A_146 : i32
      %add3A_153 = arith.constant 2 : i32
      %add3A_154 = arith.addi %add3A_153, %mul3A_152 : i32
      %reduce_max3A_155 = arith.constant dense<0xFF800000> : vector<4x8xf32>
      %reduce_max3A_156 = vector.multi_reduction <maximumf>, %scan3A_147, %reduce_max3A_155 [2] : vector<4x8x512xf32> to vector<4x8xf32>
      %broadcast_in_dim3A_157 = vector.shape_cast %reduce_max3A_156 : vector<4x8xf32> to vector<4x8x1xf32>
      %reduce_max3A_158 = arith.constant dense<0xFF800000> : vector<4x1xf32>
      %reduce_max3A_159 = vector.multi_reduction <maximumf>, %broadcast_in_dim3A_157, %reduce_max3A_158 [1] : vector<4x8x1xf32> to vector<4x1xf32>
      %broadcast_in_dim3A_160 = vector.shape_cast %reduce_max3A_159 : vector<4x1xf32> to vector<4x1x1xf32>
      %eq3A_161 = vector.broadcast %broadcast_in_dim3A_160 : vector<4x1x1xf32> to vector<4x8x512xf32>
      %eq3A_162 = arith.cmpf oeq, %scan3A_147, %eq3A_161 : vector<4x8x512xf32>
      %jit3A_163 = arith.constant 4096 : i32
      %broadcast_in_dim3A_164 = vector.broadcast %jit3A_163 : i32 to vector<4x8x512xi32>
      %select_n3A_165 = arith.select %eq3A_162, %add3A, %broadcast_in_dim3A_164 : vector<4x8x512xi1>, vector<4x8x512xi32>
      %reduce_min3A_166 = arith.constant dense<2147483647> : vector<4x8xi32>
      %reduce_min3A_167 = vector.multi_reduction <minsi>, %select_n3A_165, %reduce_min3A_166 [2] : vector<4x8x512xi32> to vector<4x8xi32>
      %broadcast_in_dim3A_168 = vector.shape_cast %reduce_min3A_167 : vector<4x8xi32> to vector<4x8x1xi32>
      %reduce_min3A_169 = arith.constant dense<2147483647> : vector<4x1xi32>
      %reduce_min3A_170 = vector.multi_reduction <minsi>, %broadcast_in_dim3A_168, %reduce_min3A_169 [1] : vector<4x8x1xi32> to vector<4x1xi32>
      %broadcast_in_dim3A_171 = vector.shape_cast %reduce_min3A_170 : vector<4x1xi32> to vector<4x1x1xi32>
      %eq3A_172 = vector.broadcast %broadcast_in_dim3A_171 : vector<4x1x1xi32> to vector<4x8x512xi32>
      %eq3A_173 = arith.cmpi eq, %add3A, %eq3A_172 : vector<4x8x512xi32>
      %jit3A_174 = arith.constant 0.000000e+00 : f32
      %broadcast_in_dim3A_175 = vector.broadcast %jit3A_174 : f32 to vector<4x8x512xf32>
      %select_n3A_176 = arith.select %eq3A_173, %get3A_4, %broadcast_in_dim3A_175 : vector<4x8x512xi1>, vector<4x8x512xf32>
      %reduce_sum3A_177 = arith.constant dense<0.000000e+00> : vector<4x8xf32>
      %reduce_sum3A_178 = vector.multi_reduction <add>, %select_n3A_176, %reduce_sum3A_177 [2] : vector<4x8x512xf32> to vector<4x8xf32>
      %broadcast_in_dim3A_179 = vector.shape_cast %reduce_sum3A_178 : vector<4x8xf32> to vector<4x8x1xf32>
      %reduce_sum3A_180 = arith.constant dense<0.000000e+00> : vector<4x1xf32>
      %reduce_sum3A_181 = vector.multi_reduction <add>, %broadcast_in_dim3A_179, %reduce_sum3A_180 [1] : vector<4x8x1xf32> to vector<4x1xf32>
      %broadcast_in_dim3A_182 = vector.shape_cast %reduce_sum3A_181 : vector<4x1xf32> to vector<4x1x1xf32>
      %jit3A_183 = arith.constant 0.000000e+00 : f32
      %broadcast_in_dim3A_184 = vector.broadcast %jit3A_183 : f32 to vector<4x8x512xf32>
      %select_n3A_185 = arith.select %eq3A_173, %get3A_10, %broadcast_in_dim3A_184 : vector<4x8x512xi1>, vector<4x8x512xf32>
      %reduce_sum3A_186 = arith.constant dense<0.000000e+00> : vector<4x8xf32>
      %reduce_sum3A_187 = vector.multi_reduction <add>, %select_n3A_185, %reduce_sum3A_186 [2] : vector<4x8x512xf32> to vector<4x8xf32>
      %broadcast_in_dim3A_188 = vector.shape_cast %reduce_sum3A_187 : vector<4x8xf32> to vector<4x8x1xf32>
      %reduce_sum3A_189 = arith.constant dense<0.000000e+00> : vector<4x1xf32>
      %reduce_sum3A_190 = vector.multi_reduction <add>, %broadcast_in_dim3A_188, %reduce_sum3A_189 [1] : vector<4x8x1xf32> to vector<4x1xf32>
      %broadcast_in_dim3A_191 = vector.shape_cast %reduce_sum3A_190 : vector<4x1xf32> to vector<4x1x1xf32>
      %jit3A_192 = arith.constant 0.000000e+00 : f32
      %broadcast_in_dim3A_193 = vector.broadcast %jit3A_192 : f32 to vector<4x8x512xf32>
      %select_n3A_194 = arith.select %eq3A_173, %get3A_16, %broadcast_in_dim3A_193 : vector<4x8x512xi1>, vector<4x8x512xf32>
      %reduce_sum3A_195 = arith.constant dense<0.000000e+00> : vector<4x8xf32>
      %reduce_sum3A_196 = vector.multi_reduction <add>, %select_n3A_194, %reduce_sum3A_195 [2] : vector<4x8x512xf32> to vector<4x8xf32>
      %broadcast_in_dim3A_197 = vector.shape_cast %reduce_sum3A_196 : vector<4x8xf32> to vector<4x8x1xf32>
      %reduce_sum3A_198 = arith.constant dense<0.000000e+00> : vector<4x1xf32>
      %reduce_sum3A_199 = vector.multi_reduction <add>, %broadcast_in_dim3A_197, %reduce_sum3A_198 [1] : vector<4x8x1xf32> to vector<4x1xf32>
      %broadcast_in_dim3A_200 = vector.shape_cast %reduce_sum3A_199 : vector<4x1xf32> to vector<4x1x1xf32>
      %sub3A_201 = vector.broadcast %broadcast_in_dim3A_182 : vector<4x1x1xf32> to vector<4x8x512xf32>
      %sub3A_202 = arith.subf %get3A_4, %sub3A_201 : vector<4x8x512xf32>
      %sub3A_203 = vector.broadcast %broadcast_in_dim3A_191 : vector<4x1x1xf32> to vector<4x8x512xf32>
      %sub3A_204 = arith.subf %get3A_10, %sub3A_203 : vector<4x8x512xf32>
      %sub3A_205 = vector.broadcast %broadcast_in_dim3A_200 : vector<4x1x1xf32> to vector<4x8x512xf32>
      %sub3A_206 = arith.subf %get3A_16, %sub3A_205 : vector<4x8x512xf32>
      %mul3A_207 = arith.mulf %sub3A_202, %sub3A_202 : vector<4x8x512xf32>
      %mul3A_208 = arith.mulf %sub3A_204, %sub3A_204 : vector<4x8x512xf32>
      %add3A_209 = arith.addf %mul3A_207, %mul3A_208 : vector<4x8x512xf32>
      %mul3A_210 = arith.mulf %sub3A_206, %sub3A_206 : vector<4x8x512xf32>
      %add3A_211 = arith.addf %add3A_209, %mul3A_210 : vector<4x8x512xf32>
      %min3A_212 = arith.minimumf %scan3A_147, %add3A_211 : vector<4x8x512xf32>
      %eq3A_213 = vector.broadcast %add3A_154 : i32 to vector<4x8x128xi32>
      %eq3A_214 = arith.cmpi eq, %add3A_25, %eq3A_213 : vector<4x8x128xi32>
      %broadcast_in_dim3A_215 = vector.shape_cast %broadcast_in_dim3A_182 : vector<4x1x1xf32> to vector<4x1x1xf32>
      %broadcast_in_dim3A_216 = vector.broadcast %broadcast_in_dim3A_215 : vector<4x1x1xf32> to vector<4x8x128xf32>
      %select_n3A_217 = arith.select %eq3A_214, %broadcast_in_dim3A_216, %scan3A_148 : vector<4x8x128xi1>, vector<4x8x128xf32>
      %eq3A_218 = vector.broadcast %add3A_154 : i32 to vector<4x8x128xi32>
      %eq3A_219 = arith.cmpi eq, %add3A_25, %eq3A_218 : vector<4x8x128xi32>
      %broadcast_in_dim3A_220 = vector.shape_cast %broadcast_in_dim3A_191 : vector<4x1x1xf32> to vector<4x1x1xf32>
      %broadcast_in_dim3A_221 = vector.broadcast %broadcast_in_dim3A_220 : vector<4x1x1xf32> to vector<4x8x128xf32>
      %select_n3A_222 = arith.select %eq3A_219, %broadcast_in_dim3A_221, %scan3A_149 : vector<4x8x128xi1>, vector<4x8x128xf32>
      %eq3A_223 = vector.broadcast %add3A_154 : i32 to vector<4x8x128xi32>
      %eq3A_224 = arith.cmpi eq, %add3A_25, %eq3A_223 : vector<4x8x128xi32>
      %broadcast_in_dim3A_225 = vector.shape_cast %broadcast_in_dim3A_200 : vector<4x1x1xf32> to vector<4x1x1xf32>
      %broadcast_in_dim3A_226 = vector.broadcast %broadcast_in_dim3A_225 : vector<4x1x1xf32> to vector<4x8x128xf32>
      %select_n3A_227 = arith.select %eq3A_224, %broadcast_in_dim3A_226, %scan3A_150 : vector<4x8x128xi1>, vector<4x8x128xf32>
      %mul3A_228 = arith.constant 2 : i32
      %mul3A_229 = arith.muli %mul3A_228, %scan3A_146 : i32
      %add3A_230 = arith.constant 3 : i32
      %add3A_231 = arith.addi %add3A_230, %mul3A_229 : i32
      %reduce_max3A_232 = arith.constant dense<0xFF800000> : vector<4x8xf32>
      %reduce_max3A_233 = vector.multi_reduction <maximumf>, %min3A_212, %reduce_max3A_232 [2] : vector<4x8x512xf32> to vector<4x8xf32>
      %broadcast_in_dim3A_234 = vector.shape_cast %reduce_max3A_233 : vector<4x8xf32> to vector<4x8x1xf32>
      %reduce_max3A_235 = arith.constant dense<0xFF800000> : vector<4x1xf32>
      %reduce_max3A_236 = vector.multi_reduction <maximumf>, %broadcast_in_dim3A_234, %reduce_max3A_235 [1] : vector<4x8x1xf32> to vector<4x1xf32>
      %broadcast_in_dim3A_237 = vector.shape_cast %reduce_max3A_236 : vector<4x1xf32> to vector<4x1x1xf32>
      %eq3A_238 = vector.broadcast %broadcast_in_dim3A_237 : vector<4x1x1xf32> to vector<4x8x512xf32>
      %eq3A_239 = arith.cmpf oeq, %min3A_212, %eq3A_238 : vector<4x8x512xf32>
      %jit3A_240 = arith.constant 4096 : i32
      %broadcast_in_dim3A_241 = vector.broadcast %jit3A_240 : i32 to vector<4x8x512xi32>
      %select_n3A_242 = arith.select %eq3A_239, %add3A, %broadcast_in_dim3A_241 : vector<4x8x512xi1>, vector<4x8x512xi32>
      %reduce_min3A_243 = arith.constant dense<2147483647> : vector<4x8xi32>
      %reduce_min3A_244 = vector.multi_reduction <minsi>, %select_n3A_242, %reduce_min3A_243 [2] : vector<4x8x512xi32> to vector<4x8xi32>
      %broadcast_in_dim3A_245 = vector.shape_cast %reduce_min3A_244 : vector<4x8xi32> to vector<4x8x1xi32>
      %reduce_min3A_246 = arith.constant dense<2147483647> : vector<4x1xi32>
      %reduce_min3A_247 = vector.multi_reduction <minsi>, %broadcast_in_dim3A_245, %reduce_min3A_246 [1] : vector<4x8x1xi32> to vector<4x1xi32>
      %broadcast_in_dim3A_248 = vector.shape_cast %reduce_min3A_247 : vector<4x1xi32> to vector<4x1x1xi32>
      %eq3A_249 = vector.broadcast %broadcast_in_dim3A_248 : vector<4x1x1xi32> to vector<4x8x512xi32>
      %eq3A_250 = arith.cmpi eq, %add3A, %eq3A_249 : vector<4x8x512xi32>
      %jit3A_251 = arith.constant 0.000000e+00 : f32
      %broadcast_in_dim3A_252 = vector.broadcast %jit3A_251 : f32 to vector<4x8x512xf32>
      %select_n3A_253 = arith.select %eq3A_250, %get3A_4, %broadcast_in_dim3A_252 : vector<4x8x512xi1>, vector<4x8x512xf32>
      %reduce_sum3A_254 = arith.constant dense<0.000000e+00> : vector<4x8xf32>
      %reduce_sum3A_255 = vector.multi_reduction <add>, %select_n3A_253, %reduce_sum3A_254 [2] : vector<4x8x512xf32> to vector<4x8xf32>
      %broadcast_in_dim3A_256 = vector.shape_cast %reduce_sum3A_255 : vector<4x8xf32> to vector<4x8x1xf32>
      %reduce_sum3A_257 = arith.constant dense<0.000000e+00> : vector<4x1xf32>
      %reduce_sum3A_258 = vector.multi_reduction <add>, %broadcast_in_dim3A_256, %reduce_sum3A_257 [1] : vector<4x8x1xf32> to vector<4x1xf32>
      %broadcast_in_dim3A_259 = vector.shape_cast %reduce_sum3A_258 : vector<4x1xf32> to vector<4x1x1xf32>
      %jit3A_260 = arith.constant 0.000000e+00 : f32
      %broadcast_in_dim3A_261 = vector.broadcast %jit3A_260 : f32 to vector<4x8x512xf32>
      %select_n3A_262 = arith.select %eq3A_250, %get3A_10, %broadcast_in_dim3A_261 : vector<4x8x512xi1>, vector<4x8x512xf32>
      %reduce_sum3A_263 = arith.constant dense<0.000000e+00> : vector<4x8xf32>
      %reduce_sum3A_264 = vector.multi_reduction <add>, %select_n3A_262, %reduce_sum3A_263 [2] : vector<4x8x512xf32> to vector<4x8xf32>
      %broadcast_in_dim3A_265 = vector.shape_cast %reduce_sum3A_264 : vector<4x8xf32> to vector<4x8x1xf32>
      %reduce_sum3A_266 = arith.constant dense<0.000000e+00> : vector<4x1xf32>
      %reduce_sum3A_267 = vector.multi_reduction <add>, %broadcast_in_dim3A_265, %reduce_sum3A_266 [1] : vector<4x8x1xf32> to vector<4x1xf32>
      %broadcast_in_dim3A_268 = vector.shape_cast %reduce_sum3A_267 : vector<4x1xf32> to vector<4x1x1xf32>
      %jit3A_269 = arith.constant 0.000000e+00 : f32
      %broadcast_in_dim3A_270 = vector.broadcast %jit3A_269 : f32 to vector<4x8x512xf32>
      %select_n3A_271 = arith.select %eq3A_250, %get3A_16, %broadcast_in_dim3A_270 : vector<4x8x512xi1>, vector<4x8x512xf32>
      %reduce_sum3A_272 = arith.constant dense<0.000000e+00> : vector<4x8xf32>
      %reduce_sum3A_273 = vector.multi_reduction <add>, %select_n3A_271, %reduce_sum3A_272 [2] : vector<4x8x512xf32> to vector<4x8xf32>
      %broadcast_in_dim3A_274 = vector.shape_cast %reduce_sum3A_273 : vector<4x8xf32> to vector<4x8x1xf32>
      %reduce_sum3A_275 = arith.constant dense<0.000000e+00> : vector<4x1xf32>
      %reduce_sum3A_276 = vector.multi_reduction <add>, %broadcast_in_dim3A_274, %reduce_sum3A_275 [1] : vector<4x8x1xf32> to vector<4x1xf32>
      %broadcast_in_dim3A_277 = vector.shape_cast %reduce_sum3A_276 : vector<4x1xf32> to vector<4x1x1xf32>
      %sub3A_278 = vector.broadcast %broadcast_in_dim3A_259 : vector<4x1x1xf32> to vector<4x8x512xf32>
      %sub3A_279 = arith.subf %get3A_4, %sub3A_278 : vector<4x8x512xf32>
      %sub3A_280 = vector.broadcast %broadcast_in_dim3A_268 : vector<4x1x1xf32> to vector<4x8x512xf32>
      %sub3A_281 = arith.subf %get3A_10, %sub3A_280 : vector<4x8x512xf32>
      %sub3A_282 = vector.broadcast %broadcast_in_dim3A_277 : vector<4x1x1xf32> to vector<4x8x512xf32>
      %sub3A_283 = arith.subf %get3A_16, %sub3A_282 : vector<4x8x512xf32>
      %mul3A_284 = arith.mulf %sub3A_279, %sub3A_279 : vector<4x8x512xf32>
      %mul3A_285 = arith.mulf %sub3A_281, %sub3A_281 : vector<4x8x512xf32>
      %add3A_286 = arith.addf %mul3A_284, %mul3A_285 : vector<4x8x512xf32>
      %mul3A_287 = arith.mulf %sub3A_283, %sub3A_283 : vector<4x8x512xf32>
      %add3A_288 = arith.addf %add3A_286, %mul3A_287 : vector<4x8x512xf32>
      %min3A_289 = arith.minimumf %min3A_212, %add3A_288 : vector<4x8x512xf32>
      %eq3A_290 = vector.broadcast %add3A_231 : i32 to vector<4x8x128xi32>
      %eq3A_291 = arith.cmpi eq, %add3A_25, %eq3A_290 : vector<4x8x128xi32>
      %broadcast_in_dim3A_292 = vector.shape_cast %broadcast_in_dim3A_259 : vector<4x1x1xf32> to vector<4x1x1xf32>
      %broadcast_in_dim3A_293 = vector.broadcast %broadcast_in_dim3A_292 : vector<4x1x1xf32> to vector<4x8x128xf32>
      %select_n3A_294 = arith.select %eq3A_291, %broadcast_in_dim3A_293, %select_n3A_217 : vector<4x8x128xi1>, vector<4x8x128xf32>
      %eq3A_295 = vector.broadcast %add3A_231 : i32 to vector<4x8x128xi32>
      %eq3A_296 = arith.cmpi eq, %add3A_25, %eq3A_295 : vector<4x8x128xi32>
      %broadcast_in_dim3A_297 = vector.shape_cast %broadcast_in_dim3A_268 : vector<4x1x1xf32> to vector<4x1x1xf32>
      %broadcast_in_dim3A_298 = vector.broadcast %broadcast_in_dim3A_297 : vector<4x1x1xf32> to vector<4x8x128xf32>
      %select_n3A_299 = arith.select %eq3A_296, %broadcast_in_dim3A_298, %select_n3A_222 : vector<4x8x128xi1>, vector<4x8x128xf32>
      %eq3A_300 = vector.broadcast %add3A_231 : i32 to vector<4x8x128xi32>
      %eq3A_301 = arith.cmpi eq, %add3A_25, %eq3A_300 : vector<4x8x128xi32>
      %broadcast_in_dim3A_302 = vector.shape_cast %broadcast_in_dim3A_277 : vector<4x1x1xf32> to vector<4x1x1xf32>
      %broadcast_in_dim3A_303 = vector.broadcast %broadcast_in_dim3A_302 : vector<4x1x1xf32> to vector<4x8x128xf32>
      %select_n3A_304 = arith.select %eq3A_301, %broadcast_in_dim3A_303, %select_n3A_227 : vector<4x8x128xi1>, vector<4x8x128xf32>
      scf.yield %min3A_289, %select_n3A_294, %select_n3A_299, %select_n3A_304 : vector<4x8x512xf32>, vector<4x8x128xf32>, vector<4x8x128xf32>, vector<4x8x128xf32>
    }
    %scan3A_134 = arith.constant 511 : i32
    %swap3A = arith.constant 0 : index
    %swap3A_135 = arith.constant 0 : index
    %swap3A_136 = arith.constant 0 : index
    %swap3A_137 = vector.load %arg1[%swap3A, %swap3A_135, %swap3A_136] : memref<4x8x128xf32, #tpu.memory_space<vmem>>, vector<4x8x128xf32>
    tpu.vector_store %arg1[%swap3A, %swap3A_135, %swap3A_136], %scan3A_133#1 {strides = array<i32>} : memref<4x8x128xf32, #tpu.memory_space<vmem>>, vector<4x8x128xf32>,
    %swap3A_138 = arith.constant 0 : index
    %swap3A_139 = arith.constant 0 : index
    %swap3A_140 = arith.constant 0 : index
    %swap3A_141 = vector.load %arg2[%swap3A_138, %swap3A_139, %swap3A_140] : memref<4x8x128xf32, #tpu.memory_space<vmem>>, vector<4x8x128xf32>
    tpu.vector_store %arg2[%swap3A_138, %swap3A_139, %swap3A_140], %scan3A_133#2 {strides = array<i32>} : memref<4x8x128xf32, #tpu.memory_space<vmem>>, vector<4x8x128xf32>,
    %swap3A_142 = arith.constant 0 : index
    %swap3A_143 = arith.constant 0 : index
    %swap3A_144 = arith.constant 0 : index
    %swap3A_145 = vector.load %arg3[%swap3A_142, %swap3A_143, %swap3A_144] : memref<4x8x128xf32, #tpu.memory_space<vmem>>, vector<4x8x128xf32>
    tpu.vector_store %arg3[%swap3A_142, %swap3A_143, %swap3A_144], %scan3A_133#3 {strides = array<i32>} : memref<4x8x128xf32, #tpu.memory_space<vmem>>, vector<4x8x128xf32>,
    return
  }
}

module attributes {stable_mosaic.version = 14 : i64} {
  func.func @_knn_body(%arg0: i32, %arg1: i32, %arg2: memref<1x128x1xf32, #tpu.memory_space<vmem>>, %arg3: memref<1x128x1xf32, #tpu.memory_space<vmem>>, %arg4: memref<1x128x1xf32, #tpu.memory_space<vmem>>, %arg5: memref<1x3x4096xf32, #tpu.memory_space<vmem>>, %arg6: memref<1x128x16xi32, #tpu.memory_space<vmem>>) attributes {dimension_semantics = [#tpu.dimension_semantics<parallel>, #tpu.dimension_semantics<parallel>], iteration_bounds = array<i64: 4, 8>, scalar_prefetch = 0 : i64, scratch_operands = 0 : i64, tpu.core_type = #tpu.core_type<tc>, window_params = [{transform_indices = @transform_0, window_bounds = array<i64: 1, 128, 1>}, {transform_indices = @transform_1, window_bounds = array<i64: 1, 128, 1>}, {transform_indices = @transform_2, window_bounds = array<i64: 1, 128, 1>}, {transform_indices = @transform_3, window_bounds = array<i64: 1, 3, 4096>}, {transform_indices = @transform_4, window_bounds = array<i64: 1, 128, 16>}]} {
    %get3A = arith.constant 0 : index
    %get3A_0 = arith.constant 0 : index
    %get3A_1 = arith.constant 0 : index
    %get3A_2 = vector.load %arg5[%get3A, %get3A_0, %get3A_1] : memref<1x3x4096xf32, #tpu.memory_space<vmem>>, vector<1x1x4096xf32>
    %get3A_3 = vector.shape_cast %get3A_2 : vector<1x1x4096xf32> to vector<1x4096xf32>
    %get3A_4 = arith.constant 0 : index
    %get3A_5 = arith.constant 1 : index
    %get3A_6 = arith.constant 0 : index
    %get3A_7 = vector.load %arg5[%get3A_4, %get3A_5, %get3A_6] : memref<1x3x4096xf32, #tpu.memory_space<vmem>>, vector<1x1x4096xf32>
    %get3A_8 = vector.shape_cast %get3A_7 : vector<1x1x4096xf32> to vector<1x4096xf32>
    %get3A_9 = arith.constant 0 : index
    %get3A_10 = arith.constant 2 : index
    %get3A_11 = arith.constant 0 : index
    %get3A_12 = vector.load %arg5[%get3A_9, %get3A_10, %get3A_11] : memref<1x3x4096xf32, #tpu.memory_space<vmem>>, vector<1x1x4096xf32>
    %get3A_13 = vector.shape_cast %get3A_12 : vector<1x1x4096xf32> to vector<1x4096xf32>
    %get3A_14 = arith.constant 0 : index
    %get3A_15 = arith.constant 0 : index
    %get3A_16 = arith.constant 0 : index
    %get3A_17 = vector.load %arg2[%get3A_14, %get3A_15, %get3A_16] : memref<1x128x1xf32, #tpu.memory_space<vmem>>, vector<1x128x1xf32>
    %get3A_18 = vector.shape_cast %get3A_17 : vector<1x128x1xf32> to vector<128x1xf32>
    %get3A_19 = arith.constant 0 : index
    %get3A_20 = arith.constant 0 : index
    %get3A_21 = arith.constant 0 : index
    %get3A_22 = vector.load %arg3[%get3A_19, %get3A_20, %get3A_21] : memref<1x128x1xf32, #tpu.memory_space<vmem>>, vector<1x128x1xf32>
    %get3A_23 = vector.shape_cast %get3A_22 : vector<1x128x1xf32> to vector<128x1xf32>
    %get3A_24 = arith.constant 0 : index
    %get3A_25 = arith.constant 0 : index
    %get3A_26 = arith.constant 0 : index
    %get3A_27 = vector.load %arg4[%get3A_24, %get3A_25, %get3A_26] : memref<1x128x1xf32, #tpu.memory_space<vmem>>, vector<1x128x1xf32>
    %get3A_28 = vector.shape_cast %get3A_27 : vector<1x128x1xf32> to vector<128x1xf32>
    %sub3A = vector.broadcast %get3A_18 : vector<128x1xf32> to vector<128x4096xf32>
    %sub3A_29 = vector.broadcast %get3A_3 : vector<1x4096xf32> to vector<128x4096xf32>
    %sub3A_30 = arith.subf %sub3A, %sub3A_29 : vector<128x4096xf32>
    %sub3A_31 = vector.broadcast %get3A_23 : vector<128x1xf32> to vector<128x4096xf32>
    %sub3A_32 = vector.broadcast %get3A_8 : vector<1x4096xf32> to vector<128x4096xf32>
    %sub3A_33 = arith.subf %sub3A_31, %sub3A_32 : vector<128x4096xf32>
    %sub3A_34 = vector.broadcast %get3A_28 : vector<128x1xf32> to vector<128x4096xf32>
    %sub3A_35 = vector.broadcast %get3A_13 : vector<1x4096xf32> to vector<128x4096xf32>
    %sub3A_36 = arith.subf %sub3A_34, %sub3A_35 : vector<128x4096xf32>
    %mul3A = arith.mulf %sub3A_30, %sub3A_30 : vector<128x4096xf32>
    %mul3A_37 = arith.mulf %sub3A_33, %sub3A_33 : vector<128x4096xf32>
    %add3A = arith.addf %mul3A, %mul3A_37 : vector<128x4096xf32>
    %mul3A_38 = arith.mulf %sub3A_36, %sub3A_36 : vector<128x4096xf32>
    %add3A_39 = arith.addf %add3A, %mul3A_38 : vector<128x4096xf32>
    %iota3A = tpu.iota {dimensions = array<i32: 1>} : vector<128x4096xi32>
    %mul3A_40 = arith.constant 4096 : i32
    %mul3A_41 = arith.muli %arg0, %mul3A_40 : i32
    %argmin3A = tpu.reduce_index %add3A_39 {axis = 1 : i32, kind = #tpu.reduction_kind<arg_min>} : vector<128x4096xf32> -> vector<128xi32>
    %broadcast_in_dim3A = vector.shape_cast %argmin3A : vector<128xi32> to vector<128x1xi32>
    %add3A_42 = vector.broadcast %mul3A_41 : i32 to vector<128x1xi32>
    %add3A_43 = arith.addi %broadcast_in_dim3A, %add3A_42 : vector<128x1xi32>
    %swap3A = arith.constant 0 : index
    %swap3A_44 = arith.constant 0 : index
    %swap3A_45 = arith.constant 0 : index
    %swap3A_46 = vector.load %arg6[%swap3A, %swap3A_44, %swap3A_45] : memref<1x128x16xi32, #tpu.memory_space<vmem>>, vector<1x128x1xi32>
    %swap3A_47 = vector.shape_cast %swap3A_46 : vector<1x128x1xi32> to vector<128x1xi32>
    %swap3A_48 = vector.shape_cast %add3A_43 : vector<128x1xi32> to vector<1x128x1xi32>
    tpu.vector_store %arg6[%swap3A, %swap3A_44, %swap3A_45], %swap3A_48 {strides = array<i32>} : memref<1x128x16xi32, #tpu.memory_space<vmem>>, vector<1x128x1xi32>,
    %eq3A = vector.broadcast %broadcast_in_dim3A : vector<128x1xi32> to vector<128x4096xi32>
    %eq3A_49 = arith.cmpi eq, %iota3A, %eq3A : vector<128x4096xi32>
    %jit3A = arith.constant 0x7F800000 : f32
    %broadcast_in_dim3A_50 = vector.broadcast %jit3A : f32 to vector<128x4096xf32>
    %select_n3A = arith.select %eq3A_49, %broadcast_in_dim3A_50, %add3A_39 : vector<128x4096xi1>, vector<128x4096xf32>
    %argmin3A_51 = tpu.reduce_index %select_n3A {axis = 1 : i32, kind = #tpu.reduction_kind<arg_min>} : vector<128x4096xf32> -> vector<128xi32>
    %broadcast_in_dim3A_52 = vector.shape_cast %argmin3A_51 : vector<128xi32> to vector<128x1xi32>
    %add3A_53 = vector.broadcast %mul3A_41 : i32 to vector<128x1xi32>
    %add3A_54 = arith.addi %broadcast_in_dim3A_52, %add3A_53 : vector<128x1xi32>
    %swap3A_55 = arith.constant 0 : index
    %swap3A_56 = arith.constant 0 : index
    %swap3A_57 = arith.constant 1 : index
    %swap3A_58 = vector.load %arg6[%swap3A_55, %swap3A_56, %swap3A_57] : memref<1x128x16xi32, #tpu.memory_space<vmem>>, vector<1x128x1xi32>
    %swap3A_59 = vector.shape_cast %swap3A_58 : vector<1x128x1xi32> to vector<128x1xi32>
    %swap3A_60 = vector.shape_cast %add3A_54 : vector<128x1xi32> to vector<1x128x1xi32>
    tpu.vector_store %arg6[%swap3A_55, %swap3A_56, %swap3A_57], %swap3A_60 {strides = array<i32>} : memref<1x128x16xi32, #tpu.memory_space<vmem>>, vector<1x128x1xi32>,
    %eq3A_61 = vector.broadcast %broadcast_in_dim3A_52 : vector<128x1xi32> to vector<128x4096xi32>
    %eq3A_62 = arith.cmpi eq, %iota3A, %eq3A_61 : vector<128x4096xi32>
    %jit3A_63 = arith.constant 0x7F800000 : f32
    %broadcast_in_dim3A_64 = vector.broadcast %jit3A_63 : f32 to vector<128x4096xf32>
    %select_n3A_65 = arith.select %eq3A_62, %broadcast_in_dim3A_64, %select_n3A : vector<128x4096xi1>, vector<128x4096xf32>
    %argmin3A_66 = tpu.reduce_index %select_n3A_65 {axis = 1 : i32, kind = #tpu.reduction_kind<arg_min>} : vector<128x4096xf32> -> vector<128xi32>
    %broadcast_in_dim3A_67 = vector.shape_cast %argmin3A_66 : vector<128xi32> to vector<128x1xi32>
    %add3A_68 = vector.broadcast %mul3A_41 : i32 to vector<128x1xi32>
    %add3A_69 = arith.addi %broadcast_in_dim3A_67, %add3A_68 : vector<128x1xi32>
    %swap3A_70 = arith.constant 0 : index
    %swap3A_71 = arith.constant 0 : index
    %swap3A_72 = arith.constant 2 : index
    %swap3A_73 = vector.load %arg6[%swap3A_70, %swap3A_71, %swap3A_72] : memref<1x128x16xi32, #tpu.memory_space<vmem>>, vector<1x128x1xi32>
    %swap3A_74 = vector.shape_cast %swap3A_73 : vector<1x128x1xi32> to vector<128x1xi32>
    %swap3A_75 = vector.shape_cast %add3A_69 : vector<128x1xi32> to vector<1x128x1xi32>
    tpu.vector_store %arg6[%swap3A_70, %swap3A_71, %swap3A_72], %swap3A_75 {strides = array<i32>} : memref<1x128x16xi32, #tpu.memory_space<vmem>>, vector<1x128x1xi32>,
    %eq3A_76 = vector.broadcast %broadcast_in_dim3A_67 : vector<128x1xi32> to vector<128x4096xi32>
    %eq3A_77 = arith.cmpi eq, %iota3A, %eq3A_76 : vector<128x4096xi32>
    %jit3A_78 = arith.constant 0x7F800000 : f32
    %broadcast_in_dim3A_79 = vector.broadcast %jit3A_78 : f32 to vector<128x4096xf32>
    %select_n3A_80 = arith.select %eq3A_77, %broadcast_in_dim3A_79, %select_n3A_65 : vector<128x4096xi1>, vector<128x4096xf32>
    %argmin3A_81 = tpu.reduce_index %select_n3A_80 {axis = 1 : i32, kind = #tpu.reduction_kind<arg_min>} : vector<128x4096xf32> -> vector<128xi32>
    %broadcast_in_dim3A_82 = vector.shape_cast %argmin3A_81 : vector<128xi32> to vector<128x1xi32>
    %add3A_83 = vector.broadcast %mul3A_41 : i32 to vector<128x1xi32>
    %add3A_84 = arith.addi %broadcast_in_dim3A_82, %add3A_83 : vector<128x1xi32>
    %swap3A_85 = arith.constant 0 : index
    %swap3A_86 = arith.constant 0 : index
    %swap3A_87 = arith.constant 3 : index
    %swap3A_88 = vector.load %arg6[%swap3A_85, %swap3A_86, %swap3A_87] : memref<1x128x16xi32, #tpu.memory_space<vmem>>, vector<1x128x1xi32>
    %swap3A_89 = vector.shape_cast %swap3A_88 : vector<1x128x1xi32> to vector<128x1xi32>
    %swap3A_90 = vector.shape_cast %add3A_84 : vector<128x1xi32> to vector<1x128x1xi32>
    tpu.vector_store %arg6[%swap3A_85, %swap3A_86, %swap3A_87], %swap3A_90 {strides = array<i32>} : memref<1x128x16xi32, #tpu.memory_space<vmem>>, vector<1x128x1xi32>,
    %eq3A_91 = vector.broadcast %broadcast_in_dim3A_82 : vector<128x1xi32> to vector<128x4096xi32>
    %eq3A_92 = arith.cmpi eq, %iota3A, %eq3A_91 : vector<128x4096xi32>
    %jit3A_93 = arith.constant 0x7F800000 : f32
    %broadcast_in_dim3A_94 = vector.broadcast %jit3A_93 : f32 to vector<128x4096xf32>
    %select_n3A_95 = arith.select %eq3A_92, %broadcast_in_dim3A_94, %select_n3A_80 : vector<128x4096xi1>, vector<128x4096xf32>
    %argmin3A_96 = tpu.reduce_index %select_n3A_95 {axis = 1 : i32, kind = #tpu.reduction_kind<arg_min>} : vector<128x4096xf32> -> vector<128xi32>
    %broadcast_in_dim3A_97 = vector.shape_cast %argmin3A_96 : vector<128xi32> to vector<128x1xi32>
    %add3A_98 = vector.broadcast %mul3A_41 : i32 to vector<128x1xi32>
    %add3A_99 = arith.addi %broadcast_in_dim3A_97, %add3A_98 : vector<128x1xi32>
    %swap3A_100 = arith.constant 0 : index
    %swap3A_101 = arith.constant 0 : index
    %swap3A_102 = arith.constant 4 : index
    %swap3A_103 = vector.load %arg6[%swap3A_100, %swap3A_101, %swap3A_102] : memref<1x128x16xi32, #tpu.memory_space<vmem>>, vector<1x128x1xi32>
    %swap3A_104 = vector.shape_cast %swap3A_103 : vector<1x128x1xi32> to vector<128x1xi32>
    %swap3A_105 = vector.shape_cast %add3A_99 : vector<128x1xi32> to vector<1x128x1xi32>
    tpu.vector_store %arg6[%swap3A_100, %swap3A_101, %swap3A_102], %swap3A_105 {strides = array<i32>} : memref<1x128x16xi32, #tpu.memory_space<vmem>>, vector<1x128x1xi32>,
    %eq3A_106 = vector.broadcast %broadcast_in_dim3A_97 : vector<128x1xi32> to vector<128x4096xi32>
    %eq3A_107 = arith.cmpi eq, %iota3A, %eq3A_106 : vector<128x4096xi32>
    %jit3A_108 = arith.constant 0x7F800000 : f32
    %broadcast_in_dim3A_109 = vector.broadcast %jit3A_108 : f32 to vector<128x4096xf32>
    %select_n3A_110 = arith.select %eq3A_107, %broadcast_in_dim3A_109, %select_n3A_95 : vector<128x4096xi1>, vector<128x4096xf32>
    %argmin3A_111 = tpu.reduce_index %select_n3A_110 {axis = 1 : i32, kind = #tpu.reduction_kind<arg_min>} : vector<128x4096xf32> -> vector<128xi32>
    %broadcast_in_dim3A_112 = vector.shape_cast %argmin3A_111 : vector<128xi32> to vector<128x1xi32>
    %add3A_113 = vector.broadcast %mul3A_41 : i32 to vector<128x1xi32>
    %add3A_114 = arith.addi %broadcast_in_dim3A_112, %add3A_113 : vector<128x1xi32>
    %swap3A_115 = arith.constant 0 : index
    %swap3A_116 = arith.constant 0 : index
    %swap3A_117 = arith.constant 5 : index
    %swap3A_118 = vector.load %arg6[%swap3A_115, %swap3A_116, %swap3A_117] : memref<1x128x16xi32, #tpu.memory_space<vmem>>, vector<1x128x1xi32>
    %swap3A_119 = vector.shape_cast %swap3A_118 : vector<1x128x1xi32> to vector<128x1xi32>
    %swap3A_120 = vector.shape_cast %add3A_114 : vector<128x1xi32> to vector<1x128x1xi32>
    tpu.vector_store %arg6[%swap3A_115, %swap3A_116, %swap3A_117], %swap3A_120 {strides = array<i32>} : memref<1x128x16xi32, #tpu.memory_space<vmem>>, vector<1x128x1xi32>,
    %eq3A_121 = vector.broadcast %broadcast_in_dim3A_112 : vector<128x1xi32> to vector<128x4096xi32>
    %eq3A_122 = arith.cmpi eq, %iota3A, %eq3A_121 : vector<128x4096xi32>
    %jit3A_123 = arith.constant 0x7F800000 : f32
    %broadcast_in_dim3A_124 = vector.broadcast %jit3A_123 : f32 to vector<128x4096xf32>
    %select_n3A_125 = arith.select %eq3A_122, %broadcast_in_dim3A_124, %select_n3A_110 : vector<128x4096xi1>, vector<128x4096xf32>
    %argmin3A_126 = tpu.reduce_index %select_n3A_125 {axis = 1 : i32, kind = #tpu.reduction_kind<arg_min>} : vector<128x4096xf32> -> vector<128xi32>
    %broadcast_in_dim3A_127 = vector.shape_cast %argmin3A_126 : vector<128xi32> to vector<128x1xi32>
    %add3A_128 = vector.broadcast %mul3A_41 : i32 to vector<128x1xi32>
    %add3A_129 = arith.addi %broadcast_in_dim3A_127, %add3A_128 : vector<128x1xi32>
    %swap3A_130 = arith.constant 0 : index
    %swap3A_131 = arith.constant 0 : index
    %swap3A_132 = arith.constant 6 : index
    %swap3A_133 = vector.load %arg6[%swap3A_130, %swap3A_131, %swap3A_132] : memref<1x128x16xi32, #tpu.memory_space<vmem>>, vector<1x128x1xi32>
    %swap3A_134 = vector.shape_cast %swap3A_133 : vector<1x128x1xi32> to vector<128x1xi32>
    %swap3A_135 = vector.shape_cast %add3A_129 : vector<128x1xi32> to vector<1x128x1xi32>
    tpu.vector_store %arg6[%swap3A_130, %swap3A_131, %swap3A_132], %swap3A_135 {strides = array<i32>} : memref<1x128x16xi32, #tpu.memory_space<vmem>>, vector<1x128x1xi32>,
    %eq3A_136 = vector.broadcast %broadcast_in_dim3A_127 : vector<128x1xi32> to vector<128x4096xi32>
    %eq3A_137 = arith.cmpi eq, %iota3A, %eq3A_136 : vector<128x4096xi32>
    %jit3A_138 = arith.constant 0x7F800000 : f32
    %broadcast_in_dim3A_139 = vector.broadcast %jit3A_138 : f32 to vector<128x4096xf32>
    %select_n3A_140 = arith.select %eq3A_137, %broadcast_in_dim3A_139, %select_n3A_125 : vector<128x4096xi1>, vector<128x4096xf32>
    %argmin3A_141 = tpu.reduce_index %select_n3A_140 {axis = 1 : i32, kind = #tpu.reduction_kind<arg_min>} : vector<128x4096xf32> -> vector<128xi32>
    %broadcast_in_dim3A_142 = vector.shape_cast %argmin3A_141 : vector<128xi32> to vector<128x1xi32>
    %add3A_143 = vector.broadcast %mul3A_41 : i32 to vector<128x1xi32>
    %add3A_144 = arith.addi %broadcast_in_dim3A_142, %add3A_143 : vector<128x1xi32>
    %swap3A_145 = arith.constant 0 : index
    %swap3A_146 = arith.constant 0 : index
    %swap3A_147 = arith.constant 7 : index
    %swap3A_148 = vector.load %arg6[%swap3A_145, %swap3A_146, %swap3A_147] : memref<1x128x16xi32, #tpu.memory_space<vmem>>, vector<1x128x1xi32>
    %swap3A_149 = vector.shape_cast %swap3A_148 : vector<1x128x1xi32> to vector<128x1xi32>
    %swap3A_150 = vector.shape_cast %add3A_144 : vector<128x1xi32> to vector<1x128x1xi32>
    tpu.vector_store %arg6[%swap3A_145, %swap3A_146, %swap3A_147], %swap3A_150 {strides = array<i32>} : memref<1x128x16xi32, #tpu.memory_space<vmem>>, vector<1x128x1xi32>,
    %eq3A_151 = vector.broadcast %broadcast_in_dim3A_142 : vector<128x1xi32> to vector<128x4096xi32>
    %eq3A_152 = arith.cmpi eq, %iota3A, %eq3A_151 : vector<128x4096xi32>
    %jit3A_153 = arith.constant 0x7F800000 : f32
    %broadcast_in_dim3A_154 = vector.broadcast %jit3A_153 : f32 to vector<128x4096xf32>
    %select_n3A_155 = arith.select %eq3A_152, %broadcast_in_dim3A_154, %select_n3A_140 : vector<128x4096xi1>, vector<128x4096xf32>
    %argmin3A_156 = tpu.reduce_index %select_n3A_155 {axis = 1 : i32, kind = #tpu.reduction_kind<arg_min>} : vector<128x4096xf32> -> vector<128xi32>
    %broadcast_in_dim3A_157 = vector.shape_cast %argmin3A_156 : vector<128xi32> to vector<128x1xi32>
    %add3A_158 = vector.broadcast %mul3A_41 : i32 to vector<128x1xi32>
    %add3A_159 = arith.addi %broadcast_in_dim3A_157, %add3A_158 : vector<128x1xi32>
    %swap3A_160 = arith.constant 0 : index
    %swap3A_161 = arith.constant 0 : index
    %swap3A_162 = arith.constant 8 : index
    %swap3A_163 = vector.load %arg6[%swap3A_160, %swap3A_161, %swap3A_162] : memref<1x128x16xi32, #tpu.memory_space<vmem>>, vector<1x128x1xi32>
    %swap3A_164 = vector.shape_cast %swap3A_163 : vector<1x128x1xi32> to vector<128x1xi32>
    %swap3A_165 = vector.shape_cast %add3A_159 : vector<128x1xi32> to vector<1x128x1xi32>
    tpu.vector_store %arg6[%swap3A_160, %swap3A_161, %swap3A_162], %swap3A_165 {strides = array<i32>} : memref<1x128x16xi32, #tpu.memory_space<vmem>>, vector<1x128x1xi32>,
    %eq3A_166 = vector.broadcast %broadcast_in_dim3A_157 : vector<128x1xi32> to vector<128x4096xi32>
    %eq3A_167 = arith.cmpi eq, %iota3A, %eq3A_166 : vector<128x4096xi32>
    %jit3A_168 = arith.constant 0x7F800000 : f32
    %broadcast_in_dim3A_169 = vector.broadcast %jit3A_168 : f32 to vector<128x4096xf32>
    %select_n3A_170 = arith.select %eq3A_167, %broadcast_in_dim3A_169, %select_n3A_155 : vector<128x4096xi1>, vector<128x4096xf32>
    %argmin3A_171 = tpu.reduce_index %select_n3A_170 {axis = 1 : i32, kind = #tpu.reduction_kind<arg_min>} : vector<128x4096xf32> -> vector<128xi32>
    %broadcast_in_dim3A_172 = vector.shape_cast %argmin3A_171 : vector<128xi32> to vector<128x1xi32>
    %add3A_173 = vector.broadcast %mul3A_41 : i32 to vector<128x1xi32>
    %add3A_174 = arith.addi %broadcast_in_dim3A_172, %add3A_173 : vector<128x1xi32>
    %swap3A_175 = arith.constant 0 : index
    %swap3A_176 = arith.constant 0 : index
    %swap3A_177 = arith.constant 9 : index
    %swap3A_178 = vector.load %arg6[%swap3A_175, %swap3A_176, %swap3A_177] : memref<1x128x16xi32, #tpu.memory_space<vmem>>, vector<1x128x1xi32>
    %swap3A_179 = vector.shape_cast %swap3A_178 : vector<1x128x1xi32> to vector<128x1xi32>
    %swap3A_180 = vector.shape_cast %add3A_174 : vector<128x1xi32> to vector<1x128x1xi32>
    tpu.vector_store %arg6[%swap3A_175, %swap3A_176, %swap3A_177], %swap3A_180 {strides = array<i32>} : memref<1x128x16xi32, #tpu.memory_space<vmem>>, vector<1x128x1xi32>,
    %eq3A_181 = vector.broadcast %broadcast_in_dim3A_172 : vector<128x1xi32> to vector<128x4096xi32>
    %eq3A_182 = arith.cmpi eq, %iota3A, %eq3A_181 : vector<128x4096xi32>
    %jit3A_183 = arith.constant 0x7F800000 : f32
    %broadcast_in_dim3A_184 = vector.broadcast %jit3A_183 : f32 to vector<128x4096xf32>
    %select_n3A_185 = arith.select %eq3A_182, %broadcast_in_dim3A_184, %select_n3A_170 : vector<128x4096xi1>, vector<128x4096xf32>
    %argmin3A_186 = tpu.reduce_index %select_n3A_185 {axis = 1 : i32, kind = #tpu.reduction_kind<arg_min>} : vector<128x4096xf32> -> vector<128xi32>
    %broadcast_in_dim3A_187 = vector.shape_cast %argmin3A_186 : vector<128xi32> to vector<128x1xi32>
    %add3A_188 = vector.broadcast %mul3A_41 : i32 to vector<128x1xi32>
    %add3A_189 = arith.addi %broadcast_in_dim3A_187, %add3A_188 : vector<128x1xi32>
    %swap3A_190 = arith.constant 0 : index
    %swap3A_191 = arith.constant 0 : index
    %swap3A_192 = arith.constant 10 : index
    %swap3A_193 = vector.load %arg6[%swap3A_190, %swap3A_191, %swap3A_192] : memref<1x128x16xi32, #tpu.memory_space<vmem>>, vector<1x128x1xi32>
    %swap3A_194 = vector.shape_cast %swap3A_193 : vector<1x128x1xi32> to vector<128x1xi32>
    %swap3A_195 = vector.shape_cast %add3A_189 : vector<128x1xi32> to vector<1x128x1xi32>
    tpu.vector_store %arg6[%swap3A_190, %swap3A_191, %swap3A_192], %swap3A_195 {strides = array<i32>} : memref<1x128x16xi32, #tpu.memory_space<vmem>>, vector<1x128x1xi32>,
    %eq3A_196 = vector.broadcast %broadcast_in_dim3A_187 : vector<128x1xi32> to vector<128x4096xi32>
    %eq3A_197 = arith.cmpi eq, %iota3A, %eq3A_196 : vector<128x4096xi32>
    %jit3A_198 = arith.constant 0x7F800000 : f32
    %broadcast_in_dim3A_199 = vector.broadcast %jit3A_198 : f32 to vector<128x4096xf32>
    %select_n3A_200 = arith.select %eq3A_197, %broadcast_in_dim3A_199, %select_n3A_185 : vector<128x4096xi1>, vector<128x4096xf32>
    %argmin3A_201 = tpu.reduce_index %select_n3A_200 {axis = 1 : i32, kind = #tpu.reduction_kind<arg_min>} : vector<128x4096xf32> -> vector<128xi32>
    %broadcast_in_dim3A_202 = vector.shape_cast %argmin3A_201 : vector<128xi32> to vector<128x1xi32>
    %add3A_203 = vector.broadcast %mul3A_41 : i32 to vector<128x1xi32>
    %add3A_204 = arith.addi %broadcast_in_dim3A_202, %add3A_203 : vector<128x1xi32>
    %swap3A_205 = arith.constant 0 : index
    %swap3A_206 = arith.constant 0 : index
    %swap3A_207 = arith.constant 11 : index
    %swap3A_208 = vector.load %arg6[%swap3A_205, %swap3A_206, %swap3A_207] : memref<1x128x16xi32, #tpu.memory_space<vmem>>, vector<1x128x1xi32>
    %swap3A_209 = vector.shape_cast %swap3A_208 : vector<1x128x1xi32> to vector<128x1xi32>
    %swap3A_210 = vector.shape_cast %add3A_204 : vector<128x1xi32> to vector<1x128x1xi32>
    tpu.vector_store %arg6[%swap3A_205, %swap3A_206, %swap3A_207], %swap3A_210 {strides = array<i32>} : memref<1x128x16xi32, #tpu.memory_space<vmem>>, vector<1x128x1xi32>,
    %eq3A_211 = vector.broadcast %broadcast_in_dim3A_202 : vector<128x1xi32> to vector<128x4096xi32>
    %eq3A_212 = arith.cmpi eq, %iota3A, %eq3A_211 : vector<128x4096xi32>
    %jit3A_213 = arith.constant 0x7F800000 : f32
    %broadcast_in_dim3A_214 = vector.broadcast %jit3A_213 : f32 to vector<128x4096xf32>
    %select_n3A_215 = arith.select %eq3A_212, %broadcast_in_dim3A_214, %select_n3A_200 : vector<128x4096xi1>, vector<128x4096xf32>
    %argmin3A_216 = tpu.reduce_index %select_n3A_215 {axis = 1 : i32, kind = #tpu.reduction_kind<arg_min>} : vector<128x4096xf32> -> vector<128xi32>
    %broadcast_in_dim3A_217 = vector.shape_cast %argmin3A_216 : vector<128xi32> to vector<128x1xi32>
    %add3A_218 = vector.broadcast %mul3A_41 : i32 to vector<128x1xi32>
    %add3A_219 = arith.addi %broadcast_in_dim3A_217, %add3A_218 : vector<128x1xi32>
    %swap3A_220 = arith.constant 0 : index
    %swap3A_221 = arith.constant 0 : index
    %swap3A_222 = arith.constant 12 : index
    %swap3A_223 = vector.load %arg6[%swap3A_220, %swap3A_221, %swap3A_222] : memref<1x128x16xi32, #tpu.memory_space<vmem>>, vector<1x128x1xi32>
    %swap3A_224 = vector.shape_cast %swap3A_223 : vector<1x128x1xi32> to vector<128x1xi32>
    %swap3A_225 = vector.shape_cast %add3A_219 : vector<128x1xi32> to vector<1x128x1xi32>
    tpu.vector_store %arg6[%swap3A_220, %swap3A_221, %swap3A_222], %swap3A_225 {strides = array<i32>} : memref<1x128x16xi32, #tpu.memory_space<vmem>>, vector<1x128x1xi32>,
    %eq3A_226 = vector.broadcast %broadcast_in_dim3A_217 : vector<128x1xi32> to vector<128x4096xi32>
    %eq3A_227 = arith.cmpi eq, %iota3A, %eq3A_226 : vector<128x4096xi32>
    %jit3A_228 = arith.constant 0x7F800000 : f32
    %broadcast_in_dim3A_229 = vector.broadcast %jit3A_228 : f32 to vector<128x4096xf32>
    %select_n3A_230 = arith.select %eq3A_227, %broadcast_in_dim3A_229, %select_n3A_215 : vector<128x4096xi1>, vector<128x4096xf32>
    %argmin3A_231 = tpu.reduce_index %select_n3A_230 {axis = 1 : i32, kind = #tpu.reduction_kind<arg_min>} : vector<128x4096xf32> -> vector<128xi32>
    %broadcast_in_dim3A_232 = vector.shape_cast %argmin3A_231 : vector<128xi32> to vector<128x1xi32>
    %add3A_233 = vector.broadcast %mul3A_41 : i32 to vector<128x1xi32>
    %add3A_234 = arith.addi %broadcast_in_dim3A_232, %add3A_233 : vector<128x1xi32>
    %swap3A_235 = arith.constant 0 : index
    %swap3A_236 = arith.constant 0 : index
    %swap3A_237 = arith.constant 13 : index
    %swap3A_238 = vector.load %arg6[%swap3A_235, %swap3A_236, %swap3A_237] : memref<1x128x16xi32, #tpu.memory_space<vmem>>, vector<1x128x1xi32>
    %swap3A_239 = vector.shape_cast %swap3A_238 : vector<1x128x1xi32> to vector<128x1xi32>
    %swap3A_240 = vector.shape_cast %add3A_234 : vector<128x1xi32> to vector<1x128x1xi32>
    tpu.vector_store %arg6[%swap3A_235, %swap3A_236, %swap3A_237], %swap3A_240 {strides = array<i32>} : memref<1x128x16xi32, #tpu.memory_space<vmem>>, vector<1x128x1xi32>,
    %eq3A_241 = vector.broadcast %broadcast_in_dim3A_232 : vector<128x1xi32> to vector<128x4096xi32>
    %eq3A_242 = arith.cmpi eq, %iota3A, %eq3A_241 : vector<128x4096xi32>
    %jit3A_243 = arith.constant 0x7F800000 : f32
    %broadcast_in_dim3A_244 = vector.broadcast %jit3A_243 : f32 to vector<128x4096xf32>
    %select_n3A_245 = arith.select %eq3A_242, %broadcast_in_dim3A_244, %select_n3A_230 : vector<128x4096xi1>, vector<128x4096xf32>
    %argmin3A_246 = tpu.reduce_index %select_n3A_245 {axis = 1 : i32, kind = #tpu.reduction_kind<arg_min>} : vector<128x4096xf32> -> vector<128xi32>
    %broadcast_in_dim3A_247 = vector.shape_cast %argmin3A_246 : vector<128xi32> to vector<128x1xi32>
    %add3A_248 = vector.broadcast %mul3A_41 : i32 to vector<128x1xi32>
    %add3A_249 = arith.addi %broadcast_in_dim3A_247, %add3A_248 : vector<128x1xi32>
    %swap3A_250 = arith.constant 0 : index
    %swap3A_251 = arith.constant 0 : index
    %swap3A_252 = arith.constant 14 : index
    %swap3A_253 = vector.load %arg6[%swap3A_250, %swap3A_251, %swap3A_252] : memref<1x128x16xi32, #tpu.memory_space<vmem>>, vector<1x128x1xi32>
    %swap3A_254 = vector.shape_cast %swap3A_253 : vector<1x128x1xi32> to vector<128x1xi32>
    %swap3A_255 = vector.shape_cast %add3A_249 : vector<128x1xi32> to vector<1x128x1xi32>
    tpu.vector_store %arg6[%swap3A_250, %swap3A_251, %swap3A_252], %swap3A_255 {strides = array<i32>} : memref<1x128x16xi32, #tpu.memory_space<vmem>>, vector<1x128x1xi32>,
    %eq3A_256 = vector.broadcast %broadcast_in_dim3A_247 : vector<128x1xi32> to vector<128x4096xi32>
    %eq3A_257 = arith.cmpi eq, %iota3A, %eq3A_256 : vector<128x4096xi32>
    %jit3A_258 = arith.constant 0x7F800000 : f32
    %broadcast_in_dim3A_259 = vector.broadcast %jit3A_258 : f32 to vector<128x4096xf32>
    %select_n3A_260 = arith.select %eq3A_257, %broadcast_in_dim3A_259, %select_n3A_245 : vector<128x4096xi1>, vector<128x4096xf32>
    %argmin3A_261 = tpu.reduce_index %select_n3A_260 {axis = 1 : i32, kind = #tpu.reduction_kind<arg_min>} : vector<128x4096xf32> -> vector<128xi32>
    %broadcast_in_dim3A_262 = vector.shape_cast %argmin3A_261 : vector<128xi32> to vector<128x1xi32>
    %add3A_263 = vector.broadcast %mul3A_41 : i32 to vector<128x1xi32>
    %add3A_264 = arith.addi %broadcast_in_dim3A_262, %add3A_263 : vector<128x1xi32>
    %swap3A_265 = arith.constant 0 : index
    %swap3A_266 = arith.constant 0 : index
    %swap3A_267 = arith.constant 15 : index
    %swap3A_268 = vector.load %arg6[%swap3A_265, %swap3A_266, %swap3A_267] : memref<1x128x16xi32, #tpu.memory_space<vmem>>, vector<1x128x1xi32>
    %swap3A_269 = vector.shape_cast %swap3A_268 : vector<1x128x1xi32> to vector<128x1xi32>
    %swap3A_270 = vector.shape_cast %add3A_264 : vector<128x1xi32> to vector<1x128x1xi32>
    tpu.vector_store %arg6[%swap3A_265, %swap3A_266, %swap3A_267], %swap3A_270 {strides = array<i32>} : memref<1x128x16xi32, #tpu.memory_space<vmem>>, vector<1x128x1xi32>,
    return
  }
  func.func @transform_0(%arg0: i32, %arg1: i32) -> (i32, i32, i32) {
    %c0_i32 = arith.constant 0 : i32
    %c0_i32_0 = arith.constant 0 : i32
    return %arg0, %arg1, %c0_i32 : i32, i32, i32
  }
  func.func @transform_1(%arg0: i32, %arg1: i32) -> (i32, i32, i32) {
    %c0_i32 = arith.constant 0 : i32
    %c0_i32_0 = arith.constant 0 : i32
    return %arg0, %arg1, %c0_i32 : i32, i32, i32
  }
  func.func @transform_2(%arg0: i32, %arg1: i32) -> (i32, i32, i32) {
    %c0_i32 = arith.constant 0 : i32
    %c0_i32_0 = arith.constant 0 : i32
    return %arg0, %arg1, %c0_i32 : i32, i32, i32
  }
  func.func @transform_3(%arg0: i32, %arg1: i32) -> (i32, i32, i32) {
    %c0_i32 = arith.constant 0 : i32
    %c0_i32_0 = arith.constant 0 : i32
    %c0_i32_1 = arith.constant 0 : i32
    return %arg0, %c0_i32, %c0_i32_0 : i32, i32, i32
  }
  func.func @transform_4(%arg0: i32, %arg1: i32) -> (i32, i32, i32) {
    %c0_i32 = arith.constant 0 : i32
    %c0_i32_0 = arith.constant 0 : i32
    return %arg0, %arg1, %c0_i32 : i32, i32, i32
  }
}

module attributes {stable_mosaic.version = 14 : i64} {
  func.func @_proj_body(%arg0: i32, %arg1: memref<1024x256xf32, #tpu.memory_space<vmem>>, %arg2: memref<1024x3xf32, #tpu.memory_space<vmem>>, %arg3: memref<256x512xf32, #tpu.memory_space<vmem>>, %arg4: memref<3x512xf32, #tpu.memory_space<vmem>>, %arg5: memref<1024x512xf32, #tpu.memory_space<vmem>>) attributes {dimension_semantics = [#tpu.dimension_semantics<parallel>], iteration_bounds = array<i64: 16>, scalar_prefetch = 0 : i64, scratch_operands = 0 : i64, tpu.core_type = #tpu.core_type<tc>, window_params = [{transform_indices = @transform_0, window_bounds = array<i64: 1024, 256>}, {transform_indices = @transform_1, window_bounds = array<i64: 1024, 3>}, {pipeline_mode = #tpu.pipeline_mode<synchronous>, transform_indices = @transform_2, window_bounds = array<i64: 256, 512>}, {pipeline_mode = #tpu.pipeline_mode<synchronous>, transform_indices = @transform_3, window_bounds = array<i64: 3, 512>}, {transform_indices = @transform_4, window_bounds = array<i64: 1024, 512>}]} {
    %get3A = arith.constant 0 : index
    %get3A_0 = arith.constant 0 : index
    %get3A_1 = vector.load %arg1[%get3A, %get3A_0] : memref<1024x256xf32, #tpu.memory_space<vmem>>, vector<1024x256xf32>
    %get3A_2 = arith.constant 0 : index
    %get3A_3 = arith.constant 0 : index
    %get3A_4 = vector.load %arg3[%get3A_2, %get3A_3] : memref<256x512xf32, #tpu.memory_space<vmem>>, vector<256x512xf32>
    %dot_general3A = arith.constant dense<0.000000e+00> : vector<1024x512xf32>
    %dot_general3A_5 = tpu.matmul %get3A_1, %get3A_4, %dot_general3A {dimension_numbers = #tpu.dot_dimension_numbers<[1], [0], [0], [1], [0, 0, 1, 1], [], []>, transpose_lhs_hint = false} : vector<1024x256xf32>, vector<256x512xf32>, vector<1024x512xf32> -> vector<1024x512xf32>
    %get3A_6 = arith.constant 0 : index
    %get3A_7 = arith.constant 0 : index
    %get3A_8 = vector.load %arg2[%get3A_6, %get3A_7] : memref<1024x3xf32, #tpu.memory_space<vmem>>, vector<1024x1xf32>
    %get3A_9 = arith.constant 0 : index
    %get3A_10 = arith.constant 0 : index
    %get3A_11 = vector.load %arg4[%get3A_9, %get3A_10] : memref<3x512xf32, #tpu.memory_space<vmem>>, vector<1x512xf32>
    %mul3A = vector.broadcast %get3A_8 : vector<1024x1xf32> to vector<1024x512xf32>
    %mul3A_12 = vector.broadcast %get3A_11 : vector<1x512xf32> to vector<1024x512xf32>
    %mul3A_13 = arith.mulf %mul3A, %mul3A_12 : vector<1024x512xf32>
    %add3A = arith.addf %dot_general3A_5, %mul3A_13 : vector<1024x512xf32>
    %get3A_14 = arith.constant 0 : index
    %get3A_15 = arith.constant 1 : index
    %get3A_16 = vector.load %arg2[%get3A_14, %get3A_15] : memref<1024x3xf32, #tpu.memory_space<vmem>>, vector<1024x1xf32>
    %get3A_17 = arith.constant 1 : index
    %get3A_18 = arith.constant 0 : index
    %get3A_19 = vector.load %arg4[%get3A_17, %get3A_18] : memref<3x512xf32, #tpu.memory_space<vmem>>, vector<1x512xf32>
    %mul3A_20 = vector.broadcast %get3A_16 : vector<1024x1xf32> to vector<1024x512xf32>
    %mul3A_21 = vector.broadcast %get3A_19 : vector<1x512xf32> to vector<1024x512xf32>
    %mul3A_22 = arith.mulf %mul3A_20, %mul3A_21 : vector<1024x512xf32>
    %add3A_23 = arith.addf %add3A, %mul3A_22 : vector<1024x512xf32>
    %get3A_24 = arith.constant 0 : index
    %get3A_25 = arith.constant 2 : index
    %get3A_26 = vector.load %arg2[%get3A_24, %get3A_25] : memref<1024x3xf32, #tpu.memory_space<vmem>>, vector<1024x1xf32>
    %get3A_27 = arith.constant 2 : index
    %get3A_28 = arith.constant 0 : index
    %get3A_29 = vector.load %arg4[%get3A_27, %get3A_28] : memref<3x512xf32, #tpu.memory_space<vmem>>, vector<1x512xf32>
    %mul3A_30 = vector.broadcast %get3A_26 : vector<1024x1xf32> to vector<1024x512xf32>
    %mul3A_31 = vector.broadcast %get3A_29 : vector<1x512xf32> to vector<1024x512xf32>
    %mul3A_32 = arith.mulf %mul3A_30, %mul3A_31 : vector<1024x512xf32>
    %add3A_33 = arith.addf %add3A_23, %mul3A_32 : vector<1024x512xf32>
    %swap3A = arith.constant 0 : index
    %swap3A_34 = arith.constant 0 : index
    %swap3A_35 = vector.load %arg5[%swap3A, %swap3A_34] : memref<1024x512xf32, #tpu.memory_space<vmem>>, vector<1024x512xf32>
    tpu.vector_store %arg5[%swap3A, %swap3A_34], %add3A_33 {strides = array<i32>} : memref<1024x512xf32, #tpu.memory_space<vmem>>, vector<1024x512xf32>,
    return
  }
  func.func @transform_0(%arg0: i32) -> (i32, i32) {
    %c0_i32 = arith.constant 0 : i32
    %c0_i32_0 = arith.constant 0 : i32
    return %arg0, %c0_i32 : i32, i32
  }
  func.func @transform_1(%arg0: i32) -> (i32, i32) {
    %c0_i32 = arith.constant 0 : i32
    %c0_i32_0 = arith.constant 0 : i32
    return %arg0, %c0_i32 : i32, i32
  }
  func.func @transform_2(%arg0: i32) -> (i32, i32) {
    %c0_i32 = arith.constant 0 : i32
    %c0_i32_0 = arith.constant 0 : i32
    %c0_i32_1 = arith.constant 0 : i32
    return %c0_i32, %c0_i32_0 : i32, i32
  }
  func.func @transform_3(%arg0: i32) -> (i32, i32) {
    %c0_i32 = arith.constant 0 : i32
    %c0_i32_0 = arith.constant 0 : i32
    %c0_i32_1 = arith.constant 0 : i32
    return %c0_i32, %c0_i32_0 : i32, i32
  }
  func.func @transform_4(%arg0: i32) -> (i32, i32) {
    %c0_i32 = arith.constant 0 : i32
    %c0_i32_0 = arith.constant 0 : i32
    return %arg0, %c0_i32 : i32, i32
  }
}

module attributes {stable_mosaic.version = 14 : i64} {
  func.func @_ln_body(%arg0: i32, %arg1: i32, %arg2: memref<1x128x16x512xf32, #tpu.memory_space<vmem>>, %arg3: memref<1x128x1xf32, #tpu.memory_space<vmem>>, %arg4: memref<1x128x1xf32, #tpu.memory_space<vmem>>, %arg5: memref<1x128x1xf32, #tpu.memory_space<vmem>>, %arg6: memref<3x512xf32, #tpu.memory_space<vmem>>, %arg7: memref<1x512xf32, #tpu.memory_space<vmem>>, %arg8: memref<1x512xf32, #tpu.memory_space<vmem>>, %arg9: memref<128x512xf32, #tpu.memory_space<vmem>>) attributes {dimension_semantics = [#tpu.dimension_semantics<parallel>, #tpu.dimension_semantics<parallel>], iteration_bounds = array<i64: 1, 8>, scalar_prefetch = 0 : i64, scratch_operands = 0 : i64, tpu.core_type = #tpu.core_type<tc>, window_params = [{transform_indices = @transform_0, window_bounds = array<i64: 1, 128, 16, 512>}, {transform_indices = @transform_1, window_bounds = array<i64: 1, 128, 1>}, {transform_indices = @transform_2, window_bounds = array<i64: 1, 128, 1>}, {transform_indices = @transform_3, window_bounds = array<i64: 1, 128, 1>}, {pipeline_mode = #tpu.pipeline_mode<synchronous>, transform_indices = @transform_4, window_bounds = array<i64: 3, 512>}, {pipeline_mode = #tpu.pipeline_mode<synchronous>, transform_indices = @transform_5, window_bounds = array<i64: 1, 512>}, {pipeline_mode = #tpu.pipeline_mode<synchronous>, transform_indices = @transform_6, window_bounds = array<i64: 1, 512>}, {transform_indices = @transform_7, window_bounds = array<i64: 128, 512>}]} {
    %get3A = arith.constant 0 : index
    %get3A_0 = arith.constant 0 : index
    %get3A_1 = arith.constant 0 : index
    %get3A_2 = vector.load %arg3[%get3A, %get3A_0, %get3A_1] : memref<1x128x1xf32, #tpu.memory_space<vmem>>, vector<1x128x1xf32>
    %get3A_3 = vector.shape_cast %get3A_2 : vector<1x128x1xf32> to vector<128x1xf32>
    %get3A_4 = arith.constant 0 : index
    %get3A_5 = arith.constant 0 : index
    %get3A_6 = arith.constant 0 : index
    %get3A_7 = vector.load %arg4[%get3A_4, %get3A_5, %get3A_6] : memref<1x128x1xf32, #tpu.memory_space<vmem>>, vector<1x128x1xf32>
    %get3A_8 = vector.shape_cast %get3A_7 : vector<1x128x1xf32> to vector<128x1xf32>
    %get3A_9 = arith.constant 0 : index
    %get3A_10 = arith.constant 0 : index
    %get3A_11 = arith.constant 0 : index
    %get3A_12 = vector.load %arg5[%get3A_9, %get3A_10, %get3A_11] : memref<1x128x1xf32, #tpu.memory_space<vmem>>, vector<1x128x1xf32>
    %get3A_13 = vector.shape_cast %get3A_12 : vector<1x128x1xf32> to vector<128x1xf32>
    %get3A_14 = arith.constant 0 : index
    %get3A_15 = arith.constant 0 : index
    %get3A_16 = vector.load %arg6[%get3A_14, %get3A_15] : memref<3x512xf32, #tpu.memory_space<vmem>>, vector<1x512xf32>
    %get3A_17 = arith.constant 1 : index
    %get3A_18 = arith.constant 0 : index
    %get3A_19 = vector.load %arg6[%get3A_17, %get3A_18] : memref<3x512xf32, #tpu.memory_space<vmem>>, vector<1x512xf32>
    %get3A_20 = arith.constant 2 : index
    %get3A_21 = arith.constant 0 : index
    %get3A_22 = vector.load %arg6[%get3A_20, %get3A_21] : memref<3x512xf32, #tpu.memory_space<vmem>>, vector<1x512xf32>
    %mul3A = vector.broadcast %get3A_3 : vector<128x1xf32> to vector<128x512xf32>
    %mul3A_23 = vector.broadcast %get3A_16 : vector<1x512xf32> to vector<128x512xf32>
    %mul3A_24 = arith.mulf %mul3A, %mul3A_23 : vector<128x512xf32>
    %mul3A_25 = vector.broadcast %get3A_8 : vector<128x1xf32> to vector<128x512xf32>
    %mul3A_26 = vector.broadcast %get3A_19 : vector<1x512xf32> to vector<128x512xf32>
    %mul3A_27 = arith.mulf %mul3A_25, %mul3A_26 : vector<128x512xf32>
    %add3A = arith.addf %mul3A_24, %mul3A_27 : vector<128x512xf32>
    %mul3A_28 = vector.broadcast %get3A_13 : vector<128x1xf32> to vector<128x512xf32>
    %mul3A_29 = vector.broadcast %get3A_22 : vector<1x512xf32> to vector<128x512xf32>
    %mul3A_30 = arith.mulf %mul3A_28, %mul3A_29 : vector<128x512xf32>
    %add3A_31 = arith.addf %add3A, %mul3A_30 : vector<128x512xf32>
    %get3A_32 = arith.constant 0 : index
    %get3A_33 = arith.constant 0 : index
    %get3A_34 = vector.load %arg7[%get3A_32, %get3A_33] : memref<1x512xf32, #tpu.memory_space<vmem>>, vector<1x512xf32>
    %get3A_35 = arith.constant 0 : index
    %get3A_36 = arith.constant 0 : index
    %get3A_37 = vector.load %arg8[%get3A_35, %get3A_36] : memref<1x512xf32, #tpu.memory_space<vmem>>, vector<1x512xf32>
    %broadcast_in_dim3A = arith.constant 0xFF800000 : f32
    %broadcast_in_dim3A_38 = vector.broadcast %broadcast_in_dim3A : f32 to vector<128x512xf32>
    %get3A_39 = arith.constant 0 : index
    %get3A_40 = arith.constant 0 : index
    %get3A_41 = arith.constant 0 : index
    %get3A_42 = arith.constant 0 : index
    %get3A_43 = vector.load %arg2[%get3A_39, %get3A_40, %get3A_41, %get3A_42] : memref<1x128x16x512xf32, #tpu.memory_space<vmem>>, vector<1x128x1x512xf32>
    %get3A_44 = vector.shape_cast %get3A_43 : vector<1x128x1x512xf32> to vector<128x512xf32>
    %sub3A = arith.subf %get3A_44, %add3A_31 : vector<128x512xf32>
    %reduce_sum3A = arith.constant dense<0.000000e+00> : vector<128xf32>
    %reduce_sum3A_45 = vector.multi_reduction <add>, %sub3A, %reduce_sum3A [1] : vector<128x512xf32> to vector<128xf32>
    %broadcast_in_dim3A_46 = vector.shape_cast %reduce_sum3A_45 : vector<128xf32> to vector<128x1xf32>
    %div3A = arith.constant 5.120000e+02 : f32
    %div3A_47 = vector.broadcast %div3A : f32 to vector<128x1xf32>
    %div3A_48 = arith.divf %broadcast_in_dim3A_46, %div3A_47 : vector<128x1xf32>
    %sub3A_49 = vector.broadcast %div3A_48 : vector<128x1xf32> to vector<128x512xf32>
    %sub3A_50 = arith.subf %sub3A, %sub3A_49 : vector<128x512xf32>
    %mul3A_51 = arith.mulf %sub3A_50, %sub3A_50 : vector<128x512xf32>
    %reduce_sum3A_52 = arith.constant dense<0.000000e+00> : vector<128xf32>
    %reduce_sum3A_53 = vector.multi_reduction <add>, %mul3A_51, %reduce_sum3A_52 [1] : vector<128x512xf32> to vector<128xf32>
    %broadcast_in_dim3A_54 = vector.shape_cast %reduce_sum3A_53 : vector<128xf32> to vector<128x1xf32>
    %div3A_55 = arith.constant 5.120000e+02 : f32
    %div3A_56 = vector.broadcast %div3A_55 : f32 to vector<128x1xf32>
    %div3A_57 = arith.divf %broadcast_in_dim3A_54, %div3A_56 : vector<128x1xf32>
    %add3A_58 = arith.constant 9.99999974E-6 : f32
    %add3A_59 = vector.broadcast %add3A_58 : f32 to vector<128x1xf32>
    %add3A_60 = arith.addf %div3A_57, %add3A_59 : vector<128x1xf32>
    %rsqrt3A = math.rsqrt %add3A_60 : vector<128x1xf32>
    %mul3A_61 = vector.broadcast %rsqrt3A : vector<128x1xf32> to vector<128x512xf32>
    %mul3A_62 = arith.mulf %sub3A_50, %mul3A_61 : vector<128x512xf32>
    %mul3A_63 = vector.broadcast %get3A_34 : vector<1x512xf32> to vector<128x512xf32>
    %mul3A_64 = arith.mulf %mul3A_62, %mul3A_63 : vector<128x512xf32>
    %add3A_65 = vector.broadcast %get3A_37 : vector<1x512xf32> to vector<128x512xf32>
    %add3A_66 = arith.addf %mul3A_64, %add3A_65 : vector<128x512xf32>
    %max3A = arith.maximumf %broadcast_in_dim3A_38, %add3A_66 : vector<128x512xf32>
    %get3A_67 = arith.constant 0 : index
    %get3A_68 = arith.constant 0 : index
    %get3A_69 = arith.constant 1 : index
    %get3A_70 = arith.constant 0 : index
    %get3A_71 = vector.load %arg2[%get3A_67, %get3A_68, %get3A_69, %get3A_70] : memref<1x128x16x512xf32, #tpu.memory_space<vmem>>, vector<1x128x1x512xf32>
    %get3A_72 = vector.shape_cast %get3A_71 : vector<1x128x1x512xf32> to vector<128x512xf32>
    %sub3A_73 = arith.subf %get3A_72, %add3A_31 : vector<128x512xf32>
    %reduce_sum3A_74 = arith.constant dense<0.000000e+00> : vector<128xf32>
    %reduce_sum3A_75 = vector.multi_reduction <add>, %sub3A_73, %reduce_sum3A_74 [1] : vector<128x512xf32> to vector<128xf32>
    %broadcast_in_dim3A_76 = vector.shape_cast %reduce_sum3A_75 : vector<128xf32> to vector<128x1xf32>
    %div3A_77 = arith.constant 5.120000e+02 : f32
    %div3A_78 = vector.broadcast %div3A_77 : f32 to vector<128x1xf32>
    %div3A_79 = arith.divf %broadcast_in_dim3A_76, %div3A_78 : vector<128x1xf32>
    %sub3A_80 = vector.broadcast %div3A_79 : vector<128x1xf32> to vector<128x512xf32>
    %sub3A_81 = arith.subf %sub3A_73, %sub3A_80 : vector<128x512xf32>
    %mul3A_82 = arith.mulf %sub3A_81, %sub3A_81 : vector<128x512xf32>
    %reduce_sum3A_83 = arith.constant dense<0.000000e+00> : vector<128xf32>
    %reduce_sum3A_84 = vector.multi_reduction <add>, %mul3A_82, %reduce_sum3A_83 [1] : vector<128x512xf32> to vector<128xf32>
    %broadcast_in_dim3A_85 = vector.shape_cast %reduce_sum3A_84 : vector<128xf32> to vector<128x1xf32>
    %div3A_86 = arith.constant 5.120000e+02 : f32
    %div3A_87 = vector.broadcast %div3A_86 : f32 to vector<128x1xf32>
    %div3A_88 = arith.divf %broadcast_in_dim3A_85, %div3A_87 : vector<128x1xf32>
    %add3A_89 = arith.constant 9.99999974E-6 : f32
    %add3A_90 = vector.broadcast %add3A_89 : f32 to vector<128x1xf32>
    %add3A_91 = arith.addf %div3A_88, %add3A_90 : vector<128x1xf32>
    %rsqrt3A_92 = math.rsqrt %add3A_91 : vector<128x1xf32>
    %mul3A_93 = vector.broadcast %rsqrt3A_92 : vector<128x1xf32> to vector<128x512xf32>
    %mul3A_94 = arith.mulf %sub3A_81, %mul3A_93 : vector<128x512xf32>
    %mul3A_95 = vector.broadcast %get3A_34 : vector<1x512xf32> to vector<128x512xf32>
    %mul3A_96 = arith.mulf %mul3A_94, %mul3A_95 : vector<128x512xf32>
    %add3A_97 = vector.broadcast %get3A_37 : vector<1x512xf32> to vector<128x512xf32>
    %add3A_98 = arith.addf %mul3A_96, %add3A_97 : vector<128x512xf32>
    %max3A_99 = arith.maximumf %max3A, %add3A_98 : vector<128x512xf32>
    %get3A_100 = arith.constant 0 : index
    %get3A_101 = arith.constant 0 : index
    %get3A_102 = arith.constant 2 : index
    %get3A_103 = arith.constant 0 : index
    %get3A_104 = vector.load %arg2[%get3A_100, %get3A_101, %get3A_102, %get3A_103] : memref<1x128x16x512xf32, #tpu.memory_space<vmem>>, vector<1x128x1x512xf32>
    %get3A_105 = vector.shape_cast %get3A_104 : vector<1x128x1x512xf32> to vector<128x512xf32>
    %sub3A_106 = arith.subf %get3A_105, %add3A_31 : vector<128x512xf32>
    %reduce_sum3A_107 = arith.constant dense<0.000000e+00> : vector<128xf32>
    %reduce_sum3A_108 = vector.multi_reduction <add>, %sub3A_106, %reduce_sum3A_107 [1] : vector<128x512xf32> to vector<128xf32>
    %broadcast_in_dim3A_109 = vector.shape_cast %reduce_sum3A_108 : vector<128xf32> to vector<128x1xf32>
    %div3A_110 = arith.constant 5.120000e+02 : f32
    %div3A_111 = vector.broadcast %div3A_110 : f32 to vector<128x1xf32>
    %div3A_112 = arith.divf %broadcast_in_dim3A_109, %div3A_111 : vector<128x1xf32>
    %sub3A_113 = vector.broadcast %div3A_112 : vector<128x1xf32> to vector<128x512xf32>
    %sub3A_114 = arith.subf %sub3A_106, %sub3A_113 : vector<128x512xf32>
    %mul3A_115 = arith.mulf %sub3A_114, %sub3A_114 : vector<128x512xf32>
    %reduce_sum3A_116 = arith.constant dense<0.000000e+00> : vector<128xf32>
    %reduce_sum3A_117 = vector.multi_reduction <add>, %mul3A_115, %reduce_sum3A_116 [1] : vector<128x512xf32> to vector<128xf32>
    %broadcast_in_dim3A_118 = vector.shape_cast %reduce_sum3A_117 : vector<128xf32> to vector<128x1xf32>
    %div3A_119 = arith.constant 5.120000e+02 : f32
    %div3A_120 = vector.broadcast %div3A_119 : f32 to vector<128x1xf32>
    %div3A_121 = arith.divf %broadcast_in_dim3A_118, %div3A_120 : vector<128x1xf32>
    %add3A_122 = arith.constant 9.99999974E-6 : f32
    %add3A_123 = vector.broadcast %add3A_122 : f32 to vector<128x1xf32>
    %add3A_124 = arith.addf %div3A_121, %add3A_123 : vector<128x1xf32>
    %rsqrt3A_125 = math.rsqrt %add3A_124 : vector<128x1xf32>
    %mul3A_126 = vector.broadcast %rsqrt3A_125 : vector<128x1xf32> to vector<128x512xf32>
    %mul3A_127 = arith.mulf %sub3A_114, %mul3A_126 : vector<128x512xf32>
    %mul3A_128 = vector.broadcast %get3A_34 : vector<1x512xf32> to vector<128x512xf32>
    %mul3A_129 = arith.mulf %mul3A_127, %mul3A_128 : vector<128x512xf32>
    %add3A_130 = vector.broadcast %get3A_37 : vector<1x512xf32> to vector<128x512xf32>
    %add3A_131 = arith.addf %mul3A_129, %add3A_130 : vector<128x512xf32>
    %max3A_132 = arith.maximumf %max3A_99, %add3A_131 : vector<128x512xf32>
    %get3A_133 = arith.constant 0 : index
    %get3A_134 = arith.constant 0 : index
    %get3A_135 = arith.constant 3 : index
    %get3A_136 = arith.constant 0 : index
    %get3A_137 = vector.load %arg2[%get3A_133, %get3A_134, %get3A_135, %get3A_136] : memref<1x128x16x512xf32, #tpu.memory_space<vmem>>, vector<1x128x1x512xf32>
    %get3A_138 = vector.shape_cast %get3A_137 : vector<1x128x1x512xf32> to vector<128x512xf32>
    %sub3A_139 = arith.subf %get3A_138, %add3A_31 : vector<128x512xf32>
    %reduce_sum3A_140 = arith.constant dense<0.000000e+00> : vector<128xf32>
    %reduce_sum3A_141 = vector.multi_reduction <add>, %sub3A_139, %reduce_sum3A_140 [1] : vector<128x512xf32> to vector<128xf32>
    %broadcast_in_dim3A_142 = vector.shape_cast %reduce_sum3A_141 : vector<128xf32> to vector<128x1xf32>
    %div3A_143 = arith.constant 5.120000e+02 : f32
    %div3A_144 = vector.broadcast %div3A_143 : f32 to vector<128x1xf32>
    %div3A_145 = arith.divf %broadcast_in_dim3A_142, %div3A_144 : vector<128x1xf32>
    %sub3A_146 = vector.broadcast %div3A_145 : vector<128x1xf32> to vector<128x512xf32>
    %sub3A_147 = arith.subf %sub3A_139, %sub3A_146 : vector<128x512xf32>
    %mul3A_148 = arith.mulf %sub3A_147, %sub3A_147 : vector<128x512xf32>
    %reduce_sum3A_149 = arith.constant dense<0.000000e+00> : vector<128xf32>
    %reduce_sum3A_150 = vector.multi_reduction <add>, %mul3A_148, %reduce_sum3A_149 [1] : vector<128x512xf32> to vector<128xf32>
    %broadcast_in_dim3A_151 = vector.shape_cast %reduce_sum3A_150 : vector<128xf32> to vector<128x1xf32>
    %div3A_152 = arith.constant 5.120000e+02 : f32
    %div3A_153 = vector.broadcast %div3A_152 : f32 to vector<128x1xf32>
    %div3A_154 = arith.divf %broadcast_in_dim3A_151, %div3A_153 : vector<128x1xf32>
    %add3A_155 = arith.constant 9.99999974E-6 : f32
    %add3A_156 = vector.broadcast %add3A_155 : f32 to vector<128x1xf32>
    %add3A_157 = arith.addf %div3A_154, %add3A_156 : vector<128x1xf32>
    %rsqrt3A_158 = math.rsqrt %add3A_157 : vector<128x1xf32>
    %mul3A_159 = vector.broadcast %rsqrt3A_158 : vector<128x1xf32> to vector<128x512xf32>
    %mul3A_160 = arith.mulf %sub3A_147, %mul3A_159 : vector<128x512xf32>
    %mul3A_161 = vector.broadcast %get3A_34 : vector<1x512xf32> to vector<128x512xf32>
    %mul3A_162 = arith.mulf %mul3A_160, %mul3A_161 : vector<128x512xf32>
    %add3A_163 = vector.broadcast %get3A_37 : vector<1x512xf32> to vector<128x512xf32>
    %add3A_164 = arith.addf %mul3A_162, %add3A_163 : vector<128x512xf32>
    %max3A_165 = arith.maximumf %max3A_132, %add3A_164 : vector<128x512xf32>
    %get3A_166 = arith.constant 0 : index
    %get3A_167 = arith.constant 0 : index
    %get3A_168 = arith.constant 4 : index
    %get3A_169 = arith.constant 0 : index
    %get3A_170 = vector.load %arg2[%get3A_166, %get3A_167, %get3A_168, %get3A_169] : memref<1x128x16x512xf32, #tpu.memory_space<vmem>>, vector<1x128x1x512xf32>
    %get3A_171 = vector.shape_cast %get3A_170 : vector<1x128x1x512xf32> to vector<128x512xf32>
    %sub3A_172 = arith.subf %get3A_171, %add3A_31 : vector<128x512xf32>
    %reduce_sum3A_173 = arith.constant dense<0.000000e+00> : vector<128xf32>
    %reduce_sum3A_174 = vector.multi_reduction <add>, %sub3A_172, %reduce_sum3A_173 [1] : vector<128x512xf32> to vector<128xf32>
    %broadcast_in_dim3A_175 = vector.shape_cast %reduce_sum3A_174 : vector<128xf32> to vector<128x1xf32>
    %div3A_176 = arith.constant 5.120000e+02 : f32
    %div3A_177 = vector.broadcast %div3A_176 : f32 to vector<128x1xf32>
    %div3A_178 = arith.divf %broadcast_in_dim3A_175, %div3A_177 : vector<128x1xf32>
    %sub3A_179 = vector.broadcast %div3A_178 : vector<128x1xf32> to vector<128x512xf32>
    %sub3A_180 = arith.subf %sub3A_172, %sub3A_179 : vector<128x512xf32>
    %mul3A_181 = arith.mulf %sub3A_180, %sub3A_180 : vector<128x512xf32>
    %reduce_sum3A_182 = arith.constant dense<0.000000e+00> : vector<128xf32>
    %reduce_sum3A_183 = vector.multi_reduction <add>, %mul3A_181, %reduce_sum3A_182 [1] : vector<128x512xf32> to vector<128xf32>
    %broadcast_in_dim3A_184 = vector.shape_cast %reduce_sum3A_183 : vector<128xf32> to vector<128x1xf32>
    %div3A_185 = arith.constant 5.120000e+02 : f32
    %div3A_186 = vector.broadcast %div3A_185 : f32 to vector<128x1xf32>
    %div3A_187 = arith.divf %broadcast_in_dim3A_184, %div3A_186 : vector<128x1xf32>
    %add3A_188 = arith.constant 9.99999974E-6 : f32
    %add3A_189 = vector.broadcast %add3A_188 : f32 to vector<128x1xf32>
    %add3A_190 = arith.addf %div3A_187, %add3A_189 : vector<128x1xf32>
    %rsqrt3A_191 = math.rsqrt %add3A_190 : vector<128x1xf32>
    %mul3A_192 = vector.broadcast %rsqrt3A_191 : vector<128x1xf32> to vector<128x512xf32>
    %mul3A_193 = arith.mulf %sub3A_180, %mul3A_192 : vector<128x512xf32>
    %mul3A_194 = vector.broadcast %get3A_34 : vector<1x512xf32> to vector<128x512xf32>
    %mul3A_195 = arith.mulf %mul3A_193, %mul3A_194 : vector<128x512xf32>
    %add3A_196 = vector.broadcast %get3A_37 : vector<1x512xf32> to vector<128x512xf32>
    %add3A_197 = arith.addf %mul3A_195, %add3A_196 : vector<128x512xf32>
    %max3A_198 = arith.maximumf %max3A_165, %add3A_197 : vector<128x512xf32>
    %get3A_199 = arith.constant 0 : index
    %get3A_200 = arith.constant 0 : index
    %get3A_201 = arith.constant 5 : index
    %get3A_202 = arith.constant 0 : index
    %get3A_203 = vector.load %arg2[%get3A_199, %get3A_200, %get3A_201, %get3A_202] : memref<1x128x16x512xf32, #tpu.memory_space<vmem>>, vector<1x128x1x512xf32>
    %get3A_204 = vector.shape_cast %get3A_203 : vector<1x128x1x512xf32> to vector<128x512xf32>
    %sub3A_205 = arith.subf %get3A_204, %add3A_31 : vector<128x512xf32>
    %reduce_sum3A_206 = arith.constant dense<0.000000e+00> : vector<128xf32>
    %reduce_sum3A_207 = vector.multi_reduction <add>, %sub3A_205, %reduce_sum3A_206 [1] : vector<128x512xf32> to vector<128xf32>
    %broadcast_in_dim3A_208 = vector.shape_cast %reduce_sum3A_207 : vector<128xf32> to vector<128x1xf32>
    %div3A_209 = arith.constant 5.120000e+02 : f32
    %div3A_210 = vector.broadcast %div3A_209 : f32 to vector<128x1xf32>
    %div3A_211 = arith.divf %broadcast_in_dim3A_208, %div3A_210 : vector<128x1xf32>
    %sub3A_212 = vector.broadcast %div3A_211 : vector<128x1xf32> to vector<128x512xf32>
    %sub3A_213 = arith.subf %sub3A_205, %sub3A_212 : vector<128x512xf32>
    %mul3A_214 = arith.mulf %sub3A_213, %sub3A_213 : vector<128x512xf32>
    %reduce_sum3A_215 = arith.constant dense<0.000000e+00> : vector<128xf32>
    %reduce_sum3A_216 = vector.multi_reduction <add>, %mul3A_214, %reduce_sum3A_215 [1] : vector<128x512xf32> to vector<128xf32>
    %broadcast_in_dim3A_217 = vector.shape_cast %reduce_sum3A_216 : vector<128xf32> to vector<128x1xf32>
    %div3A_218 = arith.constant 5.120000e+02 : f32
    %div3A_219 = vector.broadcast %div3A_218 : f32 to vector<128x1xf32>
    %div3A_220 = arith.divf %broadcast_in_dim3A_217, %div3A_219 : vector<128x1xf32>
    %add3A_221 = arith.constant 9.99999974E-6 : f32
    %add3A_222 = vector.broadcast %add3A_221 : f32 to vector<128x1xf32>
    %add3A_223 = arith.addf %div3A_220, %add3A_222 : vector<128x1xf32>
    %rsqrt3A_224 = math.rsqrt %add3A_223 : vector<128x1xf32>
    %mul3A_225 = vector.broadcast %rsqrt3A_224 : vector<128x1xf32> to vector<128x512xf32>
    %mul3A_226 = arith.mulf %sub3A_213, %mul3A_225 : vector<128x512xf32>
    %mul3A_227 = vector.broadcast %get3A_34 : vector<1x512xf32> to vector<128x512xf32>
    %mul3A_228 = arith.mulf %mul3A_226, %mul3A_227 : vector<128x512xf32>
    %add3A_229 = vector.broadcast %get3A_37 : vector<1x512xf32> to vector<128x512xf32>
    %add3A_230 = arith.addf %mul3A_228, %add3A_229 : vector<128x512xf32>
    %max3A_231 = arith.maximumf %max3A_198, %add3A_230 : vector<128x512xf32>
    %get3A_232 = arith.constant 0 : index
    %get3A_233 = arith.constant 0 : index
    %get3A_234 = arith.constant 6 : index
    %get3A_235 = arith.constant 0 : index
    %get3A_236 = vector.load %arg2[%get3A_232, %get3A_233, %get3A_234, %get3A_235] : memref<1x128x16x512xf32, #tpu.memory_space<vmem>>, vector<1x128x1x512xf32>
    %get3A_237 = vector.shape_cast %get3A_236 : vector<1x128x1x512xf32> to vector<128x512xf32>
    %sub3A_238 = arith.subf %get3A_237, %add3A_31 : vector<128x512xf32>
    %reduce_sum3A_239 = arith.constant dense<0.000000e+00> : vector<128xf32>
    %reduce_sum3A_240 = vector.multi_reduction <add>, %sub3A_238, %reduce_sum3A_239 [1] : vector<128x512xf32> to vector<128xf32>
    %broadcast_in_dim3A_241 = vector.shape_cast %reduce_sum3A_240 : vector<128xf32> to vector<128x1xf32>
    %div3A_242 = arith.constant 5.120000e+02 : f32
    %div3A_243 = vector.broadcast %div3A_242 : f32 to vector<128x1xf32>
    %div3A_244 = arith.divf %broadcast_in_dim3A_241, %div3A_243 : vector<128x1xf32>
    %sub3A_245 = vector.broadcast %div3A_244 : vector<128x1xf32> to vector<128x512xf32>
    %sub3A_246 = arith.subf %sub3A_238, %sub3A_245 : vector<128x512xf32>
    %mul3A_247 = arith.mulf %sub3A_246, %sub3A_246 : vector<128x512xf32>
    %reduce_sum3A_248 = arith.constant dense<0.000000e+00> : vector<128xf32>
    %reduce_sum3A_249 = vector.multi_reduction <add>, %mul3A_247, %reduce_sum3A_248 [1] : vector<128x512xf32> to vector<128xf32>
    %broadcast_in_dim3A_250 = vector.shape_cast %reduce_sum3A_249 : vector<128xf32> to vector<128x1xf32>
    %div3A_251 = arith.constant 5.120000e+02 : f32
    %div3A_252 = vector.broadcast %div3A_251 : f32 to vector<128x1xf32>
    %div3A_253 = arith.divf %broadcast_in_dim3A_250, %div3A_252 : vector<128x1xf32>
    %add3A_254 = arith.constant 9.99999974E-6 : f32
    %add3A_255 = vector.broadcast %add3A_254 : f32 to vector<128x1xf32>
    %add3A_256 = arith.addf %div3A_253, %add3A_255 : vector<128x1xf32>
    %rsqrt3A_257 = math.rsqrt %add3A_256 : vector<128x1xf32>
    %mul3A_258 = vector.broadcast %rsqrt3A_257 : vector<128x1xf32> to vector<128x512xf32>
    %mul3A_259 = arith.mulf %sub3A_246, %mul3A_258 : vector<128x512xf32>
    %mul3A_260 = vector.broadcast %get3A_34 : vector<1x512xf32> to vector<128x512xf32>
    %mul3A_261 = arith.mulf %mul3A_259, %mul3A_260 : vector<128x512xf32>
    %add3A_262 = vector.broadcast %get3A_37 : vector<1x512xf32> to vector<128x512xf32>
    %add3A_263 = arith.addf %mul3A_261, %add3A_262 : vector<128x512xf32>
    %max3A_264 = arith.maximumf %max3A_231, %add3A_263 : vector<128x512xf32>
    %get3A_265 = arith.constant 0 : index
    %get3A_266 = arith.constant 0 : index
    %get3A_267 = arith.constant 7 : index
    %get3A_268 = arith.constant 0 : index
    %get3A_269 = vector.load %arg2[%get3A_265, %get3A_266, %get3A_267, %get3A_268] : memref<1x128x16x512xf32, #tpu.memory_space<vmem>>, vector<1x128x1x512xf32>
    %get3A_270 = vector.shape_cast %get3A_269 : vector<1x128x1x512xf32> to vector<128x512xf32>
    %sub3A_271 = arith.subf %get3A_270, %add3A_31 : vector<128x512xf32>
    %reduce_sum3A_272 = arith.constant dense<0.000000e+00> : vector<128xf32>
    %reduce_sum3A_273 = vector.multi_reduction <add>, %sub3A_271, %reduce_sum3A_272 [1] : vector<128x512xf32> to vector<128xf32>
    %broadcast_in_dim3A_274 = vector.shape_cast %reduce_sum3A_273 : vector<128xf32> to vector<128x1xf32>
    %div3A_275 = arith.constant 5.120000e+02 : f32
    %div3A_276 = vector.broadcast %div3A_275 : f32 to vector<128x1xf32>
    %div3A_277 = arith.divf %broadcast_in_dim3A_274, %div3A_276 : vector<128x1xf32>
    %sub3A_278 = vector.broadcast %div3A_277 : vector<128x1xf32> to vector<128x512xf32>
    %sub3A_279 = arith.subf %sub3A_271, %sub3A_278 : vector<128x512xf32>
    %mul3A_280 = arith.mulf %sub3A_279, %sub3A_279 : vector<128x512xf32>
    %reduce_sum3A_281 = arith.constant dense<0.000000e+00> : vector<128xf32>
    %reduce_sum3A_282 = vector.multi_reduction <add>, %mul3A_280, %reduce_sum3A_281 [1] : vector<128x512xf32> to vector<128xf32>
    %broadcast_in_dim3A_283 = vector.shape_cast %reduce_sum3A_282 : vector<128xf32> to vector<128x1xf32>
    %div3A_284 = arith.constant 5.120000e+02 : f32
    %div3A_285 = vector.broadcast %div3A_284 : f32 to vector<128x1xf32>
    %div3A_286 = arith.divf %broadcast_in_dim3A_283, %div3A_285 : vector<128x1xf32>
    %add3A_287 = arith.constant 9.99999974E-6 : f32
    %add3A_288 = vector.broadcast %add3A_287 : f32 to vector<128x1xf32>
    %add3A_289 = arith.addf %div3A_286, %add3A_288 : vector<128x1xf32>
    %rsqrt3A_290 = math.rsqrt %add3A_289 : vector<128x1xf32>
    %mul3A_291 = vector.broadcast %rsqrt3A_290 : vector<128x1xf32> to vector<128x512xf32>
    %mul3A_292 = arith.mulf %sub3A_279, %mul3A_291 : vector<128x512xf32>
    %mul3A_293 = vector.broadcast %get3A_34 : vector<1x512xf32> to vector<128x512xf32>
    %mul3A_294 = arith.mulf %mul3A_292, %mul3A_293 : vector<128x512xf32>
    %add3A_295 = vector.broadcast %get3A_37 : vector<1x512xf32> to vector<128x512xf32>
    %add3A_296 = arith.addf %mul3A_294, %add3A_295 : vector<128x512xf32>
    %max3A_297 = arith.maximumf %max3A_264, %add3A_296 : vector<128x512xf32>
    %get3A_298 = arith.constant 0 : index
    %get3A_299 = arith.constant 0 : index
    %get3A_300 = arith.constant 8 : index
    %get3A_301 = arith.constant 0 : index
    %get3A_302 = vector.load %arg2[%get3A_298, %get3A_299, %get3A_300, %get3A_301] : memref<1x128x16x512xf32, #tpu.memory_space<vmem>>, vector<1x128x1x512xf32>
    %get3A_303 = vector.shape_cast %get3A_302 : vector<1x128x1x512xf32> to vector<128x512xf32>
    %sub3A_304 = arith.subf %get3A_303, %add3A_31 : vector<128x512xf32>
    %reduce_sum3A_305 = arith.constant dense<0.000000e+00> : vector<128xf32>
    %reduce_sum3A_306 = vector.multi_reduction <add>, %sub3A_304, %reduce_sum3A_305 [1] : vector<128x512xf32> to vector<128xf32>
    %broadcast_in_dim3A_307 = vector.shape_cast %reduce_sum3A_306 : vector<128xf32> to vector<128x1xf32>
    %div3A_308 = arith.constant 5.120000e+02 : f32
    %div3A_309 = vector.broadcast %div3A_308 : f32 to vector<128x1xf32>
    %div3A_310 = arith.divf %broadcast_in_dim3A_307, %div3A_309 : vector<128x1xf32>
    %sub3A_311 = vector.broadcast %div3A_310 : vector<128x1xf32> to vector<128x512xf32>
    %sub3A_312 = arith.subf %sub3A_304, %sub3A_311 : vector<128x512xf32>
    %mul3A_313 = arith.mulf %sub3A_312, %sub3A_312 : vector<128x512xf32>
    %reduce_sum3A_314 = arith.constant dense<0.000000e+00> : vector<128xf32>
    %reduce_sum3A_315 = vector.multi_reduction <add>, %mul3A_313, %reduce_sum3A_314 [1] : vector<128x512xf32> to vector<128xf32>
    %broadcast_in_dim3A_316 = vector.shape_cast %reduce_sum3A_315 : vector<128xf32> to vector<128x1xf32>
    %div3A_317 = arith.constant 5.120000e+02 : f32
    %div3A_318 = vector.broadcast %div3A_317 : f32 to vector<128x1xf32>
    %div3A_319 = arith.divf %broadcast_in_dim3A_316, %div3A_318 : vector<128x1xf32>
    %add3A_320 = arith.constant 9.99999974E-6 : f32
    %add3A_321 = vector.broadcast %add3A_320 : f32 to vector<128x1xf32>
    %add3A_322 = arith.addf %div3A_319, %add3A_321 : vector<128x1xf32>
    %rsqrt3A_323 = math.rsqrt %add3A_322 : vector<128x1xf32>
    %mul3A_324 = vector.broadcast %rsqrt3A_323 : vector<128x1xf32> to vector<128x512xf32>
    %mul3A_325 = arith.mulf %sub3A_312, %mul3A_324 : vector<128x512xf32>
    %mul3A_326 = vector.broadcast %get3A_34 : vector<1x512xf32> to vector<128x512xf32>
    %mul3A_327 = arith.mulf %mul3A_325, %mul3A_326 : vector<128x512xf32>
    %add3A_328 = vector.broadcast %get3A_37 : vector<1x512xf32> to vector<128x512xf32>
    %add3A_329 = arith.addf %mul3A_327, %add3A_328 : vector<128x512xf32>
    %max3A_330 = arith.maximumf %max3A_297, %add3A_329 : vector<128x512xf32>
    %get3A_331 = arith.constant 0 : index
    %get3A_332 = arith.constant 0 : index
    %get3A_333 = arith.constant 9 : index
    %get3A_334 = arith.constant 0 : index
    %get3A_335 = vector.load %arg2[%get3A_331, %get3A_332, %get3A_333, %get3A_334] : memref<1x128x16x512xf32, #tpu.memory_space<vmem>>, vector<1x128x1x512xf32>
    %get3A_336 = vector.shape_cast %get3A_335 : vector<1x128x1x512xf32> to vector<128x512xf32>
    %sub3A_337 = arith.subf %get3A_336, %add3A_31 : vector<128x512xf32>
    %reduce_sum3A_338 = arith.constant dense<0.000000e+00> : vector<128xf32>
    %reduce_sum3A_339 = vector.multi_reduction <add>, %sub3A_337, %reduce_sum3A_338 [1] : vector<128x512xf32> to vector<128xf32>
    %broadcast_in_dim3A_340 = vector.shape_cast %reduce_sum3A_339 : vector<128xf32> to vector<128x1xf32>
    %div3A_341 = arith.constant 5.120000e+02 : f32
    %div3A_342 = vector.broadcast %div3A_341 : f32 to vector<128x1xf32>
    %div3A_343 = arith.divf %broadcast_in_dim3A_340, %div3A_342 : vector<128x1xf32>
    %sub3A_344 = vector.broadcast %div3A_343 : vector<128x1xf32> to vector<128x512xf32>
    %sub3A_345 = arith.subf %sub3A_337, %sub3A_344 : vector<128x512xf32>
    %mul3A_346 = arith.mulf %sub3A_345, %sub3A_345 : vector<128x512xf32>
    %reduce_sum3A_347 = arith.constant dense<0.000000e+00> : vector<128xf32>
    %reduce_sum3A_348 = vector.multi_reduction <add>, %mul3A_346, %reduce_sum3A_347 [1] : vector<128x512xf32> to vector<128xf32>
    %broadcast_in_dim3A_349 = vector.shape_cast %reduce_sum3A_348 : vector<128xf32> to vector<128x1xf32>
    %div3A_350 = arith.constant 5.120000e+02 : f32
    %div3A_351 = vector.broadcast %div3A_350 : f32 to vector<128x1xf32>
    %div3A_352 = arith.divf %broadcast_in_dim3A_349, %div3A_351 : vector<128x1xf32>
    %add3A_353 = arith.constant 9.99999974E-6 : f32
    %add3A_354 = vector.broadcast %add3A_353 : f32 to vector<128x1xf32>
    %add3A_355 = arith.addf %div3A_352, %add3A_354 : vector<128x1xf32>
    %rsqrt3A_356 = math.rsqrt %add3A_355 : vector<128x1xf32>
    %mul3A_357 = vector.broadcast %rsqrt3A_356 : vector<128x1xf32> to vector<128x512xf32>
    %mul3A_358 = arith.mulf %sub3A_345, %mul3A_357 : vector<128x512xf32>
    %mul3A_359 = vector.broadcast %get3A_34 : vector<1x512xf32> to vector<128x512xf32>
    %mul3A_360 = arith.mulf %mul3A_358, %mul3A_359 : vector<128x512xf32>
    %add3A_361 = vector.broadcast %get3A_37 : vector<1x512xf32> to vector<128x512xf32>
    %add3A_362 = arith.addf %mul3A_360, %add3A_361 : vector<128x512xf32>
    %max3A_363 = arith.maximumf %max3A_330, %add3A_362 : vector<128x512xf32>
    %get3A_364 = arith.constant 0 : index
    %get3A_365 = arith.constant 0 : index
    %get3A_366 = arith.constant 10 : index
    %get3A_367 = arith.constant 0 : index
    %get3A_368 = vector.load %arg2[%get3A_364, %get3A_365, %get3A_366, %get3A_367] : memref<1x128x16x512xf32, #tpu.memory_space<vmem>>, vector<1x128x1x512xf32>
    %get3A_369 = vector.shape_cast %get3A_368 : vector<1x128x1x512xf32> to vector<128x512xf32>
    %sub3A_370 = arith.subf %get3A_369, %add3A_31 : vector<128x512xf32>
    %reduce_sum3A_371 = arith.constant dense<0.000000e+00> : vector<128xf32>
    %reduce_sum3A_372 = vector.multi_reduction <add>, %sub3A_370, %reduce_sum3A_371 [1] : vector<128x512xf32> to vector<128xf32>
    %broadcast_in_dim3A_373 = vector.shape_cast %reduce_sum3A_372 : vector<128xf32> to vector<128x1xf32>
    %div3A_374 = arith.constant 5.120000e+02 : f32
    %div3A_375 = vector.broadcast %div3A_374 : f32 to vector<128x1xf32>
    %div3A_376 = arith.divf %broadcast_in_dim3A_373, %div3A_375 : vector<128x1xf32>
    %sub3A_377 = vector.broadcast %div3A_376 : vector<128x1xf32> to vector<128x512xf32>
    %sub3A_378 = arith.subf %sub3A_370, %sub3A_377 : vector<128x512xf32>
    %mul3A_379 = arith.mulf %sub3A_378, %sub3A_378 : vector<128x512xf32>
    %reduce_sum3A_380 = arith.constant dense<0.000000e+00> : vector<128xf32>
    %reduce_sum3A_381 = vector.multi_reduction <add>, %mul3A_379, %reduce_sum3A_380 [1] : vector<128x512xf32> to vector<128xf32>
    %broadcast_in_dim3A_382 = vector.shape_cast %reduce_sum3A_381 : vector<128xf32> to vector<128x1xf32>
    %div3A_383 = arith.constant 5.120000e+02 : f32
    %div3A_384 = vector.broadcast %div3A_383 : f32 to vector<128x1xf32>
    %div3A_385 = arith.divf %broadcast_in_dim3A_382, %div3A_384 : vector<128x1xf32>
    %add3A_386 = arith.constant 9.99999974E-6 : f32
    %add3A_387 = vector.broadcast %add3A_386 : f32 to vector<128x1xf32>
    %add3A_388 = arith.addf %div3A_385, %add3A_387 : vector<128x1xf32>
    %rsqrt3A_389 = math.rsqrt %add3A_388 : vector<128x1xf32>
    %mul3A_390 = vector.broadcast %rsqrt3A_389 : vector<128x1xf32> to vector<128x512xf32>
    %mul3A_391 = arith.mulf %sub3A_378, %mul3A_390 : vector<128x512xf32>
    %mul3A_392 = vector.broadcast %get3A_34 : vector<1x512xf32> to vector<128x512xf32>
    %mul3A_393 = arith.mulf %mul3A_391, %mul3A_392 : vector<128x512xf32>
    %add3A_394 = vector.broadcast %get3A_37 : vector<1x512xf32> to vector<128x512xf32>
    %add3A_395 = arith.addf %mul3A_393, %add3A_394 : vector<128x512xf32>
    %max3A_396 = arith.maximumf %max3A_363, %add3A_395 : vector<128x512xf32>
    %get3A_397 = arith.constant 0 : index
    %get3A_398 = arith.constant 0 : index
    %get3A_399 = arith.constant 11 : index
    %get3A_400 = arith.constant 0 : index
    %get3A_401 = vector.load %arg2[%get3A_397, %get3A_398, %get3A_399, %get3A_400] : memref<1x128x16x512xf32, #tpu.memory_space<vmem>>, vector<1x128x1x512xf32>
    %get3A_402 = vector.shape_cast %get3A_401 : vector<1x128x1x512xf32> to vector<128x512xf32>
    %sub3A_403 = arith.subf %get3A_402, %add3A_31 : vector<128x512xf32>
    %reduce_sum3A_404 = arith.constant dense<0.000000e+00> : vector<128xf32>
    %reduce_sum3A_405 = vector.multi_reduction <add>, %sub3A_403, %reduce_sum3A_404 [1] : vector<128x512xf32> to vector<128xf32>
    %broadcast_in_dim3A_406 = vector.shape_cast %reduce_sum3A_405 : vector<128xf32> to vector<128x1xf32>
    %div3A_407 = arith.constant 5.120000e+02 : f32
    %div3A_408 = vector.broadcast %div3A_407 : f32 to vector<128x1xf32>
    %div3A_409 = arith.divf %broadcast_in_dim3A_406, %div3A_408 : vector<128x1xf32>
    %sub3A_410 = vector.broadcast %div3A_409 : vector<128x1xf32> to vector<128x512xf32>
    %sub3A_411 = arith.subf %sub3A_403, %sub3A_410 : vector<128x512xf32>
    %mul3A_412 = arith.mulf %sub3A_411, %sub3A_411 : vector<128x512xf32>
    %reduce_sum3A_413 = arith.constant dense<0.000000e+00> : vector<128xf32>
    %reduce_sum3A_414 = vector.multi_reduction <add>, %mul3A_412, %reduce_sum3A_413 [1] : vector<128x512xf32> to vector<128xf32>
    %broadcast_in_dim3A_415 = vector.shape_cast %reduce_sum3A_414 : vector<128xf32> to vector<128x1xf32>
    %div3A_416 = arith.constant 5.120000e+02 : f32
    %div3A_417 = vector.broadcast %div3A_416 : f32 to vector<128x1xf32>
    %div3A_418 = arith.divf %broadcast_in_dim3A_415, %div3A_417 : vector<128x1xf32>
    %add3A_419 = arith.constant 9.99999974E-6 : f32
    %add3A_420 = vector.broadcast %add3A_419 : f32 to vector<128x1xf32>
    %add3A_421 = arith.addf %div3A_418, %add3A_420 : vector<128x1xf32>
    %rsqrt3A_422 = math.rsqrt %add3A_421 : vector<128x1xf32>
    %mul3A_423 = vector.broadcast %rsqrt3A_422 : vector<128x1xf32> to vector<128x512xf32>
    %mul3A_424 = arith.mulf %sub3A_411, %mul3A_423 : vector<128x512xf32>
    %mul3A_425 = vector.broadcast %get3A_34 : vector<1x512xf32> to vector<128x512xf32>
    %mul3A_426 = arith.mulf %mul3A_424, %mul3A_425 : vector<128x512xf32>
    %add3A_427 = vector.broadcast %get3A_37 : vector<1x512xf32> to vector<128x512xf32>
    %add3A_428 = arith.addf %mul3A_426, %add3A_427 : vector<128x512xf32>
    %max3A_429 = arith.maximumf %max3A_396, %add3A_428 : vector<128x512xf32>
    %get3A_430 = arith.constant 0 : index
    %get3A_431 = arith.constant 0 : index
    %get3A_432 = arith.constant 12 : index
    %get3A_433 = arith.constant 0 : index
    %get3A_434 = vector.load %arg2[%get3A_430, %get3A_431, %get3A_432, %get3A_433] : memref<1x128x16x512xf32, #tpu.memory_space<vmem>>, vector<1x128x1x512xf32>
    %get3A_435 = vector.shape_cast %get3A_434 : vector<1x128x1x512xf32> to vector<128x512xf32>
    %sub3A_436 = arith.subf %get3A_435, %add3A_31 : vector<128x512xf32>
    %reduce_sum3A_437 = arith.constant dense<0.000000e+00> : vector<128xf32>
    %reduce_sum3A_438 = vector.multi_reduction <add>, %sub3A_436, %reduce_sum3A_437 [1] : vector<128x512xf32> to vector<128xf32>
    %broadcast_in_dim3A_439 = vector.shape_cast %reduce_sum3A_438 : vector<128xf32> to vector<128x1xf32>
    %div3A_440 = arith.constant 5.120000e+02 : f32
    %div3A_441 = vector.broadcast %div3A_440 : f32 to vector<128x1xf32>
    %div3A_442 = arith.divf %broadcast_in_dim3A_439, %div3A_441 : vector<128x1xf32>
    %sub3A_443 = vector.broadcast %div3A_442 : vector<128x1xf32> to vector<128x512xf32>
    %sub3A_444 = arith.subf %sub3A_436, %sub3A_443 : vector<128x512xf32>
    %mul3A_445 = arith.mulf %sub3A_444, %sub3A_444 : vector<128x512xf32>
    %reduce_sum3A_446 = arith.constant dense<0.000000e+00> : vector<128xf32>
    %reduce_sum3A_447 = vector.multi_reduction <add>, %mul3A_445, %reduce_sum3A_446 [1] : vector<128x512xf32> to vector<128xf32>
    %broadcast_in_dim3A_448 = vector.shape_cast %reduce_sum3A_447 : vector<128xf32> to vector<128x1xf32>
    %div3A_449 = arith.constant 5.120000e+02 : f32
    %div3A_450 = vector.broadcast %div3A_449 : f32 to vector<128x1xf32>
    %div3A_451 = arith.divf %broadcast_in_dim3A_448, %div3A_450 : vector<128x1xf32>
    %add3A_452 = arith.constant 9.99999974E-6 : f32
    %add3A_453 = vector.broadcast %add3A_452 : f32 to vector<128x1xf32>
    %add3A_454 = arith.addf %div3A_451, %add3A_453 : vector<128x1xf32>
    %rsqrt3A_455 = math.rsqrt %add3A_454 : vector<128x1xf32>
    %mul3A_456 = vector.broadcast %rsqrt3A_455 : vector<128x1xf32> to vector<128x512xf32>
    %mul3A_457 = arith.mulf %sub3A_444, %mul3A_456 : vector<128x512xf32>
    %mul3A_458 = vector.broadcast %get3A_34 : vector<1x512xf32> to vector<128x512xf32>
    %mul3A_459 = arith.mulf %mul3A_457, %mul3A_458 : vector<128x512xf32>
    %add3A_460 = vector.broadcast %get3A_37 : vector<1x512xf32> to vector<128x512xf32>
    %add3A_461 = arith.addf %mul3A_459, %add3A_460 : vector<128x512xf32>
    %max3A_462 = arith.maximumf %max3A_429, %add3A_461 : vector<128x512xf32>
    %get3A_463 = arith.constant 0 : index
    %get3A_464 = arith.constant 0 : index
    %get3A_465 = arith.constant 13 : index
    %get3A_466 = arith.constant 0 : index
    %get3A_467 = vector.load %arg2[%get3A_463, %get3A_464, %get3A_465, %get3A_466] : memref<1x128x16x512xf32, #tpu.memory_space<vmem>>, vector<1x128x1x512xf32>
    %get3A_468 = vector.shape_cast %get3A_467 : vector<1x128x1x512xf32> to vector<128x512xf32>
    %sub3A_469 = arith.subf %get3A_468, %add3A_31 : vector<128x512xf32>
    %reduce_sum3A_470 = arith.constant dense<0.000000e+00> : vector<128xf32>
    %reduce_sum3A_471 = vector.multi_reduction <add>, %sub3A_469, %reduce_sum3A_470 [1] : vector<128x512xf32> to vector<128xf32>
    %broadcast_in_dim3A_472 = vector.shape_cast %reduce_sum3A_471 : vector<128xf32> to vector<128x1xf32>
    %div3A_473 = arith.constant 5.120000e+02 : f32
    %div3A_474 = vector.broadcast %div3A_473 : f32 to vector<128x1xf32>
    %div3A_475 = arith.divf %broadcast_in_dim3A_472, %div3A_474 : vector<128x1xf32>
    %sub3A_476 = vector.broadcast %div3A_475 : vector<128x1xf32> to vector<128x512xf32>
    %sub3A_477 = arith.subf %sub3A_469, %sub3A_476 : vector<128x512xf32>
    %mul3A_478 = arith.mulf %sub3A_477, %sub3A_477 : vector<128x512xf32>
    %reduce_sum3A_479 = arith.constant dense<0.000000e+00> : vector<128xf32>
    %reduce_sum3A_480 = vector.multi_reduction <add>, %mul3A_478, %reduce_sum3A_479 [1] : vector<128x512xf32> to vector<128xf32>
    %broadcast_in_dim3A_481 = vector.shape_cast %reduce_sum3A_480 : vector<128xf32> to vector<128x1xf32>
    %div3A_482 = arith.constant 5.120000e+02 : f32
    %div3A_483 = vector.broadcast %div3A_482 : f32 to vector<128x1xf32>
    %div3A_484 = arith.divf %broadcast_in_dim3A_481, %div3A_483 : vector<128x1xf32>
    %add3A_485 = arith.constant 9.99999974E-6 : f32
    %add3A_486 = vector.broadcast %add3A_485 : f32 to vector<128x1xf32>
    %add3A_487 = arith.addf %div3A_484, %add3A_486 : vector<128x1xf32>
    %rsqrt3A_488 = math.rsqrt %add3A_487 : vector<128x1xf32>
    %mul3A_489 = vector.broadcast %rsqrt3A_488 : vector<128x1xf32> to vector<128x512xf32>
    %mul3A_490 = arith.mulf %sub3A_477, %mul3A_489 : vector<128x512xf32>
    %mul3A_491 = vector.broadcast %get3A_34 : vector<1x512xf32> to vector<128x512xf32>
    %mul3A_492 = arith.mulf %mul3A_490, %mul3A_491 : vector<128x512xf32>
    %add3A_493 = vector.broadcast %get3A_37 : vector<1x512xf32> to vector<128x512xf32>
    %add3A_494 = arith.addf %mul3A_492, %add3A_493 : vector<128x512xf32>
    %max3A_495 = arith.maximumf %max3A_462, %add3A_494 : vector<128x512xf32>
    %get3A_496 = arith.constant 0 : index
    %get3A_497 = arith.constant 0 : index
    %get3A_498 = arith.constant 14 : index
    %get3A_499 = arith.constant 0 : index
    %get3A_500 = vector.load %arg2[%get3A_496, %get3A_497, %get3A_498, %get3A_499] : memref<1x128x16x512xf32, #tpu.memory_space<vmem>>, vector<1x128x1x512xf32>
    %get3A_501 = vector.shape_cast %get3A_500 : vector<1x128x1x512xf32> to vector<128x512xf32>
    %sub3A_502 = arith.subf %get3A_501, %add3A_31 : vector<128x512xf32>
    %reduce_sum3A_503 = arith.constant dense<0.000000e+00> : vector<128xf32>
    %reduce_sum3A_504 = vector.multi_reduction <add>, %sub3A_502, %reduce_sum3A_503 [1] : vector<128x512xf32> to vector<128xf32>
    %broadcast_in_dim3A_505 = vector.shape_cast %reduce_sum3A_504 : vector<128xf32> to vector<128x1xf32>
    %div3A_506 = arith.constant 5.120000e+02 : f32
    %div3A_507 = vector.broadcast %div3A_506 : f32 to vector<128x1xf32>
    %div3A_508 = arith.divf %broadcast_in_dim3A_505, %div3A_507 : vector<128x1xf32>
    %sub3A_509 = vector.broadcast %div3A_508 : vector<128x1xf32> to vector<128x512xf32>
    %sub3A_510 = arith.subf %sub3A_502, %sub3A_509 : vector<128x512xf32>
    %mul3A_511 = arith.mulf %sub3A_510, %sub3A_510 : vector<128x512xf32>
    %reduce_sum3A_512 = arith.constant dense<0.000000e+00> : vector<128xf32>
    %reduce_sum3A_513 = vector.multi_reduction <add>, %mul3A_511, %reduce_sum3A_512 [1] : vector<128x512xf32> to vector<128xf32>
    %broadcast_in_dim3A_514 = vector.shape_cast %reduce_sum3A_513 : vector<128xf32> to vector<128x1xf32>
    %div3A_515 = arith.constant 5.120000e+02 : f32
    %div3A_516 = vector.broadcast %div3A_515 : f32 to vector<128x1xf32>
    %div3A_517 = arith.divf %broadcast_in_dim3A_514, %div3A_516 : vector<128x1xf32>
    %add3A_518 = arith.constant 9.99999974E-6 : f32
    %add3A_519 = vector.broadcast %add3A_518 : f32 to vector<128x1xf32>
    %add3A_520 = arith.addf %div3A_517, %add3A_519 : vector<128x1xf32>
    %rsqrt3A_521 = math.rsqrt %add3A_520 : vector<128x1xf32>
    %mul3A_522 = vector.broadcast %rsqrt3A_521 : vector<128x1xf32> to vector<128x512xf32>
    %mul3A_523 = arith.mulf %sub3A_510, %mul3A_522 : vector<128x512xf32>
    %mul3A_524 = vector.broadcast %get3A_34 : vector<1x512xf32> to vector<128x512xf32>
    %mul3A_525 = arith.mulf %mul3A_523, %mul3A_524 : vector<128x512xf32>
    %add3A_526 = vector.broadcast %get3A_37 : vector<1x512xf32> to vector<128x512xf32>
    %add3A_527 = arith.addf %mul3A_525, %add3A_526 : vector<128x512xf32>
    %max3A_528 = arith.maximumf %max3A_495, %add3A_527 : vector<128x512xf32>
    %get3A_529 = arith.constant 0 : index
    %get3A_530 = arith.constant 0 : index
    %get3A_531 = arith.constant 15 : index
    %get3A_532 = arith.constant 0 : index
    %get3A_533 = vector.load %arg2[%get3A_529, %get3A_530, %get3A_531, %get3A_532] : memref<1x128x16x512xf32, #tpu.memory_space<vmem>>, vector<1x128x1x512xf32>
    %get3A_534 = vector.shape_cast %get3A_533 : vector<1x128x1x512xf32> to vector<128x512xf32>
    %sub3A_535 = arith.subf %get3A_534, %add3A_31 : vector<128x512xf32>
    %reduce_sum3A_536 = arith.constant dense<0.000000e+00> : vector<128xf32>
    %reduce_sum3A_537 = vector.multi_reduction <add>, %sub3A_535, %reduce_sum3A_536 [1] : vector<128x512xf32> to vector<128xf32>
    %broadcast_in_dim3A_538 = vector.shape_cast %reduce_sum3A_537 : vector<128xf32> to vector<128x1xf32>
    %div3A_539 = arith.constant 5.120000e+02 : f32
    %div3A_540 = vector.broadcast %div3A_539 : f32 to vector<128x1xf32>
    %div3A_541 = arith.divf %broadcast_in_dim3A_538, %div3A_540 : vector<128x1xf32>
    %sub3A_542 = vector.broadcast %div3A_541 : vector<128x1xf32> to vector<128x512xf32>
    %sub3A_543 = arith.subf %sub3A_535, %sub3A_542 : vector<128x512xf32>
    %mul3A_544 = arith.mulf %sub3A_543, %sub3A_543 : vector<128x512xf32>
    %reduce_sum3A_545 = arith.constant dense<0.000000e+00> : vector<128xf32>
    %reduce_sum3A_546 = vector.multi_reduction <add>, %mul3A_544, %reduce_sum3A_545 [1] : vector<128x512xf32> to vector<128xf32>
    %broadcast_in_dim3A_547 = vector.shape_cast %reduce_sum3A_546 : vector<128xf32> to vector<128x1xf32>
    %div3A_548 = arith.constant 5.120000e+02 : f32
    %div3A_549 = vector.broadcast %div3A_548 : f32 to vector<128x1xf32>
    %div3A_550 = arith.divf %broadcast_in_dim3A_547, %div3A_549 : vector<128x1xf32>
    %add3A_551 = arith.constant 9.99999974E-6 : f32
    %add3A_552 = vector.broadcast %add3A_551 : f32 to vector<128x1xf32>
    %add3A_553 = arith.addf %div3A_550, %add3A_552 : vector<128x1xf32>
    %rsqrt3A_554 = math.rsqrt %add3A_553 : vector<128x1xf32>
    %mul3A_555 = vector.broadcast %rsqrt3A_554 : vector<128x1xf32> to vector<128x512xf32>
    %mul3A_556 = arith.mulf %sub3A_543, %mul3A_555 : vector<128x512xf32>
    %mul3A_557 = vector.broadcast %get3A_34 : vector<1x512xf32> to vector<128x512xf32>
    %mul3A_558 = arith.mulf %mul3A_556, %mul3A_557 : vector<128x512xf32>
    %add3A_559 = vector.broadcast %get3A_37 : vector<1x512xf32> to vector<128x512xf32>
    %add3A_560 = arith.addf %mul3A_558, %add3A_559 : vector<128x512xf32>
    %max3A_561 = arith.maximumf %max3A_528, %add3A_560 : vector<128x512xf32>
    %max3A_562 = arith.constant 0.000000e+00 : f32
    %max3A_563 = vector.broadcast %max3A_562 : f32 to vector<128x512xf32>
    %max3A_564 = arith.maximumf %max3A_561, %max3A_563 : vector<128x512xf32>
    %swap3A = arith.constant 0 : index
    %swap3A_565 = arith.constant 0 : index
    %swap3A_566 = vector.load %arg9[%swap3A, %swap3A_565] : memref<128x512xf32, #tpu.memory_space<vmem>>, vector<128x512xf32>
    tpu.vector_store %arg9[%swap3A, %swap3A_565], %max3A_564 {strides = array<i32>} : memref<128x512xf32, #tpu.memory_space<vmem>>, vector<128x512xf32>,
    return
  }
  func.func @transform_0(%arg0: i32, %arg1: i32) -> (i32, i32, i32, i32) {
    %c0_i32 = arith.constant 0 : i32
    %c0_i32_0 = arith.constant 0 : i32
    %c0_i32_1 = arith.constant 0 : i32
    return %arg0, %arg1, %c0_i32, %c0_i32_0 : i32, i32, i32, i32
  }
  func.func @transform_1(%arg0: i32, %arg1: i32) -> (i32, i32, i32) {
    %c0_i32 = arith.constant 0 : i32
    %c0_i32_0 = arith.constant 0 : i32
    return %arg0, %arg1, %c0_i32 : i32, i32, i32
  }
  func.func @transform_2(%arg0: i32, %arg1: i32) -> (i32, i32, i32) {
    %c0_i32 = arith.constant 0 : i32
    %c0_i32_0 = arith.constant 0 : i32
    return %arg0, %arg1, %c0_i32 : i32, i32, i32
  }
  func.func @transform_3(%arg0: i32, %arg1: i32) -> (i32, i32, i32) {
    %c0_i32 = arith.constant 0 : i32
    %c0_i32_0 = arith.constant 0 : i32
    return %arg0, %arg1, %c0_i32 : i32, i32, i32
  }
  func.func @transform_4(%arg0: i32, %arg1: i32) -> (i32, i32) {
    %c0_i32 = arith.constant 0 : i32
    %c0_i32_0 = arith.constant 0 : i32
    %c0_i32_1 = arith.constant 0 : i32
    return %c0_i32, %c0_i32_0 : i32, i32
  }
  func.func @transform_5(%arg0: i32, %arg1: i32) -> (i32, i32) {
    %c0_i32 = arith.constant 0 : i32
    %c0_i32_0 = arith.constant 0 : i32
    %c0_i32_1 = arith.constant 0 : i32
    return %c0_i32, %c0_i32_0 : i32, i32
  }
  func.func @transform_6(%arg0: i32, %arg1: i32) -> (i32, i32) {
    %c0_i32 = arith.constant 0 : i32
    %c0_i32_0 = arith.constant 0 : i32
    %c0_i32_1 = arith.constant 0 : i32
    return %c0_i32, %c0_i32_0 : i32, i32
  }
  func.func @transform_7(%arg0: i32, %arg1: i32) -> (i32, i32) {
    %mul3A = arith.constant 8 : i32
    %mul3A_0 = arith.muli %arg0, %mul3A : i32
    %add3A = arith.addi %mul3A_0, %arg1 : i32
    %c0_i32 = arith.constant 0 : i32
    %c0_i32_1 = arith.constant 0 : i32
    return %add3A, %c0_i32 : i32, i32
  }
}

</mosaic_0001>

<sc_bundles>
// kernel: kernel.13.cloned.1.call-start
scs
__scs_entry_jumppad:
0x0: {  	(pc) =	sbr.rel $0x88, $3  }
0x1: {  	(tag) =	ssettag $0x0;
	lr =	simm.s32 $0x1  }
0x2: {  	[smem:$0x3F9C] =	sst lr;
	_ =	strace $0xD0000000  }
0x3: {  	_ = 	snop  }
0x4: {  	_ = 	snop  }
0x5: {  	_ = 	snop  }
0x6: {  	_ = 	snop  }
0x7: {  	_ = 	snop  }
__scs_overlays_trampoline_lowered:
0x8: {  	[smem:$0x3FAB] =	sst s0  }
0x9: {  	[smem:$0x3FAC] =	sst s1  }
0xa: {  	[smem:$0x3FAD] =	sst s2  }
0xb: {  	[smem:$0x3FAE] =	sst s3  }
0xc: {  	[smem:$0x3FAF] =	sst s4  }
0xd: {  	[smem:$0x3FB0] =	sst s5  }
0xe: {  	[smem:$0x3FB1] =	sst s6  }
0xf: {  	[smem:$0x3FB2] =	sst s7  }
0x10: {  	[smem:$0x3FB3] =	sst s8  }
0x11: {  	[smem:$0x3FB4] =	sst s9;
	s0 =	simm.s32 @!p0 $0x0  }
0x12: {  	s1 =	sld [smem:$0x3F9A];
	s0 =	simm.s32 @p0 $0x1  }
0x13: {  	[smem:$0x3FB5] =	sst s0;
	s0 =	simm.s32 @!p1 $0x0  }
0x14: {  	s2 =	sld [smem:$0x3F99];
	s0 =	simm.s32 @p1 $0x1  }
0x15: {  	[smem:$0x3FB6] =	sst s0;
	s0 =	simm.s32 @!p2 $0x0  }
0x16: {  	s3 =	sld [smem:$0x3FDB];
	s0 =	simm.s32 @p2 $0x1  }
0x17: {  	s4 =	simm.s32 $0x1BF5;
	[smem:$0x3FB8] =	sst s0  }
0x18: {  	s0 =	sld [smem:$0x3F9B];
	_ =	swait.ge [sflag:s4], $0x0  }
0x19: {  	s7 =	sld [smem:$0x3F9C]  }
0x1a: {  	s8 =	sadd.s32 $0xFFFFE003, lr  }
0x1b: {  	s9 =	sadd.s32 $0xFFFFFEF7, lr;
	s5 =	simm.s32 $0xFFFFFFFF;
	p2 =	slt.u32 s8, $0xFFFFF086  }
0x1c: {  	p1 =	slt.u32 s9, $0xF7A;
	s5 =	simm.s32 @!p2 $0x0  }
0x1d: {  	s5 =	simm.s32 @p1 $0x1;
	p0 =	seq.s32 s7, s2  }
0x1e: {  	s7 =	smul.u32 @!p0 $0xF7A, s2;
	p2 =	seq.s32 @!p0 s5, $0x0  }
0x1f: {  	s9 =	smul.u32 $0xF7A, s1;
	s8 =	simm.s32 @!p0 $0x1BF5;
	p2 =	por !p2, p0  }
0x20: {  	[sflag:s8] =	ssyncset.s32 @!p0 $0xFFFFF086;
	s6 =	sadd.s32 @!p0 s3, s7;
	s7 =	simm.s32 @!p0 $0x108  }
0x21: {  	s3 =	sadd.s32 s3, s9;
	s6 =	sadd.s32 @!p0 $0x88, s6;
	s7 =	simm.s32 @p2 $0x1082  }
0x22: {  	[simem:s7], [sflag:s8] =	dma.local @!p0 [hbm:s6], $0xF7A  }
0x23: {  	s9 =	sor.u32 $0xD0000000, s2;
	s6 =	simm.s32 $0x108;
	_ =	swait.ge @!p0 [sflag:s8], $0x0  }
0x24: {  	s3 =	sadd.s32 $0x88, s3;
	s6 =	simm.s32 @!p1 $0x1082;
	[sflag:s4] =	ssyncset.s32 $0xFFFFF086  }
0x25: {  	[simem:s6], [sflag:s4] =	dma.local [hbm:s3], $0xF7A  }
0x26: {  	[smem:$0x3F9C] =	sst s1;
	(tag) =	ssettag s2;
	_ =	strace s9  }
0x27: {  	s1 =	sld [smem:$0x3FAC]  }
0x28: {  	s2 =	sld [smem:$0x3FAD]  }
0x29: {  	s4 =	sld [smem:$0x3FAF]  }
0x2a: {  	p0 =	seq.s32 s5, $0x0;
	s5 =	sld [smem:$0x3FB0]  }
0x2b: {  	s6 =	sld [smem:$0x3FB1]  }
0x2c: {  	s7 =	sld [smem:$0x3FB2]  }
0x2d: {  	s3 =	simm.s32 $0x108;
	s8 =	sld [smem:$0x3FB3]  }
0x2e: {  	s3 =	simm.s32 @!p0 $0x1082;
	s9 =	sld [smem:$0x3FB4]  }
0x2f: {  	lr =	sadd.s32 s0, s3;
	s0 =	sld [smem:$0x3FAB]  }
0x30: {  	s3 =	sld [smem:$0x3FAE]  }
0x31: {  	[smem:$0x3FB7] =	sst s10  }
0x32: {  	s10 =	sld [smem:$0x3FB5];
	_ =	sdelay $0x3  }
0x33: {  	p0 =	seq.s32 s10, $0x1;
	s10 =	sld [smem:$0x3FB7];
	_ =	sdelay $0x3  }
0x34: {  	[smem:$0x3FB7] =	sst s10  }
0x35: {  	s10 =	sld [smem:$0x3FB6];
	_ =	sdelay $0x3  }
0x36: {  	p1 =	seq.s32 s10, $0x1;
	s10 =	sld [smem:$0x3FB7];
	_ =	sdelay $0x3  }
0x37: {  	[smem:$0x3FB7] =	sst s10  }
0x38: {  	s10 =	sld [smem:$0x3FB8]  }
0x39: {  	_ = 	snop;
	(pc) =	sbr.ind lr, $3  }
0x3a: {  	_ = 	snop  }
0x3b: {  	_ = 	snop  }
0x3c: {  	p2 =	seq.s32 s10, $0x1;
	s10 =	sld [smem:$0x3FB7]  }
0x3d: {  	_ =	shalt  }
0x3e: {  	_ =	shalt  }
0x3f: {  	_ =	shalt  }
0x40: {  	_ =	shalt  }
0x41: {  	_ =	shalt  }
0x42: {  	_ =	shalt  }
0x43: {  	_ =	shalt  }
0x44: {  	_ =	shalt  }
0x45: {  	_ =	shalt  }
0x46: {  	_ =	shalt  }
0x47: {  	_ =	shalt  }
0x48: {  	_ =	shalt  }
0x49: {  	_ =	shalt  }
0x4a: {  	_ =	shalt  }
0x4b: {  	_ =	shalt  }
0x4c: {  	_ =	shalt  }
0x4d: {  	_ =	shalt  }
0x4e: {  	_ =	shalt  }
0x4f: {  	_ =	shalt  }
0x50: {  	_ =	shalt  }
0x51: {  	_ =	shalt  }
0x52: {  	_ =	shalt  }
0x53: {  	_ =	shalt  }
0x54: {  	_ =	shalt  }
0x55: {  	_ =	shalt  }
0x56: {  	_ =	shalt  }
0x57: {  	_ =	shalt  }
0x58: {  	_ =	shalt  }
0x59: {  	_ =	shalt  }
0x5a: {  	_ =	shalt  }
0x5b: {  	_ =	shalt  }
0x5c: {  	_ =	shalt  }
0x5d: {  	_ =	shalt  }
0x5e: {  	_ =	shalt  }
0x5f: {  	_ =	shalt  }
0x60: {  	_ =	shalt  }
0x61: {  	_ =	shalt  }
0x62: {  	_ =	shalt  }
0x63: {  	_ =	shalt  }
0x64: {  	_ =	shalt  }
0x65: {  	_ =	shalt  }
0x66: {  	_ =	shalt  }
0x67: {  	_ =	shalt  }
0x68: {  	_ =	shalt  }
0x69: {  	_ =	shalt  }
0x6a: {  	_ =	shalt  }
0x6b: {  	_ =	shalt  }
0x6c: {  	_ =	shalt  }
0x6d: {  	_ =	shalt  }
0x6e: {  	_ =	shalt  }
0x6f: {  	_ =	shalt  }
0x70: {  	_ =	shalt  }
0x71: {  	_ =	shalt  }
0x72: {  	_ =	shalt  }
0x73: {  	_ =	shalt  }
0x74: {  	_ =	shalt  }
0x75: {  	_ =	shalt  }
0x76: {  	_ =	shalt  }
0x77: {  	_ =	shalt  }
0x78: {  	_ =	shalt  }
0x79: {  	_ =	shalt  }
0x7a: {  	_ =	shalt  }
0x7b: {  	_ =	shalt  }
0x7c: {  	_ =	shalt  }
0x7d: {  	_ =	shalt  }
0x7e: {  	_ =	shalt  }
0x7f: {  	_ =	shalt  }
0x80: {  	_ =	shalt  }
0x81: {  	_ =	shalt  }
0x82: {  	_ =	shalt  }
0x83: {  	_ =	shalt  }
0x84: {  	_ =	shalt  }
0x85: {  	_ =	shalt  }
0x86: {  	_ =	shalt  }
0x87: {  	_ =	shalt  }
.Lfunc_end0:
.L_simem_size_0:
called_computation_lowered:
.L_overlay_start_0:
0x88: {  	s2 =	sld [smem:$0x3FD9]  }
0x89: {  	s3 =	sld [smem:$0x3FFE];
	_ =	sdelay $0x1  }
0x8a: {  	s1 =	srdreg.scid  }
0x8b: {  	s0 =	sand.u32 $0x1, s1  }
0x8c: {  	s17 =	sshll.u32 s0, $0xA;
	s2 =	sadd.s32 s3, s2  }
0x8d: {  	s2 =	sadd.s32 s2, s17  }
0x8e: {  	[smem:$0x3FC3] =	sst s2  }
0x8f: {  	_ = 	snop  }
0x90: {  	(tm) =	ssettm $0x1  }
0x91: {  	s18 =	sld [smem:$0x3FFB];
	_ =	sdelay $0x3  }
0x92: {  	_ =	strace s18  }
0x93: {  	s2 =	sld [smem:$0x3FFC];
	_ =	sdelay $0x3  }
0x94: {  	_ =	strace s2  }
0x95: {  	s2 =	sld [smem:$0x3FFD];
	_ =	sdelay $0x3  }
0x96: {  	_ =	strace s2  }
0x97: {  	_ =	strace $0x8FFFFFFF  }
0x98: {  	s19 =	sld [smem:$0x3FDB];
	_ =	sdelay $0x1  }
0x99: {  	s20 =	simm.s32 $_scs_section_size  }
0x9a: {  	s4 =	simm.s32 $_size__tile_overlayer_lowered;
	s5 =	simm.s32 $_tile_overlayer_lowered  }
0x9b: {  	s6 =	simm.s32 $0x1BFF;
	s21 =	sshll.u32 s5, $0x1;
	s3 =	sadd.s32 s20, s19  }
0x9c: {  	s22 =	simm.s32 $0x0;
	s4 =	sshll.u32 s4, $0x1;
	s5 =	sadd.s32 s21, s3  }
0x9d: {  	[timem:s22], [sflag:s6] =	dma.local [hbm:s5], s4  }
0x9e: {  	_ =	swait.ge [sflag:s6], s4  }
0x9f: {  	s4 =	ssub.s32 $0x0, s4;
	[sflag:s6] =	ssyncset.done $0x0  }
0xa0: {  	[sflag:s6] =	ssyncadd.s32 s4;
	_ =	sdelay $0x1  }
0xa1: {  	s23 =	simm.s32 $0x1B8B  }
0xa2: {  	_ =	swait.ge [sflag:s23], $0x1  }
0xa3: {  	[sflag:s23] =	ssyncset.done $0x0  }
0xa4: {  	[sflag:s23] =	ssyncadd.s32 $0xFFFFFFFF  }
0xa5: {  	s4 =	sld [smem:$0x0]  }
0xa6: {  	s5 =	sand.u32 $0xFFFFFFFE, s1  }
0xa7: {  	p0 =	sne.s32 s1, s5  }
0xa8: {  	s5 =	sshll.u32 @p0 s5, $0xE  }
0xa9: {  	s5 =	sadd.s32 @p0 $0x11B8D, s5;
	s6 =	sshll.u32 @p0 s4, $0x11  }
0xaa: {  	s5 =	sor.u32 @p0 s6, s5  }
0xab: {  	[sflag:s5] =	ssyncadd.remote.s32 @p0 $0x1;
	_ =	sdelay $0x1  }
0xac: {  	s5 =	simm.s32 @p0 $0x1B8D  }
0xad: {  	_ =	swait.eq @p0 [sflag:s5], $0x1  }
0xae: {  	[sflag:s5] =	ssyncadd.s32 @p0 $0xFFFFFFFF  }
0xaf: {  	s6 =	sshll.u32 @!p0 s1, $0xE  }
0xb0: {  	s6 =	sor.u32 @!p0 $0x4000, s6;
	s5 =	simm.s32 @!p0 $0x1B8D  }
0xb1: {  	s4 =	sshll.u32 @!p0 s4, $0x11;
	s6 =	sadd.s32 @!p0 $0x11B8D, s6;
	_ =	swait.eq @!p0 [sflag:s5], $0x1  }
0xb2: {  	s4 =	sor.u32 @!p0 s4, s6;
	[sflag:s5] =	ssyncadd.s32 @!p0 $0xFFFFFFFF  }
0xb3: {  	s25 =	simm.s32 $0x1B8E;
	s24 =	sld [smem:$0x3FFE];
	[sflag:s4] =	ssyncadd.remote.s32 @!p0 $0x1  }
0xb4: {  	s26 =	simm.s32 $execute0_lowered;
	[smem:$0x3FD2] =	sst s25  }
0xb5: {  	s5 =	sshll.u32 s26, $0x1;
	_ =	strace $0x8000004F;
	[dreg:$0x1] =	wrdreg $0xFFFFFFFF  }
0xb6: {  	s28 =	simm.s32 $_size_execute0_lowered;
	s3 =	sadd.s32 s3, s5;
	[dreg:$0x0] =	wrdreg $0x0  }
0xb7: {  	s5 =	sshll.u32 s28, $0x1;
	[dreg:$0x2] =	wrdreg s3  }
0xb8: {  	[dreg:$0x3] =	wrdreg s5  }
0xb9: {  	[dreg:$0x4] =	wrdreg $0xC0  }
0xba: {  	_ =	task [dreg:s22], $0x5FFFF  }
0xbb: {  	[dreg:$0x1] =	wrdreg $0xFFFFFFFF  }
0xbc: {  	[dreg:$0x0] =	wrdreg $0x60  }
0xbd: {  	[dreg:$0x2] =	wrdreg s24  }
0xbe: {  	[dreg:$0x3] =	wrdreg $0x9  }
0xbf: {  	_ =	task.clear_ibuf [dreg:s22], $0x4FFFF;
	_ =	strace $0x9000004F  }
0xc0: {  	s29 =	simm.s32 $0x9;
	_ =	strace $0x80000051  }
0xc1: {  	_ =	swait.ge [sflag:s29], $0x1  }
0xc2: {  	[sflag:s29] =	ssyncadd.s32 $0xFFFFFFFF  }
0xc3: {  	_ =	strace $0x90000051  }
0xc4: {  	_ =	sfence  }
0xc5: {  	s30 =	sld [smem:$0x0];
	_ =	sdelay $0x2  }
0xc6: {  	s31 =	sshll.u32 s1, $0xD;
	s1 =	sshrl.u32 s1, $0x2  }
0xc7: {  	s4 =	sand.u32 $0x4000, s31;
	s1 =	sadd.s32 s1, s30  }
0xc8: {  	s0 =	sor.u32 s4, s0;
	s1 =	sshll.u32 s1, $0x11  }
0xc9: {  	s0 =	sor.u32 s1, s0  }
0xca: {  	s0 =	sadd.s32 $0x8F2B, s0  }
0xcb: {  	[sflag:s0] =	ssyncadd.remote.s32 $0x1  }
0xcc: {  	_ =	sfence.sel $0xFFFF  }
0xcd: {  	[dreg:$0x0] =	wrdreg $0xFFFFFFFF;
	(pc) =	sbr.abs _section_cstart, $3  }
0xce: {  	[dreg:$0x1] =	wrdreg $0xFFFFFFFF  }
0xcf: {  	_ =	task.clear_ibuf [dreg:s22], $0x2FFFF;
	_ =	strace $0x9FFFFFFF  }
0xd0: {  	(tm) =	ssettm $0x7FFFFFFF  }
0xd1: {  	_ =	shalt  }
tec
execute0_lowered:
.L_overlay_start_1:
0x0: {  	(tag) =	ssettag $0x1  }
0x1: {  	s0 =	srdreg.scid  }
0x2: {  	s5 =	stileid.u32;
	s4 =	rddreg [dreg:$0x0];
	s15 =	simm.s32 $0x880  }
0x3: {  	s16 =	simm.s32 $0x1080;
	s18 =	simm.s32 $0x1880;
	s19 =	simm.s32 $0x2080  }
0x4: {  	s20 =	simm.s32 $0x2880;
	s21 =	simm.s32 $0x3080;
	s22 =	simm.s32 $0x3880  }
0x5: {  	s23 =	simm.s32 $0x4080;
	s24 =	simm.s32 $0x4880;
	s25 =	simm.s32 $0x5080  }
0x6: {  	s26 =	simm.s32 $0x5880;
	s8 =	simm.s32 $0x80;
	s0 =	sand.u32 $0x1, s0  }
0x7: {  	s9 =	simm.s32 $0x6080;
	s1 =	sshll.u32 s5, $0xA;
	s2 =	sshll.u32 s0, $0x9  }
0x8: {  	s10 =	simm.s32 $0x6880;
	s1 =	sor.u32 s2, s1;
	s2 =	simm.s32 $0x0  }
0x9: {  	s11 =	simm.s32 $0x7080;
	s12 =	simm.s32 $0x7880;
	[smem:$0x7FF] =	sst s2  }
0xa: {  	s13 =	simm.s32 $0x8080;
	_ =	strace $0x80000050;
	[dreg:$0x3] =	wrdreg s15  }
0xb: {  	s14 =	simm.s32 $0x8880;
	s28 =	simm.s32 $0xF080;
	[dreg:$0x4] =	wrdreg s16  }
0xc: {  	s29 =	simm.s32 $0xF880;
	s30 =	simm.s32 $0x1;
	[dreg:$0x5] =	wrdreg s18  }
0xd: {  	s31 =	simm.s32 $0x0;
	s5 =	sshll.u32 s5, $0x10;
	[dreg:$0x6] =	wrdreg s19  }
0xe: {  	s3 =	sadd.s32 $0x35E00, s4;
	s6 =	sadd.s32 s5, s4;
	[dreg:$0x7] =	wrdreg s20  }
0xf: {  	s17 =	ssub.s32 $0x2, s0;
	s0 =	sshll.u32 s0, $0xF;
	[dreg:$0x8] =	wrdreg s21  }
0x10: {  	s7 =	sshrl.u32 s17, $0x1;
	s0 =	sadd.s32 s0, s6;
	[dreg:$0x9] =	wrdreg s22  }
0x11: {  	s1 =	sshrl.u32 s1, $0x3;
	s0 =	sadd.s32 $0x435E00, s0;
	[dreg:$0xa] =	wrdreg s23  }
0x12: {  	s5 =	ssub.s32 s17, s7;
	s7 =	simm.s32 $0x2;
	[dreg:$0xf] =	wrdreg s0  }
0x13: {  	s17 =	simm.s32 $0xA080;
	s1 =	sadd.s32 s1, s4;
	[dreg:$0xb] =	wrdreg s24  }
0x14: {  	s4 =	sadd.s32 $0x35F00, s4;
	s5 =	smax.u32 s5, $0x1;
	[dreg:$0xc] =	wrdreg s25  }
0x15: {  	[dreg:$0xd] =	wrdreg s26;
	s15 =	simm.s32 $0x9080;
	s16 =	simm.s32 $0x9880  }
0x16: {  	s18 =	simm.s32 $0xA880;
	s19 =	simm.s32 $0xB080;
	s20 =	simm.s32 $0xB880  }
0x17: {  	v2 =	vlaneseq.u32;
	s21 =	simm.s32 $0xC080;
	s22 =	simm.s32 $0xC880;
	s23 =	simm.s32 $0xD080  }
0x18: {  	vm0 =	vmmov $0xffff;
	v1 =	vshrl.u32 v2, $0x3;
	s24 =	simm.s32 $0xD880;
	s1 =	sadd.s32 $0x24600, s1;
	[dreg:$0xe] =	wrdreg s5  }
0x19: {  	v0 =	vand.u32 $0x7, v2;
	v2 =	vor.u32 $0x8, v2;
	v1 =	vmul.u32 $0x8, v1;
	s25 =	simm.s32 $0xE080;
	s26 =	simm.s32 $0xE880;
	[dreg:$0x2] =	wrdreg s1  }
.LBB2_1:
0x1a: {  	s6 =	rddreg [dreg:$0xf];
	s0 =	simm.s32 $0x0  }
.LBB2_2:
0x1b: {  	s5 =	rddreg [dreg:$0x2]  }
0x1c: {  	s5 =	sadd.s32 s0, s5  }
0x1d: {  	[tilespmem:s2], [sflag:$0x2] =	stream.linear.gather [hbm4b:s5+s2], $0x80, $0x38;
	[tilespmem:$0x10080] =	vst v63  }
0x1e: {  	_ =	swait.ge [sflag:s7], $0x80  }
0x1f: {  	[sflag:s7] =	ssyncset.done $0x0  }
0x20: {  	[sflag:s7] =	ssyncadd.s32 $0xFFFFFF80  }
0x21: {  	v3 =	vld [tilespmem:$0x0];
	_ =	sdelay $0x4  }
0x22: {  	v4 =	vshll.u32 v3, $0x2  }
0x23: {  	v3 =	vand.u32 $0x7, v3;
	v4 =	vand.u32 $0xFFFFFFE0, v4  }
0x24: {  	v3 =	vor.u32 v3, v4  }
0x25: {  	v4 =	vperm.xlane v3, v0;
	_ =	sdelay $0x1  }
0x26: {  	v4 =	vadd.s32 v1, v4;
	_ =	sdelay $0x1  }
0x27: {  	v3 =	vperm.xlane v3, v2;
	_ =	sdelay $0x1  }
0x28: {  	v3 =	vadd.s32 v1, v3  }
0x29: {  	[tilespmem:s8], [sflag:$0x1] =	stream.indirect_vreg.gather [hbm4b:s3+s2], $0x80, v4, vm0, $0xb8;
	[tilespmem:$0x10080] =	vst v63  }
0x2a: {  	s5 =	rddreg [dreg:$0x3]  }
0x2b: {  	[tilespmem:s5], [sflag:$0x1] =	stream.indirect_vreg.gather [hbm4b:s4+s2], $0x80, v4, vm0, $0xb8;
	[tilespmem:$0x10080] =	vst v63  }
0x2c: {  	s1 =	rddreg [dreg:$0x4]  }
0x2d: {  	[tilespmem:s1], [sflag:$0x1] =	stream.indirect_vreg.gather [hbm4b:s3+s2], $0x80, v3, vm0, $0xb8;
	[tilespmem:$0x10080] =	vst v63  }
0x2e: {  	s5 =	rddreg [dreg:$0x5]  }
0x2f: {  	[tilespmem:s5], [sflag:$0x1] =	stream.indirect_vreg.gather [hbm4b:s4+s2], $0x80, v3, vm0, $0xb8;
	[tilespmem:$0x10080] =	vst v63  }
0x30: {  	v3 =	vld [tilespmem:$0x10];
	_ =	sdelay $0x4  }
0x31: {  	v57 =	vshll.u32 v3, $0x2  }
0x32: {  	v3 =	vand.u32 $0x7, v3;
	v4 =	vand.u32 $0xFFFFFFE0, v57  }
0x33: {  	v3 =	vor.u32 v3, v4  }
0x34: {  	v4 =	vperm.xlane v3, v0;
	_ =	sdelay $0x1  }
0x35: {  	v4 =	vadd.s32 v1, v4;
	_ =	sdelay $0x1  }
0x36: {  	v3 =	vperm.xlane v3, v2;
	_ =	sdelay $0x1  }
0x37: {  	s1 =	rddreg [dreg:$0x6];
	v3 =	vadd.s32 v1, v3  }
0x38: {  	[tilespmem:s1], [sflag:$0x1] =	stream.indirect_vreg.gather [hbm4b:s3+s2], $0x80, v4, vm0, $0xb8;
	[tilespmem:$0x10080] =	vst v63  }
0x39: {  	s5 =	rddreg [dreg:$0x7]  }
0x3a: {  	[tilespmem:s5], [sflag:$0x1] =	stream.indirect_vreg.gather [hbm4b:s4+s2], $0x80, v4, vm0, $0xb8;
	[tilespmem:$0x10080] =	vst v63  }
0x3b: {  	s1 =	rddreg [dreg:$0x8]  }
0x3c: {  	[tilespmem:s1], [sflag:$0x1] =	stream.indirect_vreg.gather [hbm4b:s3+s2], $0x80, v3, vm0, $0xb8;
	[tilespmem:$0x10080] =	vst v63  }
0x3d: {  	s5 =	rddreg [dreg:$0x9]  }
0x3e: {  	[tilespmem:s5], [sflag:$0x1] =	stream.indirect_vreg.gather [hbm4b:s4+s2], $0x80, v3, vm0, $0xb8;
	[tilespmem:$0x10080] =	vst v63  }
0x3f: {  	v3 =	vld [tilespmem:$0x20];
	_ =	sdelay $0x4  }
0x40: {  	v58 =	vshll.u32 v3, $0x2  }
0x41: {  	v3 =	vand.u32 $0x7, v3;
	v4 =	vand.u32 $0xFFFFFFE0, v58  }
0x42: {  	v3 =	vor.u32 v3, v4  }
0x43: {  	v4 =	vperm.xlane v3, v0;
	_ =	sdelay $0x1  }
0x44: {  	v4 =	vadd.s32 v1, v4;
	_ =	sdelay $0x1  }
0x45: {  	v3 =	vperm.xlane v3, v2;
	_ =	sdelay $0x1  }
0x46: {  	s1 =	rddreg [dreg:$0xa];
	v3 =	vadd.s32 v1, v3  }
0x47: {  	[tilespmem:s1], [sflag:$0x1] =	stream.indirect_vreg.gather [hbm4b:s3+s2], $0x80, v4, vm0, $0xb8;
	[tilespmem:$0x10080] =	vst v63  }
0x48: {  	s5 =	rddreg [dreg:$0xb]  }
0x49: {  	[tilespmem:s5], [sflag:$0x1] =	stream.indirect_vreg.gather [hbm4b:s4+s2], $0x80, v4, vm0, $0xb8;
	[tilespmem:$0x10080] =	vst v63  }
0x4a: {  	s1 =	rddreg [dreg:$0xc]  }
0x4b: {  	[tilespmem:s1], [sflag:$0x1] =	stream.indirect_vreg.gather [hbm4b:s3+s2], $0x80, v3, vm0, $0xb8;
	[tilespmem:$0x10080] =	vst v63  }
0x4c: {  	s5 =	rddreg [dreg:$0xd]  }
0x4d: {  	[tilespmem:s5], [sflag:$0x1] =	stream.indirect_vreg.gather [hbm4b:s4+s2], $0x80, v3, vm0, $0xb8;
	[tilespmem:$0x10080] =	vst v63  }
0x4e: {  	v3 =	vld [tilespmem:$0x30];
	_ =	sdelay $0x4  }
0x4f: {  	v59 =	vshll.u32 v3, $0x2  }
0x50: {  	v3 =	vand.u32 $0x7, v3;
	v4 =	vand.u32 $0xFFFFFFE0, v59  }
0x51: {  	v3 =	vor.u32 v3, v4  }
0x52: {  	v4 =	vperm.xlane v3, v0;
	_ =	sdelay $0x1  }
0x53: {  	v4 =	vadd.s32 v1, v4;
	_ =	sdelay $0x1  }
0x54: {  	v3 =	vperm.xlane v3, v2;
	_ =	sdelay $0x1  }
0x55: {  	v3 =	vadd.s32 v1, v3  }
0x56: {  	[tilespmem:s9], [sflag:$0x1] =	stream.indirect_vreg.gather [hbm4b:s3+s2], $0x80, v4, vm0, $0xb8;
	[tilespmem:$0x10080] =	vst v63  }
0x57: {  	_ = 	snop  }
0x58: {  	[tilespmem:s10], [sflag:$0x1] =	stream.indirect_vreg.gather [hbm4b:s4+s2], $0x80, v4, vm0, $0xb8;
	[tilespmem:$0x10080] =	vst v63  }
0x59: {  	_ = 	snop  }
0x5a: {  	[tilespmem:s11], [sflag:$0x1] =	stream.indirect_vreg.gather [hbm4b:s3+s2], $0x80, v3, vm0, $0xb8;
	[tilespmem:$0x10080] =	vst v63  }
0x5b: {  	_ = 	snop  }
0x5c: {  	[tilespmem:s12], [sflag:$0x1] =	stream.indirect_vreg.gather [hbm4b:s4+s2], $0x80, v3, vm0, $0xb8;
	[tilespmem:$0x10080] =	vst v63  }
0x5d: {  	v3 =	vld [tilespmem:$0x40];
	_ =	sdelay $0x4  }
0x5e: {  	v60 =	vshll.u32 v3, $0x2  }
0x5f: {  	v3 =	vand.u32 $0x7, v3;
	v4 =	vand.u32 $0xFFFFFFE0, v60  }
0x60: {  	v3 =	vor.u32 v3, v4  }
0x61: {  	v4 =	vperm.xlane v3, v0;
	_ =	sdelay $0x1  }
0x62: {  	v4 =	vadd.s32 v1, v4;
	_ =	sdelay $0x1  }
0x63: {  	v3 =	vperm.xlane v3, v2;
	_ =	sdelay $0x1  }
0x64: {  	v3 =	vadd.s32 v1, v3  }
0x65: {  	[tilespmem:s13], [sflag:$0x1] =	stream.indirect_vreg.gather [hbm4b:s3+s2], $0x80, v4, vm0, $0xb8;
	[tilespmem:$0x10080] =	vst v63  }
0x66: {  	_ = 	snop  }
0x67: {  	[tilespmem:s14], [sflag:$0x1] =	stream.indirect_vreg.gather [hbm4b:s4+s2], $0x80, v4, vm0, $0xb8;
	[tilespmem:$0x10080] =	vst v63  }
0x68: {  	_ = 	snop  }
0x69: {  	[tilespmem:s15], [sflag:$0x1] =	stream.indirect_vreg.gather [hbm4b:s3+s2], $0x80, v3, vm0, $0xb8;
	[tilespmem:$0x10080] =	vst v63  }
0x6a: {  	_ = 	snop  }
0x6b: {  	[tilespmem:s16], [sflag:$0x1] =	stream.indirect_vreg.gather [hbm4b:s4+s2], $0x80, v3, vm0, $0xb8;
	[tilespmem:$0x10080] =	vst v63  }
0x6c: {  	v3 =	vld [tilespmem:$0x50];
	_ =	sdelay $0x4  }
0x6d: {  	v61 =	vshll.u32 v3, $0x2  }
0x6e: {  	v3 =	vand.u32 $0x7, v3;
	v4 =	vand.u32 $0xFFFFFFE0, v61  }
0x6f: {  	v3 =	vor.u32 v3, v4  }
0x70: {  	v4 =	vperm.xlane v3, v0;
	_ =	sdelay $0x1  }
0x71: {  	v4 =	vadd.s32 v1, v4;
	_ =	sdelay $0x1  }
0x72: {  	v3 =	vperm.xlane v3, v2;
	_ =	sdelay $0x1  }
0x73: {  	v3 =	vadd.s32 v1, v3  }
0x74: {  	[tilespmem:s17], [sflag:$0x1] =	stream.indirect_vreg.gather [hbm4b:s3+s2], $0x80, v4, vm0, $0xb8;
	[tilespmem:$0x10080] =	vst v63  }
0x75: {  	_ = 	snop  }
0x76: {  	[tilespmem:s18], [sflag:$0x1] =	stream.indirect_vreg.gather [hbm4b:s4+s2], $0x80, v4, vm0, $0xb8;
	[tilespmem:$0x10080] =	vst v63  }
0x77: {  	_ = 	snop  }
0x78: {  	[tilespmem:s19], [sflag:$0x1] =	stream.indirect_vreg.gather [hbm4b:s3+s2], $0x80, v3, vm0, $0xb8;
	[tilespmem:$0x10080] =	vst v63  }
0x79: {  	_ = 	snop  }
0x7a: {  	[tilespmem:s20], [sflag:$0x1] =	stream.indirect_vreg.gather [hbm4b:s4+s2], $0x80, v3, vm0, $0xb8;
	[tilespmem:$0x10080] =	vst v63  }
0x7b: {  	v3 =	vld [tilespmem:$0x60];
	_ =	sdelay $0x4  }
0x7c: {  	v62 =	vshll.u32 v3, $0x2  }
0x7d: {  	v3 =	vand.u32 $0x7, v3;
	v4 =	vand.u32 $0xFFFFFFE0, v62  }
0x7e: {  	v3 =	vor.u32 v3, v4  }
0x7f: {  	v4 =	vperm.xlane v3, v0;
	_ =	sdelay $0x1  }
0x80: {  	v4 =	vadd.s32 v1, v4;
	_ =	sdelay $0x1  }
0x81: {  	v3 =	vperm.xlane v3, v2;
	_ =	sdelay $0x1  }
0x82: {  	v3 =	vadd.s32 v1, v3  }
0x83: {  	[tilespmem:s21], [sflag:$0x1] =	stream.indirect_vreg.gather [hbm4b:s3+s2], $0x80, v4, vm0, $0xb8;
	[tilespmem:$0x10080] =	vst v63  }
0x84: {  	_ = 	snop  }
0x85: {  	[tilespmem:s22], [sflag:$0x1] =	stream.indirect_vreg.gather [hbm4b:s4+s2], $0x80, v4, vm0, $0xb8;
	[tilespmem:$0x10080] =	vst v63  }
0x86: {  	_ = 	snop  }
0x87: {  	[tilespmem:s23], [sflag:$0x1] =	stream.indirect_vreg.gather [hbm4b:s3+s2], $0x80, v3, vm0, $0xb8;
	[tilespmem:$0x10080] =	vst v63  }
0x88: {  	_ = 	snop  }
0x89: {  	[tilespmem:s24], [sflag:$0x1] =	stream.indirect_vreg.gather [hbm4b:s4+s2], $0x80, v3, vm0, $0xb8;
	[tilespmem:$0x10080] =	vst v63  }
0x8a: {  	v3 =	vld [tilespmem:$0x70];
	_ =	sdelay $0x4  }
0x8b: {  	v63 =	vshll.u32 v3, $0x2  }
0x8c: {  	v3 =	vand.u32 $0x7, v3;
	v4 =	vand.u32 $0xFFFFFFE0, v63  }
0x8d: {  	v3 =	vor.u32 v3, v4  }
0x8e: {  	v4 =	vperm.xlane v3, v0;
	_ =	sdelay $0x1  }
0x8f: {  	v4 =	vadd.s32 v1, v4;
	_ =	sdelay $0x1  }
0x90: {  	v3 =	vperm.xlane v3, v2;
	_ =	sdelay $0x1  }
0x91: {  	v3 =	vadd.s32 v1, v3  }
0x92: {  	[tilespmem:s25], [sflag:$0x1] =	stream.indirect_vreg.gather [hbm4b:s3+s2], $0x80, v4, vm0, $0xb8;
	[tilespmem:$0x10080] =	vst v63  }
0x93: {  	_ = 	snop  }
0x94: {  	[tilespmem:s26], [sflag:$0x1] =	stream.indirect_vreg.gather [hbm4b:s4+s2], $0x80, v4, vm0, $0xb8;
	[tilespmem:$0x10080] =	vst v63  }
0x95: {  	_ = 	snop  }
0x96: {  	[tilespmem:s28], [sflag:$0x1] =	stream.indirect_vreg.gather [hbm4b:s3+s2], $0x80, v3, vm0, $0xb8;
	[tilespmem:$0x10080] =	vst v63  }
0x97: {  	_ = 	snop  }
0x98: {  	[tilespmem:s29], [sflag:$0x1] =	stream.indirect_vreg.gather [hbm4b:s4+s2], $0x80, v3, vm0, $0xb8;
	[tilespmem:$0x10080] =	vst v63  }
0x99: {  	_ =	swait.ge [sflag:s30], $0x10000  }
0x9a: {  	p0 =	sne.s32 s0, $0x30;
	[sflag:s30] =	ssyncset.done $0x0  }
.Ltmp0:
0x9b: {  	[sflag:s30] =	ssyncadd.s32 $0xFFFF0000;
	(pc) =	sbr.rel @p0 .LBB2_2-.Ltmp0, $4  }
0x9c: {  	[hbm4b:s6+s2] =	stream.linear.scatter [tilespmem:s8], [sflag:$0x2], $0x10000, $0x38;
	[tilespmem:$0x10080] =	vst v63  }
0x9d: {  	_ =	swait.ge [sflag:s7], $0x10000  }
0x9e: {  	[sflag:s7] =	ssyncset.done $0x0  }
0x9f: {  	s0 =	sadd.s32 $0x10, s0;
	s6 =	sadd.s32 $0x2000, s6;
	[sflag:s7] =	ssyncadd.s32 $0xFFFF0000  }
0xa0: {  	s31 =	sadd.s32 $0x1, s31;
	s0 =	rddreg [dreg:$0xe]  }
0xa1: {  	p0 =	sne.s32 s31, s0  }
.Ltmp1:
0xa2: {  	_ = 	snop;
	(pc) =	sbr.rel @p0 .LBB2_1-.Ltmp1, $1  }
0xa3: {  	_ =	sdelay $0x3  }
0xa4: {  	_ =	sfence.sel $0x180000  }
0xa5: {  	[bflag:$0x0] =	sbarrier.arrive $0xFFFF  }
0xa6: {  	_ =	strace $0x90000050  }
0xa7: {  	s0 =	stileid.u32;
	[bflag:$0x2] =	sbarrier.arrive $0xFFFF  }
0xa8: {  	p0 =	sne.s32 s0, $0x0;
	s0 =	rddreg [dreg:$0x1]  }
0xa9: {  	s0 =	sadd.s32 @!p0 $0x100000, s0  }
0xaa: {  	[sflag:s0] =	ssyncadd.tile.s32 @!p0 $0x1;
	_ =	shalt  }
.Lfunc_end2:
_tile_overlayer_lowered:
.L_overlay_start_2:
0xab: {  	(tag) =	ssettag $0x2  }
0xac: {  	s0 =	rddreg [dreg:$0x0];
	s2 =	stileid.u32  }
0xad: {  	s1 =	rddreg [dreg:$0x1];
	p0 =	sne.s32 s2, $0x0  }
0xae: {  	s3 =	rddreg [dreg:$0x2];
	[bflag:$0x3] =	sbarrier.arrive $0xFFFF;
	s2 =	simm.s32 @!p0 $0x1C02  }
0xaf: {  	[timem:s3], [sflag:s2] =	dma.local @!p0 [hbm:s0], s1  }
0xb0: {  	s0 =	simm.s32 @!p0 $0x2  }
0xb1: {  	_ =	swait.ge @!p0 [sflag:s0], s1  }
0xb2: {  	s1 =	ssub.s32 @!p0 $0x0, s1;
	[sflag:s0] =	ssyncset.done @!p0 $0x0  }
0xb3: {  	[sflag:s0] =	ssyncadd.s32 @!p0 s1  }
0xb4: {  	[bflag:$0x3] =	sbarrier.arrive $0xFFFF  }
0xb5: {  	_ =	shalt  }

// kernel: kernel.16.cloned.1.call-start
scs
__scs_entry_jumppad:
0x0: {  	(pc) =	sbr.rel $0x88, $3  }
0x1: {  	(tag) =	ssettag $0x0;
	lr =	simm.s32 $0x1  }
0x2: {  	[smem:$0x3F9C] =	sst lr;
	_ =	strace $0xD0000000  }
0x3: {  	_ = 	snop  }
0x4: {  	_ = 	snop  }
0x5: {  	_ = 	snop  }
0x6: {  	_ = 	snop  }
0x7: {  	_ = 	snop  }
__scs_overlays_trampoline_lowered:
0x8: {  	[smem:$0x3FAB] =	sst s0  }
0x9: {  	[smem:$0x3FAC] =	sst s1  }
0xa: {  	[smem:$0x3FAD] =	sst s2  }
0xb: {  	[smem:$0x3FAE] =	sst s3  }
0xc: {  	[smem:$0x3FAF] =	sst s4  }
0xd: {  	[smem:$0x3FB0] =	sst s5  }
0xe: {  	[smem:$0x3FB1] =	sst s6  }
0xf: {  	[smem:$0x3FB2] =	sst s7  }
0x10: {  	[smem:$0x3FB3] =	sst s8  }
0x11: {  	[smem:$0x3FB4] =	sst s9;
	s0 =	simm.s32 @!p0 $0x0  }
0x12: {  	s1 =	sld [smem:$0x3F9A];
	s0 =	simm.s32 @p0 $0x1  }
0x13: {  	[smem:$0x3FB5] =	sst s0;
	s0 =	simm.s32 @!p1 $0x0  }
0x14: {  	s2 =	sld [smem:$0x3F99];
	s0 =	simm.s32 @p1 $0x1  }
0x15: {  	[smem:$0x3FB6] =	sst s0;
	s0 =	simm.s32 @!p2 $0x0  }
0x16: {  	s3 =	sld [smem:$0x3FDB];
	s0 =	simm.s32 @p2 $0x1  }
0x17: {  	s4 =	simm.s32 $0x1BF5;
	[smem:$0x3FB8] =	sst s0  }
0x18: {  	s0 =	sld [smem:$0x3F9B];
	_ =	swait.ge [sflag:s4], $0x0  }
0x19: {  	s7 =	sld [smem:$0x3F9C]  }
0x1a: {  	s8 =	sadd.s32 $0xFFFFE003, lr  }
0x1b: {  	s9 =	sadd.s32 $0xFFFFFEF7, lr;
	s5 =	simm.s32 $0xFFFFFFFF;
	p2 =	slt.u32 s8, $0xFFFFF086  }
0x1c: {  	p1 =	slt.u32 s9, $0xF7A;
	s5 =	simm.s32 @!p2 $0x0  }
0x1d: {  	s5 =	simm.s32 @p1 $0x1;
	p0 =	seq.s32 s7, s2  }
0x1e: {  	s7 =	smul.u32 @!p0 $0xF7A, s2;
	p2 =	seq.s32 @!p0 s5, $0x0  }
0x1f: {  	s9 =	smul.u32 $0xF7A, s1;
	s8 =	simm.s32 @!p0 $0x1BF5;
	p2 =	por !p2, p0  }
0x20: {  	[sflag:s8] =	ssyncset.s32 @!p0 $0xFFFFF086;
	s6 =	sadd.s32 @!p0 s3, s7;
	s7 =	simm.s32 @!p0 $0x108  }
0x21: {  	s3 =	sadd.s32 s3, s9;
	s6 =	sadd.s32 @!p0 $0x88, s6;
	s7 =	simm.s32 @p2 $0x1082  }
0x22: {  	[simem:s7], [sflag:s8] =	dma.local @!p0 [hbm:s6], $0xF7A  }
0x23: {  	s9 =	sor.u32 $0xD0000000, s2;
	s6 =	simm.s32 $0x108;
	_ =	swait.ge @!p0 [sflag:s8], $0x0  }
0x24: {  	s3 =	sadd.s32 $0x88, s3;
	s6 =	simm.s32 @!p1 $0x1082;
	[sflag:s4] =	ssyncset.s32 $0xFFFFF086  }
0x25: {  	[simem:s6], [sflag:s4] =	dma.local [hbm:s3], $0xF7A  }
0x26: {  	[smem:$0x3F9C] =	sst s1;
	(tag) =	ssettag s2;
	_ =	strace s9  }
0x27: {  	s1 =	sld [smem:$0x3FAC]  }
0x28: {  	s2 =	sld [smem:$0x3FAD]  }
0x29: {  	s4 =	sld [smem:$0x3FAF]  }
0x2a: {  	p0 =	seq.s32 s5, $0x0;
	s5 =	sld [smem:$0x3FB0]  }
0x2b: {  	s6 =	sld [smem:$0x3FB1]  }
0x2c: {  	s7 =	sld [smem:$0x3FB2]  }
0x2d: {  	s3 =	simm.s32 $0x108;
	s8 =	sld [smem:$0x3FB3]  }
0x2e: {  	s3 =	simm.s32 @!p0 $0x1082;
	s9 =	sld [smem:$0x3FB4]  }
0x2f: {  	lr =	sadd.s32 s0, s3;
	s0 =	sld [smem:$0x3FAB]  }
0x30: {  	s3 =	sld [smem:$0x3FAE]  }
0x31: {  	[smem:$0x3FB7] =	sst s10  }
0x32: {  	s10 =	sld [smem:$0x3FB5];
	_ =	sdelay $0x3  }
0x33: {  	p0 =	seq.s32 s10, $0x1;
	s10 =	sld [smem:$0x3FB7];
	_ =	sdelay $0x3  }
0x34: {  	[smem:$0x3FB7] =	sst s10  }
0x35: {  	s10 =	sld [smem:$0x3FB6];
	_ =	sdelay $0x3  }
0x36: {  	p1 =	seq.s32 s10, $0x1;
	s10 =	sld [smem:$0x3FB7];
	_ =	sdelay $0x3  }
0x37: {  	[smem:$0x3FB7] =	sst s10  }
0x38: {  	s10 =	sld [smem:$0x3FB8]  }
0x39: {  	_ = 	snop;
	(pc) =	sbr.ind lr, $3  }
0x3a: {  	_ = 	snop  }
0x3b: {  	_ = 	snop  }
0x3c: {  	p2 =	seq.s32 s10, $0x1;
	s10 =	sld [smem:$0x3FB7]  }
0x3d: {  	_ =	shalt  }
0x3e: {  	_ =	shalt  }
0x3f: {  	_ =	shalt  }
0x40: {  	_ =	shalt  }
0x41: {  	_ =	shalt  }
0x42: {  	_ =	shalt  }
0x43: {  	_ =	shalt  }
0x44: {  	_ =	shalt  }
0x45: {  	_ =	shalt  }
0x46: {  	_ =	shalt  }
0x47: {  	_ =	shalt  }
0x48: {  	_ =	shalt  }
0x49: {  	_ =	shalt  }
0x4a: {  	_ =	shalt  }
0x4b: {  	_ =	shalt  }
0x4c: {  	_ =	shalt  }
0x4d: {  	_ =	shalt  }
0x4e: {  	_ =	shalt  }
0x4f: {  	_ =	shalt  }
0x50: {  	_ =	shalt  }
0x51: {  	_ =	shalt  }
0x52: {  	_ =	shalt  }
0x53: {  	_ =	shalt  }
0x54: {  	_ =	shalt  }
0x55: {  	_ =	shalt  }
0x56: {  	_ =	shalt  }
0x57: {  	_ =	shalt  }
0x58: {  	_ =	shalt  }
0x59: {  	_ =	shalt  }
0x5a: {  	_ =	shalt  }
0x5b: {  	_ =	shalt  }
0x5c: {  	_ =	shalt  }
0x5d: {  	_ =	shalt  }
0x5e: {  	_ =	shalt  }
0x5f: {  	_ =	shalt  }
0x60: {  	_ =	shalt  }
0x61: {  	_ =	shalt  }
0x62: {  	_ =	shalt  }
0x63: {  	_ =	shalt  }
0x64: {  	_ =	shalt  }
0x65: {  	_ =	shalt  }
0x66: {  	_ =	shalt  }
0x67: {  	_ =	shalt  }
0x68: {  	_ =	shalt  }
0x69: {  	_ =	shalt  }
0x6a: {  	_ =	shalt  }
0x6b: {  	_ =	shalt  }
0x6c: {  	_ =	shalt  }
0x6d: {  	_ =	shalt  }
0x6e: {  	_ =	shalt  }
0x6f: {  	_ =	shalt  }
0x70: {  	_ =	shalt  }
0x71: {  	_ =	shalt  }
0x72: {  	_ =	shalt  }
0x73: {  	_ =	shalt  }
0x74: {  	_ =	shalt  }
0x75: {  	_ =	shalt  }
0x76: {  	_ =	shalt  }
0x77: {  	_ =	shalt  }
0x78: {  	_ =	shalt  }
0x79: {  	_ =	shalt  }
0x7a: {  	_ =	shalt  }
0x7b: {  	_ =	shalt  }
0x7c: {  	_ =	shalt  }
0x7d: {  	_ =	shalt  }
0x7e: {  	_ =	shalt  }
0x7f: {  	_ =	shalt  }
0x80: {  	_ =	shalt  }
0x81: {  	_ =	shalt  }
0x82: {  	_ =	shalt  }
0x83: {  	_ =	shalt  }
0x84: {  	_ =	shalt  }
0x85: {  	_ =	shalt  }
0x86: {  	_ =	shalt  }
0x87: {  	_ =	shalt  }
.Lfunc_end0:
.L_simem_size_0:
called_computation.1_lowered:
.L_overlay_start_0:
0x88: {  	s2 =	sld [smem:$0x3FD9]  }
0x89: {  	s3 =	sld [smem:$0x3FFE];
	_ =	sdelay $0x1  }
0x8a: {  	s1 =	srdreg.scid  }
0x8b: {  	s0 =	sand.u32 $0x1, s1  }
0x8c: {  	s17 =	sshll.u32 s0, $0xA;
	s2 =	sadd.s32 s3, s2  }
0x8d: {  	s2 =	sadd.s32 s2, s17  }
0x8e: {  	[smem:$0x3FC3] =	sst s2  }
0x8f: {  	_ = 	snop  }
0x90: {  	(tm) =	ssettm $0x1  }
0x91: {  	s18 =	sld [smem:$0x3FFB];
	_ =	sdelay $0x3  }
0x92: {  	_ =	strace s18  }
0x93: {  	s2 =	sld [smem:$0x3FFC];
	_ =	sdelay $0x3  }
0x94: {  	_ =	strace s2  }
0x95: {  	s2 =	sld [smem:$0x3FFD];
	_ =	sdelay $0x3  }
0x96: {  	_ =	strace s2  }
0x97: {  	_ =	strace $0x8FFFFFFF  }
0x98: {  	s19 =	sld [smem:$0x3FDB];
	_ =	sdelay $0x1  }
0x99: {  	s20 =	simm.s32 $_scs_section_size  }
0x9a: {  	s4 =	simm.s32 $_size__tile_overlayer_lowered;
	s5 =	simm.s32 $_tile_overlayer_lowered  }
0x9b: {  	s6 =	simm.s32 $0x1BFF;
	s21 =	sshll.u32 s5, $0x1;
	s3 =	sadd.s32 s20, s19  }
0x9c: {  	s22 =	simm.s32 $0x0;
	s4 =	sshll.u32 s4, $0x1;
	s5 =	sadd.s32 s21, s3  }
0x9d: {  	[timem:s22], [sflag:s6] =	dma.local [hbm:s5], s4  }
0x9e: {  	_ =	swait.ge [sflag:s6], s4  }
0x9f: {  	s4 =	ssub.s32 $0x0, s4;
	[sflag:s6] =	ssyncset.done $0x0  }
0xa0: {  	[sflag:s6] =	ssyncadd.s32 s4;
	_ =	sdelay $0x1  }
0xa1: {  	s23 =	simm.s32 $0x1B8B  }
0xa2: {  	_ =	swait.ge [sflag:s23], $0x1  }
0xa3: {  	[sflag:s23] =	ssyncset.done $0x0  }
0xa4: {  	[sflag:s23] =	ssyncadd.s32 $0xFFFFFFFF  }
0xa5: {  	s4 =	sld [smem:$0x0]  }
0xa6: {  	s5 =	sand.u32 $0xFFFFFFFE, s1  }
0xa7: {  	p0 =	sne.s32 s1, s5  }
0xa8: {  	s5 =	sshll.u32 @p0 s5, $0xE  }
0xa9: {  	s5 =	sadd.s32 @p0 $0x11B8D, s5;
	s6 =	sshll.u32 @p0 s4, $0x11  }
0xaa: {  	s5 =	sor.u32 @p0 s6, s5  }
0xab: {  	[sflag:s5] =	ssyncadd.remote.s32 @p0 $0x1;
	_ =	sdelay $0x1  }
0xac: {  	s5 =	simm.s32 @p0 $0x1B8D  }
0xad: {  	_ =	swait.eq @p0 [sflag:s5], $0x1  }
0xae: {  	[sflag:s5] =	ssyncadd.s32 @p0 $0xFFFFFFFF  }
0xaf: {  	s6 =	sshll.u32 @!p0 s1, $0xE  }
0xb0: {  	s6 =	sor.u32 @!p0 $0x4000, s6;
	s5 =	simm.s32 @!p0 $0x1B8D  }
0xb1: {  	s4 =	sshll.u32 @!p0 s4, $0x11;
	s6 =	sadd.s32 @!p0 $0x11B8D, s6;
	_ =	swait.eq @!p0 [sflag:s5], $0x1  }
0xb2: {  	s4 =	sor.u32 @!p0 s4, s6;
	[sflag:s5] =	ssyncadd.s32 @!p0 $0xFFFFFFFF  }
0xb3: {  	s25 =	simm.s32 $0x1B8E;
	s24 =	sld [smem:$0x3FFE];
	[sflag:s4] =	ssyncadd.remote.s32 @!p0 $0x1  }
0xb4: {  	s26 =	simm.s32 $execute0_lowered;
	[smem:$0x3FD2] =	sst s25  }
0xb5: {  	s5 =	sshll.u32 s26, $0x1;
	_ =	strace $0x8000004C;
	[dreg:$0x1] =	wrdreg $0xFFFFFFFF  }
0xb6: {  	s28 =	simm.s32 $_size_execute0_lowered;
	s3 =	sadd.s32 s3, s5;
	[dreg:$0x0] =	wrdreg $0x0  }
0xb7: {  	s5 =	sshll.u32 s28, $0x1;
	[dreg:$0x2] =	wrdreg s3  }
0xb8: {  	[dreg:$0x3] =	wrdreg s5  }
0xb9: {  	[dreg:$0x4] =	wrdreg $0xC0  }
0xba: {  	_ =	task [dreg:s22], $0x5FFFF  }
0xbb: {  	[dreg:$0x1] =	wrdreg $0xFFFFFFFF  }
0xbc: {  	[dreg:$0x0] =	wrdreg $0x60  }
0xbd: {  	[dreg:$0x2] =	wrdreg s24  }
0xbe: {  	[dreg:$0x3] =	wrdreg $0xA  }
0xbf: {  	_ =	task.clear_ibuf [dreg:s22], $0x4FFFF;
	_ =	strace $0x9000004C  }
0xc0: {  	s29 =	simm.s32 $0xA;
	_ =	strace $0x8000004E  }
0xc1: {  	_ =	swait.ge [sflag:s29], $0x1  }
0xc2: {  	[sflag:s29] =	ssyncadd.s32 $0xFFFFFFFF  }
0xc3: {  	_ =	strace $0x9000004E  }
0xc4: {  	_ =	sfence  }
0xc5: {  	s30 =	sld [smem:$0x0];
	_ =	sdelay $0x2  }
0xc6: {  	s31 =	sshll.u32 s1, $0xD;
	s1 =	sshrl.u32 s1, $0x2  }
0xc7: {  	s4 =	sand.u32 $0x4000, s31;
	s1 =	sadd.s32 s1, s30  }
0xc8: {  	s0 =	sor.u32 s4, s0;
	s1 =	sshll.u32 s1, $0x11  }
0xc9: {  	s0 =	sor.u32 s1, s0  }
0xca: {  	s0 =	sadd.s32 $0x8F2B, s0  }
0xcb: {  	[sflag:s0] =	ssyncadd.remote.s32 $0x1  }
0xcc: {  	_ =	sfence.sel $0xFFFF  }
0xcd: {  	[dreg:$0x0] =	wrdreg $0xFFFFFFFF;
	(pc) =	sbr.abs _section_cstart, $3  }
0xce: {  	[dreg:$0x1] =	wrdreg $0xFFFFFFFF  }
0xcf: {  	_ =	task.clear_ibuf [dreg:s22], $0x2FFFF;
	_ =	strace $0x9FFFFFFF  }
0xd0: {  	(tm) =	ssettm $0x7FFFFFFF  }
0xd1: {  	_ =	shalt  }
tec
execute0_lowered:
.L_overlay_start_1:
0x0: {  	(tag) =	ssettag $0x1  }
0x1: {  	s0 =	srdreg.scid  }
0x2: {  	s5 =	stileid.u32;
	s4 =	rddreg [dreg:$0x0];
	s15 =	simm.s32 $0x880  }
0x3: {  	s16 =	simm.s32 $0x1080;
	s18 =	simm.s32 $0x1880;
	s19 =	simm.s32 $0x2080  }
0x4: {  	s20 =	simm.s32 $0x2880;
	s21 =	simm.s32 $0x3080;
	s22 =	simm.s32 $0x3880  }
0x5: {  	s23 =	simm.s32 $0x4080;
	s24 =	simm.s32 $0x4880;
	s25 =	simm.s32 $0x5080  }
0x6: {  	s26 =	simm.s32 $0x5880;
	s8 =	simm.s32 $0x80;
	s0 =	sand.u32 $0x1, s0  }
0x7: {  	s9 =	simm.s32 $0x6080;
	s1 =	sshll.u32 s5, $0xA;
	s2 =	sshll.u32 s0, $0x9  }
0x8: {  	s10 =	simm.s32 $0x6880;
	s1 =	sor.u32 s2, s1;
	s2 =	simm.s32 $0x0  }
0x9: {  	s11 =	simm.s32 $0x7080;
	s12 =	simm.s32 $0x7880;
	[smem:$0x7FF] =	sst s2  }
0xa: {  	s13 =	simm.s32 $0x8080;
	_ =	strace $0x8000004D;
	[dreg:$0x3] =	wrdreg s15  }
0xb: {  	s14 =	simm.s32 $0x8880;
	s28 =	simm.s32 $0xF080;
	[dreg:$0x4] =	wrdreg s16  }
0xc: {  	s29 =	simm.s32 $0xF880;
	s30 =	simm.s32 $0x1;
	[dreg:$0x5] =	wrdreg s18  }
0xd: {  	s31 =	simm.s32 $0x0;
	s5 =	sshll.u32 s5, $0x10;
	[dreg:$0x6] =	wrdreg s19  }
0xe: {  	s3 =	sadd.s32 $0x35E00, s4;
	s6 =	sadd.s32 s5, s4;
	[dreg:$0x7] =	wrdreg s20  }
0xf: {  	s17 =	ssub.s32 $0x2, s0;
	s0 =	sshll.u32 s0, $0xF;
	[dreg:$0x8] =	wrdreg s21  }
0x10: {  	s7 =	sshrl.u32 s17, $0x1;
	s0 =	sadd.s32 s0, s6;
	[dreg:$0x9] =	wrdreg s22  }
0x11: {  	s1 =	sshrl.u32 s1, $0x3;
	s0 =	sadd.s32 $0x335E00, s0;
	[dreg:$0xa] =	wrdreg s23  }
0x12: {  	s5 =	ssub.s32 s17, s7;
	s7 =	simm.s32 $0x2;
	[dreg:$0xf] =	wrdreg s0  }
0x13: {  	s17 =	simm.s32 $0xA080;
	s1 =	sadd.s32 s1, s4;
	[dreg:$0xb] =	wrdreg s24  }
0x14: {  	s4 =	sadd.s32 $0x35F00, s4;
	s5 =	smax.u32 s5, $0x1;
	[dreg:$0xc] =	wrdreg s25  }
0x15: {  	[dreg:$0xd] =	wrdreg s26;
	s15 =	simm.s32 $0x9080;
	s16 =	simm.s32 $0x9880  }
0x16: {  	s18 =	simm.s32 $0xA880;
	s19 =	simm.s32 $0xB080;
	s20 =	simm.s32 $0xB880  }
0x17: {  	v2 =	vlaneseq.u32;
	s21 =	simm.s32 $0xC080;
	s22 =	simm.s32 $0xC880;
	s23 =	simm.s32 $0xD080  }
0x18: {  	vm0 =	vmmov $0xffff;
	v1 =	vshrl.u32 v2, $0x3;
	s24 =	simm.s32 $0xD880;
	s1 =	sadd.s32 $0x35600, s1;
	[dreg:$0xe] =	wrdreg s5  }
0x19: {  	v0 =	vand.u32 $0x7, v2;
	v2 =	vor.u32 $0x8, v2;
	v1 =	vmul.u32 $0x8, v1;
	s25 =	simm.s32 $0xE080;
	s26 =	simm.s32 $0xE880;
	[dreg:$0x2] =	wrdreg s1  }
.LBB2_1:
0x1a: {  	s6 =	rddreg [dreg:$0xf];
	s0 =	simm.s32 $0x0  }
.LBB2_2:
0x1b: {  	s5 =	rddreg [dreg:$0x2]  }
0x1c: {  	s5 =	sadd.s32 s0, s5  }
0x1d: {  	[tilespmem:s2], [sflag:$0x2] =	stream.linear.gather [hbm4b:s5+s2], $0x80, $0x38;
	[tilespmem:$0x10080] =	vst v63  }
0x1e: {  	_ =	swait.ge [sflag:s7], $0x80  }
0x1f: {  	[sflag:s7] =	ssyncset.done $0x0  }
0x20: {  	[sflag:s7] =	ssyncadd.s32 $0xFFFFFF80  }
0x21: {  	v3 =	vld [tilespmem:$0x0];
	_ =	sdelay $0x4  }
0x22: {  	v4 =	vshll.u32 v3, $0x2  }
0x23: {  	v3 =	vand.u32 $0x7, v3;
	v4 =	vand.u32 $0xFFFFFFE0, v4  }
0x24: {  	v3 =	vor.u32 v3, v4  }
0x25: {  	v4 =	vperm.xlane v3, v0;
	_ =	sdelay $0x1  }
0x26: {  	v4 =	vadd.s32 v1, v4;
	_ =	sdelay $0x1  }
0x27: {  	v3 =	vperm.xlane v3, v2;
	_ =	sdelay $0x1  }
0x28: {  	v3 =	vadd.s32 v1, v3  }
0x29: {  	[tilespmem:s8], [sflag:$0x1] =	stream.indirect_vreg.gather [hbm4b:s3+s2], $0x80, v4, vm0, $0xb8;
	[tilespmem:$0x10080] =	vst v63  }
0x2a: {  	s5 =	rddreg [dreg:$0x3]  }
0x2b: {  	[tilespmem:s5], [sflag:$0x1] =	stream.indirect_vreg.gather [hbm4b:s4+s2], $0x80, v4, vm0, $0xb8;
	[tilespmem:$0x10080] =	vst v63  }
0x2c: {  	s1 =	rddreg [dreg:$0x4]  }
0x2d: {  	[tilespmem:s1], [sflag:$0x1] =	stream.indirect_vreg.gather [hbm4b:s3+s2], $0x80, v3, vm0, $0xb8;
	[tilespmem:$0x10080] =	vst v63  }
0x2e: {  	s5 =	rddreg [dreg:$0x5]  }
0x2f: {  	[tilespmem:s5], [sflag:$0x1] =	stream.indirect_vreg.gather [hbm4b:s4+s2], $0x80, v3, vm0, $0xb8;
	[tilespmem:$0x10080] =	vst v63  }
0x30: {  	v3 =	vld [tilespmem:$0x10];
	_ =	sdelay $0x4  }
0x31: {  	v57 =	vshll.u32 v3, $0x2  }
0x32: {  	v3 =	vand.u32 $0x7, v3;
	v4 =	vand.u32 $0xFFFFFFE0, v57  }
0x33: {  	v3 =	vor.u32 v3, v4  }
0x34: {  	v4 =	vperm.xlane v3, v0;
	_ =	sdelay $0x1  }
0x35: {  	v4 =	vadd.s32 v1, v4;
	_ =	sdelay $0x1  }
0x36: {  	v3 =	vperm.xlane v3, v2;
	_ =	sdelay $0x1  }
0x37: {  	s1 =	rddreg [dreg:$0x6];
	v3 =	vadd.s32 v1, v3  }
0x38: {  	[tilespmem:s1], [sflag:$0x1] =	stream.indirect_vreg.gather [hbm4b:s3+s2], $0x80, v4, vm0, $0xb8;
	[tilespmem:$0x10080] =	vst v63  }
0x39: {  	s5 =	rddreg [dreg:$0x7]  }
0x3a: {  	[tilespmem:s5], [sflag:$0x1] =	stream.indirect_vreg.gather [hbm4b:s4+s2], $0x80, v4, vm0, $0xb8;
	[tilespmem:$0x10080] =	vst v63  }
0x3b: {  	s1 =	rddreg [dreg:$0x8]  }
0x3c: {  	[tilespmem:s1], [sflag:$0x1] =	stream.indirect_vreg.gather [hbm4b:s3+s2], $0x80, v3, vm0, $0xb8;
	[tilespmem:$0x10080] =	vst v63  }
0x3d: {  	s5 =	rddreg [dreg:$0x9]  }
0x3e: {  	[tilespmem:s5], [sflag:$0x1] =	stream.indirect_vreg.gather [hbm4b:s4+s2], $0x80, v3, vm0, $0xb8;
	[tilespmem:$0x10080] =	vst v63  }
0x3f: {  	v3 =	vld [tilespmem:$0x20];
	_ =	sdelay $0x4  }
0x40: {  	v58 =	vshll.u32 v3, $0x2  }
0x41: {  	v3 =	vand.u32 $0x7, v3;
	v4 =	vand.u32 $0xFFFFFFE0, v58  }
0x42: {  	v3 =	vor.u32 v3, v4  }
0x43: {  	v4 =	vperm.xlane v3, v0;
	_ =	sdelay $0x1  }
0x44: {  	v4 =	vadd.s32 v1, v4;
	_ =	sdelay $0x1  }
0x45: {  	v3 =	vperm.xlane v3, v2;
	_ =	sdelay $0x1  }
0x46: {  	s1 =	rddreg [dreg:$0xa];
	v3 =	vadd.s32 v1, v3  }
0x47: {  	[tilespmem:s1], [sflag:$0x1] =	stream.indirect_vreg.gather [hbm4b:s3+s2], $0x80, v4, vm0, $0xb8;
	[tilespmem:$0x10080] =	vst v63  }
0x48: {  	s5 =	rddreg [dreg:$0xb]  }
0x49: {  	[tilespmem:s5], [sflag:$0x1] =	stream.indirect_vreg.gather [hbm4b:s4+s2], $0x80, v4, vm0, $0xb8;
	[tilespmem:$0x10080] =	vst v63  }
0x4a: {  	s1 =	rddreg [dreg:$0xc]  }
0x4b: {  	[tilespmem:s1], [sflag:$0x1] =	stream.indirect_vreg.gather [hbm4b:s3+s2], $0x80, v3, vm0, $0xb8;
	[tilespmem:$0x10080] =	vst v63  }
0x4c: {  	s5 =	rddreg [dreg:$0xd]  }
0x4d: {  	[tilespmem:s5], [sflag:$0x1] =	stream.indirect_vreg.gather [hbm4b:s4+s2], $0x80, v3, vm0, $0xb8;
	[tilespmem:$0x10080] =	vst v63  }
0x4e: {  	v3 =	vld [tilespmem:$0x30];
	_ =	sdelay $0x4  }
0x4f: {  	v59 =	vshll.u32 v3, $0x2  }
0x50: {  	v3 =	vand.u32 $0x7, v3;
	v4 =	vand.u32 $0xFFFFFFE0, v59  }
0x51: {  	v3 =	vor.u32 v3, v4  }
0x52: {  	v4 =	vperm.xlane v3, v0;
	_ =	sdelay $0x1  }
0x53: {  	v4 =	vadd.s32 v1, v4;
	_ =	sdelay $0x1  }
0x54: {  	v3 =	vperm.xlane v3, v2;
	_ =	sdelay $0x1  }
0x55: {  	v3 =	vadd.s32 v1, v3  }
0x56: {  	[tilespmem:s9], [sflag:$0x1] =	stream.indirect_vreg.gather [hbm4b:s3+s2], $0x80, v4, vm0, $0xb8;
	[tilespmem:$0x10080] =	vst v63  }
0x57: {  	_ = 	snop  }
0x58: {  	[tilespmem:s10], [sflag:$0x1] =	stream.indirect_vreg.gather [hbm4b:s4+s2], $0x80, v4, vm0, $0xb8;
	[tilespmem:$0x10080] =	vst v63  }
0x59: {  	_ = 	snop  }
0x5a: {  	[tilespmem:s11], [sflag:$0x1] =	stream.indirect_vreg.gather [hbm4b:s3+s2], $0x80, v3, vm0, $0xb8;
	[tilespmem:$0x10080] =	vst v63  }
0x5b: {  	_ = 	snop  }
0x5c: {  	[tilespmem:s12], [sflag:$0x1] =	stream.indirect_vreg.gather [hbm4b:s4+s2], $0x80, v3, vm0, $0xb8;
	[tilespmem:$0x10080] =	vst v63  }
0x5d: {  	v3 =	vld [tilespmem:$0x40];
	_ =	sdelay $0x4  }
0x5e: {  	v60 =	vshll.u32 v3, $0x2  }
0x5f: {  	v3 =	vand.u32 $0x7, v3;
	v4 =	vand.u32 $0xFFFFFFE0, v60  }
0x60: {  	v3 =	vor.u32 v3, v4  }
0x61: {  	v4 =	vperm.xlane v3, v0;
	_ =	sdelay $0x1  }
0x62: {  	v4 =	vadd.s32 v1, v4;
	_ =	sdelay $0x1  }
0x63: {  	v3 =	vperm.xlane v3, v2;
	_ =	sdelay $0x1  }
0x64: {  	v3 =	vadd.s32 v1, v3  }
0x65: {  	[tilespmem:s13], [sflag:$0x1] =	stream.indirect_vreg.gather [hbm4b:s3+s2], $0x80, v4, vm0, $0xb8;
	[tilespmem:$0x10080] =	vst v63  }
0x66: {  	_ = 	snop  }
0x67: {  	[tilespmem:s14], [sflag:$0x1] =	stream.indirect_vreg.gather [hbm4b:s4+s2], $0x80, v4, vm0, $0xb8;
	[tilespmem:$0x10080] =	vst v63  }
0x68: {  	_ = 	snop  }
0x69: {  	[tilespmem:s15], [sflag:$0x1] =	stream.indirect_vreg.gather [hbm4b:s3+s2], $0x80, v3, vm0, $0xb8;
	[tilespmem:$0x10080] =	vst v63  }
0x6a: {  	_ = 	snop  }
0x6b: {  	[tilespmem:s16], [sflag:$0x1] =	stream.indirect_vreg.gather [hbm4b:s4+s2], $0x80, v3, vm0, $0xb8;
	[tilespmem:$0x10080] =	vst v63  }
0x6c: {  	v3 =	vld [tilespmem:$0x50];
	_ =	sdelay $0x4  }
0x6d: {  	v61 =	vshll.u32 v3, $0x2  }
0x6e: {  	v3 =	vand.u32 $0x7, v3;
	v4 =	vand.u32 $0xFFFFFFE0, v61  }
0x6f: {  	v3 =	vor.u32 v3, v4  }
0x70: {  	v4 =	vperm.xlane v3, v0;
	_ =	sdelay $0x1  }
0x71: {  	v4 =	vadd.s32 v1, v4;
	_ =	sdelay $0x1  }
0x72: {  	v3 =	vperm.xlane v3, v2;
	_ =	sdelay $0x1  }
0x73: {  	v3 =	vadd.s32 v1, v3  }
0x74: {  	[tilespmem:s17], [sflag:$0x1] =	stream.indirect_vreg.gather [hbm4b:s3+s2], $0x80, v4, vm0, $0xb8;
	[tilespmem:$0x10080] =	vst v63  }
0x75: {  	_ = 	snop  }
0x76: {  	[tilespmem:s18], [sflag:$0x1] =	stream.indirect_vreg.gather [hbm4b:s4+s2], $0x80, v4, vm0, $0xb8;
	[tilespmem:$0x10080] =	vst v63  }
0x77: {  	_ = 	snop  }
0x78: {  	[tilespmem:s19], [sflag:$0x1] =	stream.indirect_vreg.gather [hbm4b:s3+s2], $0x80, v3, vm0, $0xb8;
	[tilespmem:$0x10080] =	vst v63  }
0x79: {  	_ = 	snop  }
0x7a: {  	[tilespmem:s20], [sflag:$0x1] =	stream.indirect_vreg.gather [hbm4b:s4+s2], $0x80, v3, vm0, $0xb8;
	[tilespmem:$0x10080] =	vst v63  }
0x7b: {  	v3 =	vld [tilespmem:$0x60];
	_ =	sdelay $0x4  }
0x7c: {  	v62 =	vshll.u32 v3, $0x2  }
0x7d: {  	v3 =	vand.u32 $0x7, v3;
	v4 =	vand.u32 $0xFFFFFFE0, v62  }
0x7e: {  	v3 =	vor.u32 v3, v4  }
0x7f: {  	v4 =	vperm.xlane v3, v0;
	_ =	sdelay $0x1  }
0x80: {  	v4 =	vadd.s32 v1, v4;
	_ =	sdelay $0x1  }
0x81: {  	v3 =	vperm.xlane v3, v2;
	_ =	sdelay $0x1  }
0x82: {  	v3 =	vadd.s32 v1, v3  }
0x83: {  	[tilespmem:s21], [sflag:$0x1] =	stream.indirect_vreg.gather [hbm4b:s3+s2], $0x80, v4, vm0, $0xb8;
	[tilespmem:$0x10080] =	vst v63  }
0x84: {  	_ = 	snop  }
0x85: {  	[tilespmem:s22], [sflag:$0x1] =	stream.indirect_vreg.gather [hbm4b:s4+s2], $0x80, v4, vm0, $0xb8;
	[tilespmem:$0x10080] =	vst v63  }
0x86: {  	_ = 	snop  }
0x87: {  	[tilespmem:s23], [sflag:$0x1] =	stream.indirect_vreg.gather [hbm4b:s3+s2], $0x80, v3, vm0, $0xb8;
	[tilespmem:$0x10080] =	vst v63  }
0x88: {  	_ = 	snop  }
0x89: {  	[tilespmem:s24], [sflag:$0x1] =	stream.indirect_vreg.gather [hbm4b:s4+s2], $0x80, v3, vm0, $0xb8;
	[tilespmem:$0x10080] =	vst v63  }
0x8a: {  	v3 =	vld [tilespmem:$0x70];
	_ =	sdelay $0x4  }
0x8b: {  	v63 =	vshll.u32 v3, $0x2  }
0x8c: {  	v3 =	vand.u32 $0x7, v3;
	v4 =	vand.u32 $0xFFFFFFE0, v63  }
0x8d: {  	v3 =	vor.u32 v3, v4  }
0x8e: {  	v4 =	vperm.xlane v3, v0;
	_ =	sdelay $0x1  }
0x8f: {  	v4 =	vadd.s32 v1, v4;
	_ =	sdelay $0x1  }
0x90: {  	v3 =	vperm.xlane v3, v2;
	_ =	sdelay $0x1  }
0x91: {  	v3 =	vadd.s32 v1, v3  }
0x92: {  	[tilespmem:s25], [sflag:$0x1] =	stream.indirect_vreg.gather [hbm4b:s3+s2], $0x80, v4, vm0, $0xb8;
	[tilespmem:$0x10080] =	vst v63  }
0x93: {  	_ = 	snop  }
0x94: {  	[tilespmem:s26], [sflag:$0x1] =	stream.indirect_vreg.gather [hbm4b:s4+s2], $0x80, v4, vm0, $0xb8;
	[tilespmem:$0x10080] =	vst v63  }
0x95: {  	_ = 	snop  }
0x96: {  	[tilespmem:s28], [sflag:$0x1] =	stream.indirect_vreg.gather [hbm4b:s3+s2], $0x80, v3, vm0, $0xb8;
	[tilespmem:$0x10080] =	vst v63  }
0x97: {  	_ = 	snop  }
0x98: {  	[tilespmem:s29], [sflag:$0x1] =	stream.indirect_vreg.gather [hbm4b:s4+s2], $0x80, v3, vm0, $0xb8;
	[tilespmem:$0x10080] =	vst v63  }
0x99: {  	_ =	swait.ge [sflag:s30], $0x10000  }
0x9a: {  	p0 =	sne.s32 s0, $0x30;
	[sflag:s30] =	ssyncset.done $0x0  }
.Ltmp0:
0x9b: {  	[sflag:s30] =	ssyncadd.s32 $0xFFFF0000;
	(pc) =	sbr.rel @p0 .LBB2_2-.Ltmp0, $4  }
0x9c: {  	[hbm4b:s6+s2] =	stream.linear.scatter [tilespmem:s8], [sflag:$0x2], $0x10000, $0x38;
	[tilespmem:$0x10080] =	vst v63  }
0x9d: {  	_ =	swait.ge [sflag:s7], $0x10000  }
0x9e: {  	[sflag:s7] =	ssyncset.done $0x0  }
0x9f: {  	s0 =	sadd.s32 $0x10, s0;
	s6 =	sadd.s32 $0x2000, s6;
	[sflag:s7] =	ssyncadd.s32 $0xFFFF0000  }
0xa0: {  	s31 =	sadd.s32 $0x1, s31;
	s0 =	rddreg [dreg:$0xe]  }
0xa1: {  	p0 =	sne.s32 s31, s0  }
.Ltmp1:
0xa2: {  	_ = 	snop;
	(pc) =	sbr.rel @p0 .LBB2_1-.Ltmp1, $1  }
0xa3: {  	_ =	sdelay $0x3  }
0xa4: {  	_ =	sfence.sel $0x180000  }
0xa5: {  	[bflag:$0x0] =	sbarrier.arrive $0xFFFF  }
0xa6: {  	_ =	strace $0x9000004D  }
0xa7: {  	s0 =	stileid.u32;
	[bflag:$0x2] =	sbarrier.arrive $0xFFFF  }
0xa8: {  	p0 =	sne.s32 s0, $0x0;
	s0 =	rddreg [dreg:$0x1]  }
0xa9: {  	s0 =	sadd.s32 @!p0 $0x100000, s0  }
0xaa: {  	[sflag:s0] =	ssyncadd.tile.s32 @!p0 $0x1;
	_ =	shalt  }
.Lfunc_end2:
_tile_overlayer_lowered:
.L_overlay_start_2:
0xab: {  	(tag) =	ssettag $0x2  }
0xac: {  	s0 =	rddreg [dreg:$0x0];
	s2 =	stileid.u32  }
0xad: {  	s1 =	rddreg [dreg:$0x1];
	p0 =	sne.s32 s2, $0x0  }
0xae: {  	s3 =	rddreg [dreg:$0x2];
	[bflag:$0x3] =	sbarrier.arrive $0xFFFF;
	s2 =	simm.s32 @!p0 $0x1C02  }
0xaf: {  	[timem:s3], [sflag:s2] =	dma.local @!p0 [hbm:s0], s1  }
0xb0: {  	s0 =	simm.s32 @!p0 $0x2  }
0xb1: {  	_ =	swait.ge @!p0 [sflag:s0], s1  }
0xb2: {  	s1 =	ssub.s32 @!p0 $0x0, s1;
	[sflag:s0] =	ssyncset.done @!p0 $0x0  }
0xb3: {  	[sflag:s0] =	ssyncadd.s32 @!p0 s1  }
0xb4: {  	[bflag:$0x3] =	sbarrier.arrive $0xFFFF  }
0xb5: {  	_ =	shalt  }

// kernel: kernel.19.cloned.1.call-start
scs
__scs_entry_jumppad:
0x0: {  	(pc) =	sbr.rel $0x88, $3  }
0x1: {  	(tag) =	ssettag $0x0;
	lr =	simm.s32 $0x1  }
0x2: {  	[smem:$0x3F9C] =	sst lr;
	_ =	strace $0xD0000000  }
0x3: {  	_ = 	snop  }
0x4: {  	_ = 	snop  }
0x5: {  	_ = 	snop  }
0x6: {  	_ = 	snop  }
0x7: {  	_ = 	snop  }
__scs_overlays_trampoline_lowered:
0x8: {  	[smem:$0x3FAB] =	sst s0  }
0x9: {  	[smem:$0x3FAC] =	sst s1  }
0xa: {  	[smem:$0x3FAD] =	sst s2  }
0xb: {  	[smem:$0x3FAE] =	sst s3  }
0xc: {  	[smem:$0x3FAF] =	sst s4  }
0xd: {  	[smem:$0x3FB0] =	sst s5  }
0xe: {  	[smem:$0x3FB1] =	sst s6  }
0xf: {  	[smem:$0x3FB2] =	sst s7  }
0x10: {  	[smem:$0x3FB3] =	sst s8  }
0x11: {  	[smem:$0x3FB4] =	sst s9;
	s0 =	simm.s32 @!p0 $0x0  }
0x12: {  	s1 =	sld [smem:$0x3F9A];
	s0 =	simm.s32 @p0 $0x1  }
0x13: {  	[smem:$0x3FB5] =	sst s0;
	s0 =	simm.s32 @!p1 $0x0  }
0x14: {  	s2 =	sld [smem:$0x3F99];
	s0 =	simm.s32 @p1 $0x1  }
0x15: {  	[smem:$0x3FB6] =	sst s0;
	s0 =	simm.s32 @!p2 $0x0  }
0x16: {  	s3 =	sld [smem:$0x3FDB];
	s0 =	simm.s32 @p2 $0x1  }
0x17: {  	s4 =	simm.s32 $0x1BF5;
	[smem:$0x3FB8] =	sst s0  }
0x18: {  	s0 =	sld [smem:$0x3F9B];
	_ =	swait.ge [sflag:s4], $0x0  }
0x19: {  	s7 =	sld [smem:$0x3F9C]  }
0x1a: {  	s8 =	sadd.s32 $0xFFFFE003, lr  }
0x1b: {  	s9 =	sadd.s32 $0xFFFFFEF7, lr;
	s5 =	simm.s32 $0xFFFFFFFF;
	p2 =	slt.u32 s8, $0xFFFFF086  }
0x1c: {  	p1 =	slt.u32 s9, $0xF7A;
	s5 =	simm.s32 @!p2 $0x0  }
0x1d: {  	s5 =	simm.s32 @p1 $0x1;
	p0 =	seq.s32 s7, s2  }
0x1e: {  	s7 =	smul.u32 @!p0 $0xF7A, s2;
	p2 =	seq.s32 @!p0 s5, $0x0  }
0x1f: {  	s9 =	smul.u32 $0xF7A, s1;
	s8 =	simm.s32 @!p0 $0x1BF5;
	p2 =	por !p2, p0  }
0x20: {  	[sflag:s8] =	ssyncset.s32 @!p0 $0xFFFFF086;
	s6 =	sadd.s32 @!p0 s3, s7;
	s7 =	simm.s32 @!p0 $0x108  }
0x21: {  	s3 =	sadd.s32 s3, s9;
	s6 =	sadd.s32 @!p0 $0x88, s6;
	s7 =	simm.s32 @p2 $0x1082  }
0x22: {  	[simem:s7], [sflag:s8] =	dma.local @!p0 [hbm:s6], $0xF7A  }
0x23: {  	s9 =	sor.u32 $0xD0000000, s2;
	s6 =	simm.s32 $0x108;
	_ =	swait.ge @!p0 [sflag:s8], $0x0  }
0x24: {  	s3 =	sadd.s32 $0x88, s3;
	s6 =	simm.s32 @!p1 $0x1082;
	[sflag:s4] =	ssyncset.s32 $0xFFFFF086  }
0x25: {  	[simem:s6], [sflag:s4] =	dma.local [hbm:s3], $0xF7A  }
0x26: {  	[smem:$0x3F9C] =	sst s1;
	(tag) =	ssettag s2;
	_ =	strace s9  }
0x27: {  	s1 =	sld [smem:$0x3FAC]  }
0x28: {  	s2 =	sld [smem:$0x3FAD]  }
0x29: {  	s4 =	sld [smem:$0x3FAF]  }
0x2a: {  	p0 =	seq.s32 s5, $0x0;
	s5 =	sld [smem:$0x3FB0]  }
0x2b: {  	s6 =	sld [smem:$0x3FB1]  }
0x2c: {  	s7 =	sld [smem:$0x3FB2]  }
0x2d: {  	s3 =	simm.s32 $0x108;
	s8 =	sld [smem:$0x3FB3]  }
0x2e: {  	s3 =	simm.s32 @!p0 $0x1082;
	s9 =	sld [smem:$0x3FB4]  }
0x2f: {  	lr =	sadd.s32 s0, s3;
	s0 =	sld [smem:$0x3FAB]  }
0x30: {  	s3 =	sld [smem:$0x3FAE]  }
0x31: {  	[smem:$0x3FB7] =	sst s10  }
0x32: {  	s10 =	sld [smem:$0x3FB5];
	_ =	sdelay $0x3  }
0x33: {  	p0 =	seq.s32 s10, $0x1;
	s10 =	sld [smem:$0x3FB7];
	_ =	sdelay $0x3  }
0x34: {  	[smem:$0x3FB7] =	sst s10  }
0x35: {  	s10 =	sld [smem:$0x3FB6];
	_ =	sdelay $0x3  }
0x36: {  	p1 =	seq.s32 s10, $0x1;
	s10 =	sld [smem:$0x3FB7];
	_ =	sdelay $0x3  }
0x37: {  	[smem:$0x3FB7] =	sst s10  }
0x38: {  	s10 =	sld [smem:$0x3FB8]  }
0x39: {  	_ = 	snop;
	(pc) =	sbr.ind lr, $3  }
0x3a: {  	_ = 	snop  }
0x3b: {  	_ = 	snop  }
0x3c: {  	p2 =	seq.s32 s10, $0x1;
	s10 =	sld [smem:$0x3FB7]  }
0x3d: {  	_ =	shalt  }
0x3e: {  	_ =	shalt  }
0x3f: {  	_ =	shalt  }
0x40: {  	_ =	shalt  }
0x41: {  	_ =	shalt  }
0x42: {  	_ =	shalt  }
0x43: {  	_ =	shalt  }
0x44: {  	_ =	shalt  }
0x45: {  	_ =	shalt  }
0x46: {  	_ =	shalt  }
0x47: {  	_ =	shalt  }
0x48: {  	_ =	shalt  }
0x49: {  	_ =	shalt  }
0x4a: {  	_ =	shalt  }
0x4b: {  	_ =	shalt  }
0x4c: {  	_ =	shalt  }
0x4d: {  	_ =	shalt  }
0x4e: {  	_ =	shalt  }
0x4f: {  	_ =	shalt  }
0x50: {  	_ =	shalt  }
0x51: {  	_ =	shalt  }
0x52: {  	_ =	shalt  }
0x53: {  	_ =	shalt  }
0x54: {  	_ =	shalt  }
0x55: {  	_ =	shalt  }
0x56: {  	_ =	shalt  }
0x57: {  	_ =	shalt  }
0x58: {  	_ =	shalt  }
0x59: {  	_ =	shalt  }
0x5a: {  	_ =	shalt  }
0x5b: {  	_ =	shalt  }
0x5c: {  	_ =	shalt  }
0x5d: {  	_ =	shalt  }
0x5e: {  	_ =	shalt  }
0x5f: {  	_ =	shalt  }
0x60: {  	_ =	shalt  }
0x61: {  	_ =	shalt  }
0x62: {  	_ =	shalt  }
0x63: {  	_ =	shalt  }
0x64: {  	_ =	shalt  }
0x65: {  	_ =	shalt  }
0x66: {  	_ =	shalt  }
0x67: {  	_ =	shalt  }
0x68: {  	_ =	shalt  }
0x69: {  	_ =	shalt  }
0x6a: {  	_ =	shalt  }
0x6b: {  	_ =	shalt  }
0x6c: {  	_ =	shalt  }
0x6d: {  	_ =	shalt  }
0x6e: {  	_ =	shalt  }
0x6f: {  	_ =	shalt  }
0x70: {  	_ =	shalt  }
0x71: {  	_ =	shalt  }
0x72: {  	_ =	shalt  }
0x73: {  	_ =	shalt  }
0x74: {  	_ =	shalt  }
0x75: {  	_ =	shalt  }
0x76: {  	_ =	shalt  }
0x77: {  	_ =	shalt  }
0x78: {  	_ =	shalt  }
0x79: {  	_ =	shalt  }
0x7a: {  	_ =	shalt  }
0x7b: {  	_ =	shalt  }
0x7c: {  	_ =	shalt  }
0x7d: {  	_ =	shalt  }
0x7e: {  	_ =	shalt  }
0x7f: {  	_ =	shalt  }
0x80: {  	_ =	shalt  }
0x81: {  	_ =	shalt  }
0x82: {  	_ =	shalt  }
0x83: {  	_ =	shalt  }
0x84: {  	_ =	shalt  }
0x85: {  	_ =	shalt  }
0x86: {  	_ =	shalt  }
0x87: {  	_ =	shalt  }
.Lfunc_end0:
.L_simem_size_0:
called_computation.2_lowered:
.L_overlay_start_0:
0x88: {  	s2 =	sld [smem:$0x3FD9]  }
0x89: {  	s3 =	sld [smem:$0x3FFE];
	_ =	sdelay $0x1  }
0x8a: {  	s1 =	srdreg.scid  }
0x8b: {  	s0 =	sand.u32 $0x1, s1  }
0x8c: {  	s17 =	sshll.u32 s0, $0xA;
	s2 =	sadd.s32 s3, s2  }
0x8d: {  	s2 =	sadd.s32 s2, s17  }
0x8e: {  	[smem:$0x3FC3] =	sst s2  }
0x8f: {  	_ = 	snop  }
0x90: {  	(tm) =	ssettm $0x1  }
0x91: {  	s18 =	sld [smem:$0x3FFB];
	_ =	sdelay $0x3  }
0x92: {  	_ =	strace s18  }
0x93: {  	s2 =	sld [smem:$0x3FFC];
	_ =	sdelay $0x3  }
0x94: {  	_ =	strace s2  }
0x95: {  	s2 =	sld [smem:$0x3FFD];
	_ =	sdelay $0x3  }
0x96: {  	_ =	strace s2  }
0x97: {  	_ =	strace $0x8FFFFFFF  }
0x98: {  	s19 =	sld [smem:$0x3FDB];
	_ =	sdelay $0x1  }
0x99: {  	s20 =	simm.s32 $_scs_section_size  }
0x9a: {  	s4 =	simm.s32 $_size__tile_overlayer_lowered;
	s5 =	simm.s32 $_tile_overlayer_lowered  }
0x9b: {  	s6 =	simm.s32 $0x1BFF;
	s21 =	sshll.u32 s5, $0x1;
	s3 =	sadd.s32 s20, s19  }
0x9c: {  	s22 =	simm.s32 $0x0;
	s4 =	sshll.u32 s4, $0x1;
	s5 =	sadd.s32 s21, s3  }
0x9d: {  	[timem:s22], [sflag:s6] =	dma.local [hbm:s5], s4  }
0x9e: {  	_ =	swait.ge [sflag:s6], s4  }
0x9f: {  	s4 =	ssub.s32 $0x0, s4;
	[sflag:s6] =	ssyncset.done $0x0  }
0xa0: {  	[sflag:s6] =	ssyncadd.s32 s4;
	_ =	sdelay $0x1  }
0xa1: {  	s23 =	simm.s32 $0x1B8B  }
0xa2: {  	_ =	swait.ge [sflag:s23], $0x1  }
0xa3: {  	[sflag:s23] =	ssyncset.done $0x0  }
0xa4: {  	[sflag:s23] =	ssyncadd.s32 $0xFFFFFFFF  }
0xa5: {  	s4 =	sld [smem:$0x0]  }
0xa6: {  	s5 =	sand.u32 $0xFFFFFFFE, s1  }
0xa7: {  	p0 =	sne.s32 s1, s5  }
0xa8: {  	s5 =	sshll.u32 @p0 s5, $0xE  }
0xa9: {  	s5 =	sadd.s32 @p0 $0x11B8D, s5;
	s6 =	sshll.u32 @p0 s4, $0x11  }
0xaa: {  	s5 =	sor.u32 @p0 s6, s5  }
0xab: {  	[sflag:s5] =	ssyncadd.remote.s32 @p0 $0x1;
	_ =	sdelay $0x1  }
0xac: {  	s5 =	simm.s32 @p0 $0x1B8D  }
0xad: {  	_ =	swait.eq @p0 [sflag:s5], $0x1  }
0xae: {  	[sflag:s5] =	ssyncadd.s32 @p0 $0xFFFFFFFF  }
0xaf: {  	s6 =	sshll.u32 @!p0 s1, $0xE  }
0xb0: {  	s6 =	sor.u32 @!p0 $0x4000, s6;
	s5 =	simm.s32 @!p0 $0x1B8D  }
0xb1: {  	s4 =	sshll.u32 @!p0 s4, $0x11;
	s6 =	sadd.s32 @!p0 $0x11B8D, s6;
	_ =	swait.eq @!p0 [sflag:s5], $0x1  }
0xb2: {  	s4 =	sor.u32 @!p0 s4, s6;
	[sflag:s5] =	ssyncadd.s32 @!p0 $0xFFFFFFFF  }
0xb3: {  	s25 =	simm.s32 $0x1B8E;
	s24 =	sld [smem:$0x3FFE];
	[sflag:s4] =	ssyncadd.remote.s32 @!p0 $0x1  }
0xb4: {  	s26 =	simm.s32 $execute0_lowered;
	[smem:$0x3FD2] =	sst s25  }
0xb5: {  	s5 =	sshll.u32 s26, $0x1;
	_ =	strace $0x80000049;
	[dreg:$0x1] =	wrdreg $0xFFFFFFFF  }
0xb6: {  	s28 =	simm.s32 $_size_execute0_lowered;
	s3 =	sadd.s32 s3, s5;
	[dreg:$0x0] =	wrdreg $0x0  }
0xb7: {  	s5 =	sshll.u32 s28, $0x1;
	[dreg:$0x2] =	wrdreg s3  }
0xb8: {  	[dreg:$0x3] =	wrdreg s5  }
0xb9: {  	[dreg:$0x4] =	wrdreg $0xC0  }
0xba: {  	_ =	task [dreg:s22], $0x5FFFF  }
0xbb: {  	[dreg:$0x1] =	wrdreg $0xFFFFFFFF  }
0xbc: {  	[dreg:$0x0] =	wrdreg $0x60  }
0xbd: {  	[dreg:$0x2] =	wrdreg s24  }
0xbe: {  	[dreg:$0x3] =	wrdreg $0xB  }
0xbf: {  	_ =	task.clear_ibuf [dreg:s22], $0x4FFFF;
	_ =	strace $0x90000049  }
0xc0: {  	s29 =	simm.s32 $0xB;
	_ =	strace $0x8000004B  }
0xc1: {  	_ =	swait.ge [sflag:s29], $0x1  }
0xc2: {  	[sflag:s29] =	ssyncadd.s32 $0xFFFFFFFF  }
0xc3: {  	_ =	strace $0x9000004B  }
0xc4: {  	_ =	sfence  }
0xc5: {  	s30 =	sld [smem:$0x0];
	_ =	sdelay $0x2  }
0xc6: {  	s31 =	sshll.u32 s1, $0xD;
	s1 =	sshrl.u32 s1, $0x2  }
0xc7: {  	s4 =	sand.u32 $0x4000, s31;
	s1 =	sadd.s32 s1, s30  }
0xc8: {  	s0 =	sor.u32 s4, s0;
	s1 =	sshll.u32 s1, $0x11  }
0xc9: {  	s0 =	sor.u32 s1, s0  }
0xca: {  	s0 =	sadd.s32 $0x8F2B, s0  }
0xcb: {  	[sflag:s0] =	ssyncadd.remote.s32 $0x1  }
0xcc: {  	_ =	sfence.sel $0xFFFF  }
0xcd: {  	[dreg:$0x0] =	wrdreg $0xFFFFFFFF;
	(pc) =	sbr.abs _section_cstart, $3  }
0xce: {  	[dreg:$0x1] =	wrdreg $0xFFFFFFFF  }
0xcf: {  	_ =	task.clear_ibuf [dreg:s22], $0x2FFFF;
	_ =	strace $0x9FFFFFFF  }
0xd0: {  	(tm) =	ssettm $0x7FFFFFFF  }
0xd1: {  	_ =	shalt  }
tec
execute0_lowered:
.L_overlay_start_1:
0x0: {  	(tag) =	ssettag $0x1  }
0x1: {  	s0 =	srdreg.scid  }
0x2: {  	s5 =	stileid.u32;
	s4 =	rddreg [dreg:$0x0];
	s15 =	simm.s32 $0x880  }
0x3: {  	s16 =	simm.s32 $0x1080;
	s18 =	simm.s32 $0x1880;
	s19 =	simm.s32 $0x2080  }
0x4: {  	s20 =	simm.s32 $0x2880;
	s21 =	simm.s32 $0x3080;
	s22 =	simm.s32 $0x3880  }
0x5: {  	s23 =	simm.s32 $0x4080;
	s24 =	simm.s32 $0x4880;
	s25 =	simm.s32 $0x5080  }
0x6: {  	s26 =	simm.s32 $0x5880;
	s8 =	simm.s32 $0x80;
	s0 =	sand.u32 $0x1, s0  }
0x7: {  	s9 =	simm.s32 $0x6080;
	s1 =	sshll.u32 s5, $0xA;
	s2 =	sshll.u32 s0, $0x9  }
0x8: {  	s10 =	simm.s32 $0x6880;
	s1 =	sor.u32 s2, s1;
	s2 =	simm.s32 $0x0  }
0x9: {  	s11 =	simm.s32 $0x7080;
	s12 =	simm.s32 $0x7880;
	[smem:$0x7FF] =	sst s2  }
0xa: {  	s13 =	simm.s32 $0x8080;
	_ =	strace $0x8000004A;
	[dreg:$0x3] =	wrdreg s15  }
0xb: {  	s14 =	simm.s32 $0x8880;
	s28 =	simm.s32 $0xF080;
	[dreg:$0x4] =	wrdreg s16  }
0xc: {  	s29 =	simm.s32 $0xF880;
	s30 =	simm.s32 $0x1;
	[dreg:$0x5] =	wrdreg s18  }
0xd: {  	s31 =	simm.s32 $0x0;
	s5 =	sshll.u32 s5, $0x10;
	[dreg:$0x6] =	wrdreg s19  }
0xe: {  	s3 =	sadd.s32 $0x35E00, s4;
	s6 =	sadd.s32 s5, s4;
	[dreg:$0x7] =	wrdreg s20  }
0xf: {  	s17 =	ssub.s32 $0x2, s0;
	s0 =	sshll.u32 s0, $0xF;
	[dreg:$0x8] =	wrdreg s21  }
0x10: {  	s7 =	sshrl.u32 s17, $0x1;
	s0 =	sadd.s32 s0, s6;
	[dreg:$0x9] =	wrdreg s22  }
0x11: {  	s1 =	sshrl.u32 s1, $0x3;
	s0 =	sadd.s32 $0x235E00, s0;
	[dreg:$0xa] =	wrdreg s23  }
0x12: {  	s5 =	ssub.s32 s17, s7;
	s7 =	simm.s32 $0x2;
	[dreg:$0xf] =	wrdreg s0  }
0x13: {  	s17 =	simm.s32 $0xA080;
	s1 =	sadd.s32 s1, s4;
	[dreg:$0xb] =	wrdreg s24  }
0x14: {  	s4 =	sadd.s32 $0x35F00, s4;
	s5 =	smax.u32 s5, $0x1;
	[dreg:$0xc] =	wrdreg s25  }
0x15: {  	[dreg:$0xd] =	wrdreg s26;
	s15 =	simm.s32 $0x9080;
	s16 =	simm.s32 $0x9880  }
0x16: {  	s18 =	simm.s32 $0xA880;
	s19 =	simm.s32 $0xB080;
	s20 =	simm.s32 $0xB880  }
0x17: {  	v2 =	vlaneseq.u32;
	s21 =	simm.s32 $0xC080;
	s22 =	simm.s32 $0xC880;
	s23 =	simm.s32 $0xD080  }
0x18: {  	vm0 =	vmmov $0xffff;
	v1 =	vshrl.u32 v2, $0x3;
	s24 =	simm.s32 $0xD880;
	s1 =	sadd.s32 $0x34E00, s1;
	[dreg:$0xe] =	wrdreg s5  }
0x19: {  	v0 =	vand.u32 $0x7, v2;
	v2 =	vor.u32 $0x8, v2;
	v1 =	vmul.u32 $0x8, v1;
	s25 =	simm.s32 $0xE080;
	s26 =	simm.s32 $0xE880;
	[dreg:$0x2] =	wrdreg s1  }
.LBB2_1:
0x1a: {  	s6 =	rddreg [dreg:$0xf];
	s0 =	simm.s32 $0x0  }
.LBB2_2:
0x1b: {  	s5 =	rddreg [dreg:$0x2]  }
0x1c: {  	s5 =	sadd.s32 s0, s5  }
0x1d: {  	[tilespmem:s2], [sflag:$0x2] =	stream.linear.gather [hbm4b:s5+s2], $0x80, $0x38;
	[tilespmem:$0x10080] =	vst v63  }
0x1e: {  	_ =	swait.ge [sflag:s7], $0x80  }
0x1f: {  	[sflag:s7] =	ssyncset.done $0x0  }
0x20: {  	[sflag:s7] =	ssyncadd.s32 $0xFFFFFF80  }
0x21: {  	v3 =	vld [tilespmem:$0x0];
	_ =	sdelay $0x4  }
0x22: {  	v4 =	vshll.u32 v3, $0x2  }
0x23: {  	v3 =	vand.u32 $0x7, v3;
	v4 =	vand.u32 $0xFFFFFFE0, v4  }
0x24: {  	v3 =	vor.u32 v3, v4  }
0x25: {  	v4 =	vperm.xlane v3, v0;
	_ =	sdelay $0x1  }
0x26: {  	v4 =	vadd.s32 v1, v4;
	_ =	sdelay $0x1  }
0x27: {  	v3 =	vperm.xlane v3, v2;
	_ =	sdelay $0x1  }
0x28: {  	v3 =	vadd.s32 v1, v3  }
0x29: {  	[tilespmem:s8], [sflag:$0x1] =	stream.indirect_vreg.gather [hbm4b:s3+s2], $0x80, v4, vm0, $0xb8;
	[tilespmem:$0x10080] =	vst v63  }
0x2a: {  	s5 =	rddreg [dreg:$0x3]  }
0x2b: {  	[tilespmem:s5], [sflag:$0x1] =	stream.indirect_vreg.gather [hbm4b:s4+s2], $0x80, v4, vm0, $0xb8;
	[tilespmem:$0x10080] =	vst v63  }
0x2c: {  	s1 =	rddreg [dreg:$0x4]  }
0x2d: {  	[tilespmem:s1], [sflag:$0x1] =	stream.indirect_vreg.gather [hbm4b:s3+s2], $0x80, v3, vm0, $0xb8;
	[tilespmem:$0x10080] =	vst v63  }
0x2e: {  	s5 =	rddreg [dreg:$0x5]  }
0x2f: {  	[tilespmem:s5], [sflag:$0x1] =	stream.indirect_vreg.gather [hbm4b:s4+s2], $0x80, v3, vm0, $0xb8;
	[tilespmem:$0x10080] =	vst v63  }
0x30: {  	v3 =	vld [tilespmem:$0x10];
	_ =	sdelay $0x4  }
0x31: {  	v57 =	vshll.u32 v3, $0x2  }
0x32: {  	v3 =	vand.u32 $0x7, v3;
	v4 =	vand.u32 $0xFFFFFFE0, v57  }
0x33: {  	v3 =	vor.u32 v3, v4  }
0x34: {  	v4 =	vperm.xlane v3, v0;
	_ =	sdelay $0x1  }
0x35: {  	v4 =	vadd.s32 v1, v4;
	_ =	sdelay $0x1  }
0x36: {  	v3 =	vperm.xlane v3, v2;
	_ =	sdelay $0x1  }
0x37: {  	s1 =	rddreg [dreg:$0x6];
	v3 =	vadd.s32 v1, v3  }
0x38: {  	[tilespmem:s1], [sflag:$0x1] =	stream.indirect_vreg.gather [hbm4b:s3+s2], $0x80, v4, vm0, $0xb8;
	[tilespmem:$0x10080] =	vst v63  }
0x39: {  	s5 =	rddreg [dreg:$0x7]  }
0x3a: {  	[tilespmem:s5], [sflag:$0x1] =	stream.indirect_vreg.gather [hbm4b:s4+s2], $0x80, v4, vm0, $0xb8;
	[tilespmem:$0x10080] =	vst v63  }
0x3b: {  	s1 =	rddreg [dreg:$0x8]  }
0x3c: {  	[tilespmem:s1], [sflag:$0x1] =	stream.indirect_vreg.gather [hbm4b:s3+s2], $0x80, v3, vm0, $0xb8;
	[tilespmem:$0x10080] =	vst v63  }
0x3d: {  	s5 =	rddreg [dreg:$0x9]  }
0x3e: {  	[tilespmem:s5], [sflag:$0x1] =	stream.indirect_vreg.gather [hbm4b:s4+s2], $0x80, v3, vm0, $0xb8;
	[tilespmem:$0x10080] =	vst v63  }
0x3f: {  	v3 =	vld [tilespmem:$0x20];
	_ =	sdelay $0x4  }
0x40: {  	v58 =	vshll.u32 v3, $0x2  }
0x41: {  	v3 =	vand.u32 $0x7, v3;
	v4 =	vand.u32 $0xFFFFFFE0, v58  }
0x42: {  	v3 =	vor.u32 v3, v4  }
0x43: {  	v4 =	vperm.xlane v3, v0;
	_ =	sdelay $0x1  }
0x44: {  	v4 =	vadd.s32 v1, v4;
	_ =	sdelay $0x1  }
0x45: {  	v3 =	vperm.xlane v3, v2;
	_ =	sdelay $0x1  }
0x46: {  	s1 =	rddreg [dreg:$0xa];
	v3 =	vadd.s32 v1, v3  }
0x47: {  	[tilespmem:s1], [sflag:$0x1] =	stream.indirect_vreg.gather [hbm4b:s3+s2], $0x80, v4, vm0, $0xb8;
	[tilespmem:$0x10080] =	vst v63  }
0x48: {  	s5 =	rddreg [dreg:$0xb]  }
0x49: {  	[tilespmem:s5], [sflag:$0x1] =	stream.indirect_vreg.gather [hbm4b:s4+s2], $0x80, v4, vm0, $0xb8;
	[tilespmem:$0x10080] =	vst v63  }
0x4a: {  	s1 =	rddreg [dreg:$0xc]  }
0x4b: {  	[tilespmem:s1], [sflag:$0x1] =	stream.indirect_vreg.gather [hbm4b:s3+s2], $0x80, v3, vm0, $0xb8;
	[tilespmem:$0x10080] =	vst v63  }
0x4c: {  	s5 =	rddreg [dreg:$0xd]  }
0x4d: {  	[tilespmem:s5], [sflag:$0x1] =	stream.indirect_vreg.gather [hbm4b:s4+s2], $0x80, v3, vm0, $0xb8;
	[tilespmem:$0x10080] =	vst v63  }
0x4e: {  	v3 =	vld [tilespmem:$0x30];
	_ =	sdelay $0x4  }
0x4f: {  	v59 =	vshll.u32 v3, $0x2  }
0x50: {  	v3 =	vand.u32 $0x7, v3;
	v4 =	vand.u32 $0xFFFFFFE0, v59  }
0x51: {  	v3 =	vor.u32 v3, v4  }
0x52: {  	v4 =	vperm.xlane v3, v0;
	_ =	sdelay $0x1  }
0x53: {  	v4 =	vadd.s32 v1, v4;
	_ =	sdelay $0x1  }
0x54: {  	v3 =	vperm.xlane v3, v2;
	_ =	sdelay $0x1  }
0x55: {  	v3 =	vadd.s32 v1, v3  }
0x56: {  	[tilespmem:s9], [sflag:$0x1] =	stream.indirect_vreg.gather [hbm4b:s3+s2], $0x80, v4, vm0, $0xb8;
	[tilespmem:$0x10080] =	vst v63  }
0x57: {  	_ = 	snop  }
0x58: {  	[tilespmem:s10], [sflag:$0x1] =	stream.indirect_vreg.gather [hbm4b:s4+s2], $0x80, v4, vm0, $0xb8;
	[tilespmem:$0x10080] =	vst v63  }
0x59: {  	_ = 	snop  }
0x5a: {  	[tilespmem:s11], [sflag:$0x1] =	stream.indirect_vreg.gather [hbm4b:s3+s2], $0x80, v3, vm0, $0xb8;
	[tilespmem:$0x10080] =	vst v63  }
0x5b: {  	_ = 	snop  }
0x5c: {  	[tilespmem:s12], [sflag:$0x1] =	stream.indirect_vreg.gather [hbm4b:s4+s2], $0x80, v3, vm0, $0xb8;
	[tilespmem:$0x10080] =	vst v63  }
0x5d: {  	v3 =	vld [tilespmem:$0x40];
	_ =	sdelay $0x4  }
0x5e: {  	v60 =	vshll.u32 v3, $0x2  }
0x5f: {  	v3 =	vand.u32 $0x7, v3;
	v4 =	vand.u32 $0xFFFFFFE0, v60  }
0x60: {  	v3 =	vor.u32 v3, v4  }
0x61: {  	v4 =	vperm.xlane v3, v0;
	_ =	sdelay $0x1  }
0x62: {  	v4 =	vadd.s32 v1, v4;
	_ =	sdelay $0x1  }
0x63: {  	v3 =	vperm.xlane v3, v2;
	_ =	sdelay $0x1  }
0x64: {  	v3 =	vadd.s32 v1, v3  }
0x65: {  	[tilespmem:s13], [sflag:$0x1] =	stream.indirect_vreg.gather [hbm4b:s3+s2], $0x80, v4, vm0, $0xb8;
	[tilespmem:$0x10080] =	vst v63  }
0x66: {  	_ = 	snop  }
0x67: {  	[tilespmem:s14], [sflag:$0x1] =	stream.indirect_vreg.gather [hbm4b:s4+s2], $0x80, v4, vm0, $0xb8;
	[tilespmem:$0x10080] =	vst v63  }
0x68: {  	_ = 	snop  }
0x69: {  	[tilespmem:s15], [sflag:$0x1] =	stream.indirect_vreg.gather [hbm4b:s3+s2], $0x80, v3, vm0, $0xb8;
	[tilespmem:$0x10080] =	vst v63  }
0x6a: {  	_ = 	snop  }
0x6b: {  	[tilespmem:s16], [sflag:$0x1] =	stream.indirect_vreg.gather [hbm4b:s4+s2], $0x80, v3, vm0, $0xb8;
	[tilespmem:$0x10080] =	vst v63  }
0x6c: {  	v3 =	vld [tilespmem:$0x50];
	_ =	sdelay $0x4  }
0x6d: {  	v61 =	vshll.u32 v3, $0x2  }
0x6e: {  	v3 =	vand.u32 $0x7, v3;
	v4 =	vand.u32 $0xFFFFFFE0, v61  }
0x6f: {  	v3 =	vor.u32 v3, v4  }
0x70: {  	v4 =	vperm.xlane v3, v0;
	_ =	sdelay $0x1  }
0x71: {  	v4 =	vadd.s32 v1, v4;
	_ =	sdelay $0x1  }
0x72: {  	v3 =	vperm.xlane v3, v2;
	_ =	sdelay $0x1  }
0x73: {  	v3 =	vadd.s32 v1, v3  }
0x74: {  	[tilespmem:s17], [sflag:$0x1] =	stream.indirect_vreg.gather [hbm4b:s3+s2], $0x80, v4, vm0, $0xb8;
	[tilespmem:$0x10080] =	vst v63  }
0x75: {  	_ = 	snop  }
0x76: {  	[tilespmem:s18], [sflag:$0x1] =	stream.indirect_vreg.gather [hbm4b:s4+s2], $0x80, v4, vm0, $0xb8;
	[tilespmem:$0x10080] =	vst v63  }
0x77: {  	_ = 	snop  }
0x78: {  	[tilespmem:s19], [sflag:$0x1] =	stream.indirect_vreg.gather [hbm4b:s3+s2], $0x80, v3, vm0, $0xb8;
	[tilespmem:$0x10080] =	vst v63  }
0x79: {  	_ = 	snop  }
0x7a: {  	[tilespmem:s20], [sflag:$0x1] =	stream.indirect_vreg.gather [hbm4b:s4+s2], $0x80, v3, vm0, $0xb8;
	[tilespmem:$0x10080] =	vst v63  }
0x7b: {  	v3 =	vld [tilespmem:$0x60];
	_ =	sdelay $0x4  }
0x7c: {  	v62 =	vshll.u32 v3, $0x2  }
0x7d: {  	v3 =	vand.u32 $0x7, v3;
	v4 =	vand.u32 $0xFFFFFFE0, v62  }
0x7e: {  	v3 =	vor.u32 v3, v4  }
0x7f: {  	v4 =	vperm.xlane v3, v0;
	_ =	sdelay $0x1  }
0x80: {  	v4 =	vadd.s32 v1, v4;
	_ =	sdelay $0x1  }
0x81: {  	v3 =	vperm.xlane v3, v2;
	_ =	sdelay $0x1  }
0x82: {  	v3 =	vadd.s32 v1, v3  }
0x83: {  	[tilespmem:s21], [sflag:$0x1] =	stream.indirect_vreg.gather [hbm4b:s3+s2], $0x80, v4, vm0, $0xb8;
	[tilespmem:$0x10080] =	vst v63  }
0x84: {  	_ = 	snop  }
0x85: {  	[tilespmem:s22], [sflag:$0x1] =	stream.indirect_vreg.gather [hbm4b:s4+s2], $0x80, v4, vm0, $0xb8;
	[tilespmem:$0x10080] =	vst v63  }
0x86: {  	_ = 	snop  }
0x87: {  	[tilespmem:s23], [sflag:$0x1] =	stream.indirect_vreg.gather [hbm4b:s3+s2], $0x80, v3, vm0, $0xb8;
	[tilespmem:$0x10080] =	vst v63  }
0x88: {  	_ = 	snop  }
0x89: {  	[tilespmem:s24], [sflag:$0x1] =	stream.indirect_vreg.gather [hbm4b:s4+s2], $0x80, v3, vm0, $0xb8;
	[tilespmem:$0x10080] =	vst v63  }
0x8a: {  	v3 =	vld [tilespmem:$0x70];
	_ =	sdelay $0x4  }
0x8b: {  	v63 =	vshll.u32 v3, $0x2  }
0x8c: {  	v3 =	vand.u32 $0x7, v3;
	v4 =	vand.u32 $0xFFFFFFE0, v63  }
0x8d: {  	v3 =	vor.u32 v3, v4  }
0x8e: {  	v4 =	vperm.xlane v3, v0;
	_ =	sdelay $0x1  }
0x8f: {  	v4 =	vadd.s32 v1, v4;
	_ =	sdelay $0x1  }
0x90: {  	v3 =	vperm.xlane v3, v2;
	_ =	sdelay $0x1  }
0x91: {  	v3 =	vadd.s32 v1, v3  }
0x92: {  	[tilespmem:s25], [sflag:$0x1] =	stream.indirect_vreg.gather [hbm4b:s3+s2], $0x80, v4, vm0, $0xb8;
	[tilespmem:$0x10080] =	vst v63  }
0x93: {  	_ = 	snop  }
0x94: {  	[tilespmem:s26], [sflag:$0x1] =	stream.indirect_vreg.gather [hbm4b:s4+s2], $0x80, v4, vm0, $0xb8;
	[tilespmem:$0x10080] =	vst v63  }
0x95: {  	_ = 	snop  }
0x96: {  	[tilespmem:s28], [sflag:$0x1] =	stream.indirect_vreg.gather [hbm4b:s3+s2], $0x80, v3, vm0, $0xb8;
	[tilespmem:$0x10080] =	vst v63  }
0x97: {  	_ = 	snop  }
0x98: {  	[tilespmem:s29], [sflag:$0x1] =	stream.indirect_vreg.gather [hbm4b:s4+s2], $0x80, v3, vm0, $0xb8;
	[tilespmem:$0x10080] =	vst v63  }
0x99: {  	_ =	swait.ge [sflag:s30], $0x10000  }
0x9a: {  	p0 =	sne.s32 s0, $0x30;
	[sflag:s30] =	ssyncset.done $0x0  }
.Ltmp0:
0x9b: {  	[sflag:s30] =	ssyncadd.s32 $0xFFFF0000;
	(pc) =	sbr.rel @p0 .LBB2_2-.Ltmp0, $4  }
0x9c: {  	[hbm4b:s6+s2] =	stream.linear.scatter [tilespmem:s8], [sflag:$0x2], $0x10000, $0x38;
	[tilespmem:$0x10080] =	vst v63  }
0x9d: {  	_ =	swait.ge [sflag:s7], $0x10000  }
0x9e: {  	[sflag:s7] =	ssyncset.done $0x0  }
0x9f: {  	s0 =	sadd.s32 $0x10, s0;
	s6 =	sadd.s32 $0x2000, s6;
	[sflag:s7] =	ssyncadd.s32 $0xFFFF0000  }
0xa0: {  	s31 =	sadd.s32 $0x1, s31;
	s0 =	rddreg [dreg:$0xe]  }
0xa1: {  	p0 =	sne.s32 s31, s0  }
.Ltmp1:
0xa2: {  	_ = 	snop;
	(pc) =	sbr.rel @p0 .LBB2_1-.Ltmp1, $1  }
0xa3: {  	_ =	sdelay $0x3  }
0xa4: {  	_ =	sfence.sel $0x180000  }
0xa5: {  	[bflag:$0x0] =	sbarrier.arrive $0xFFFF  }
0xa6: {  	_ =	strace $0x9000004A  }
0xa7: {  	s0 =	stileid.u32;
	[bflag:$0x2] =	sbarrier.arrive $0xFFFF  }
0xa8: {  	p0 =	sne.s32 s0, $0x0;
	s0 =	rddreg [dreg:$0x1]  }
0xa9: {  	s0 =	sadd.s32 @!p0 $0x100000, s0  }
0xaa: {  	[sflag:s0] =	ssyncadd.tile.s32 @!p0 $0x1;
	_ =	shalt  }
.Lfunc_end2:
_tile_overlayer_lowered:
.L_overlay_start_2:
0xab: {  	(tag) =	ssettag $0x2  }
0xac: {  	s0 =	rddreg [dreg:$0x0];
	s2 =	stileid.u32  }
0xad: {  	s1 =	rddreg [dreg:$0x1];
	p0 =	sne.s32 s2, $0x0  }
0xae: {  	s3 =	rddreg [dreg:$0x2];
	[bflag:$0x3] =	sbarrier.arrive $0xFFFF;
	s2 =	simm.s32 @!p0 $0x1C02  }
0xaf: {  	[timem:s3], [sflag:s2] =	dma.local @!p0 [hbm:s0], s1  }
0xb0: {  	s0 =	simm.s32 @!p0 $0x2  }
0xb1: {  	_ =	swait.ge @!p0 [sflag:s0], s1  }
0xb2: {  	s1 =	ssub.s32 @!p0 $0x0, s1;
	[sflag:s0] =	ssyncset.done @!p0 $0x0  }
0xb3: {  	[sflag:s0] =	ssyncadd.s32 @!p0 s1  }
0xb4: {  	[bflag:$0x3] =	sbarrier.arrive $0xFFFF  }
0xb5: {  	_ =	shalt  }

// kernel: kernel.22.cloned.1.call-start
scs
__scs_entry_jumppad:
0x0: {  	(pc) =	sbr.rel $0x88, $3  }
0x1: {  	(tag) =	ssettag $0x0;
	lr =	simm.s32 $0x1  }
0x2: {  	[smem:$0x3F9C] =	sst lr;
	_ =	strace $0xD0000000  }
0x3: {  	_ = 	snop  }
0x4: {  	_ = 	snop  }
0x5: {  	_ = 	snop  }
0x6: {  	_ = 	snop  }
0x7: {  	_ = 	snop  }
__scs_overlays_trampoline_lowered:
0x8: {  	[smem:$0x3FAB] =	sst s0  }
0x9: {  	[smem:$0x3FAC] =	sst s1  }
0xa: {  	[smem:$0x3FAD] =	sst s2  }
0xb: {  	[smem:$0x3FAE] =	sst s3  }
0xc: {  	[smem:$0x3FAF] =	sst s4  }
0xd: {  	[smem:$0x3FB0] =	sst s5  }
0xe: {  	[smem:$0x3FB1] =	sst s6  }
0xf: {  	[smem:$0x3FB2] =	sst s7  }
0x10: {  	[smem:$0x3FB3] =	sst s8  }
0x11: {  	[smem:$0x3FB4] =	sst s9;
	s0 =	simm.s32 @!p0 $0x0  }
0x12: {  	s1 =	sld [smem:$0x3F9A];
	s0 =	simm.s32 @p0 $0x1  }
0x13: {  	[smem:$0x3FB5] =	sst s0;
	s0 =	simm.s32 @!p1 $0x0  }
0x14: {  	s2 =	sld [smem:$0x3F99];
	s0 =	simm.s32 @p1 $0x1  }
0x15: {  	[smem:$0x3FB6] =	sst s0;
	s0 =	simm.s32 @!p2 $0x0  }
0x16: {  	s3 =	sld [smem:$0x3FDB];
	s0 =	simm.s32 @p2 $0x1  }
0x17: {  	s4 =	simm.s32 $0x1BF5;
	[smem:$0x3FB8] =	sst s0  }
0x18: {  	s0 =	sld [smem:$0x3F9B];
	_ =	swait.ge [sflag:s4], $0x0  }
0x19: {  	s7 =	sld [smem:$0x3F9C]  }
0x1a: {  	s8 =	sadd.s32 $0xFFFFE003, lr  }
0x1b: {  	s9 =	sadd.s32 $0xFFFFFEF7, lr;
	s5 =	simm.s32 $0xFFFFFFFF;
	p2 =	slt.u32 s8, $0xFFFFF086  }
0x1c: {  	p1 =	slt.u32 s9, $0xF7A;
	s5 =	simm.s32 @!p2 $0x0  }
0x1d: {  	s5 =	simm.s32 @p1 $0x1;
	p0 =	seq.s32 s7, s2  }
0x1e: {  	s7 =	smul.u32 @!p0 $0xF7A, s2;
	p2 =	seq.s32 @!p0 s5, $0x0  }
0x1f: {  	s9 =	smul.u32 $0xF7A, s1;
	s8 =	simm.s32 @!p0 $0x1BF5;
	p2 =	por !p2, p0  }
0x20: {  	[sflag:s8] =	ssyncset.s32 @!p0 $0xFFFFF086;
	s6 =	sadd.s32 @!p0 s3, s7;
	s7 =	simm.s32 @!p0 $0x108  }
0x21: {  	s3 =	sadd.s32 s3, s9;
	s6 =	sadd.s32 @!p0 $0x88, s6;
	s7 =	simm.s32 @p2 $0x1082  }
0x22: {  	[simem:s7], [sflag:s8] =	dma.local @!p0 [hbm:s6], $0xF7A  }
0x23: {  	s9 =	sor.u32 $0xD0000000, s2;
	s6 =	simm.s32 $0x108;
	_ =	swait.ge @!p0 [sflag:s8], $0x0  }
0x24: {  	s3 =	sadd.s32 $0x88, s3;
	s6 =	simm.s32 @!p1 $0x1082;
	[sflag:s4] =	ssyncset.s32 $0xFFFFF086  }
0x25: {  	[simem:s6], [sflag:s4] =	dma.local [hbm:s3], $0xF7A  }
0x26: {  	[smem:$0x3F9C] =	sst s1;
	(tag) =	ssettag s2;
	_ =	strace s9  }
0x27: {  	s1 =	sld [smem:$0x3FAC]  }
0x28: {  	s2 =	sld [smem:$0x3FAD]  }
0x29: {  	s4 =	sld [smem:$0x3FAF]  }
0x2a: {  	p0 =	seq.s32 s5, $0x0;
	s5 =	sld [smem:$0x3FB0]  }
0x2b: {  	s6 =	sld [smem:$0x3FB1]  }
0x2c: {  	s7 =	sld [smem:$0x3FB2]  }
0x2d: {  	s3 =	simm.s32 $0x108;
	s8 =	sld [smem:$0x3FB3]  }
0x2e: {  	s3 =	simm.s32 @!p0 $0x1082;
	s9 =	sld [smem:$0x3FB4]  }
0x2f: {  	lr =	sadd.s32 s0, s3;
	s0 =	sld [smem:$0x3FAB]  }
0x30: {  	s3 =	sld [smem:$0x3FAE]  }
0x31: {  	[smem:$0x3FB7] =	sst s10  }
0x32: {  	s10 =	sld [smem:$0x3FB5];
	_ =	sdelay $0x3  }
0x33: {  	p0 =	seq.s32 s10, $0x1;
	s10 =	sld [smem:$0x3FB7];
	_ =	sdelay $0x3  }
0x34: {  	[smem:$0x3FB7] =	sst s10  }
0x35: {  	s10 =	sld [smem:$0x3FB6];
	_ =	sdelay $0x3  }
0x36: {  	p1 =	seq.s32 s10, $0x1;
	s10 =	sld [smem:$0x3FB7];
	_ =	sdelay $0x3  }
0x37: {  	[smem:$0x3FB7] =	sst s10  }
0x38: {  	s10 =	sld [smem:$0x3FB8]  }
0x39: {  	_ = 	snop;
	(pc) =	sbr.ind lr, $3  }
0x3a: {  	_ = 	snop  }
0x3b: {  	_ = 	snop  }
0x3c: {  	p2 =	seq.s32 s10, $0x1;
	s10 =	sld [smem:$0x3FB7]  }
0x3d: {  	_ =	shalt  }
0x3e: {  	_ =	shalt  }
0x3f: {  	_ =	shalt  }
0x40: {  	_ =	shalt  }
0x41: {  	_ =	shalt  }
0x42: {  	_ =	shalt  }
0x43: {  	_ =	shalt  }
0x44: {  	_ =	shalt  }
0x45: {  	_ =	shalt  }
0x46: {  	_ =	shalt  }
0x47: {  	_ =	shalt  }
0x48: {  	_ =	shalt  }
0x49: {  	_ =	shalt  }
0x4a: {  	_ =	shalt  }
0x4b: {  	_ =	shalt  }
0x4c: {  	_ =	shalt  }
0x4d: {  	_ =	shalt  }
0x4e: {  	_ =	shalt  }
0x4f: {  	_ =	shalt  }
0x50: {  	_ =	shalt  }
0x51: {  	_ =	shalt  }
0x52: {  	_ =	shalt  }
0x53: {  	_ =	shalt  }
0x54: {  	_ =	shalt  }
0x55: {  	_ =	shalt  }
0x56: {  	_ =	shalt  }
0x57: {  	_ =	shalt  }
0x58: {  	_ =	shalt  }
0x59: {  	_ =	shalt  }
0x5a: {  	_ =	shalt  }
0x5b: {  	_ =	shalt  }
0x5c: {  	_ =	shalt  }
0x5d: {  	_ =	shalt  }
0x5e: {  	_ =	shalt  }
0x5f: {  	_ =	shalt  }
0x60: {  	_ =	shalt  }
0x61: {  	_ =	shalt  }
0x62: {  	_ =	shalt  }
0x63: {  	_ =	shalt  }
0x64: {  	_ =	shalt  }
0x65: {  	_ =	shalt  }
0x66: {  	_ =	shalt  }
0x67: {  	_ =	shalt  }
0x68: {  	_ =	shalt  }
0x69: {  	_ =	shalt  }
0x6a: {  	_ =	shalt  }
0x6b: {  	_ =	shalt  }
0x6c: {  	_ =	shalt  }
0x6d: {  	_ =	shalt  }
0x6e: {  	_ =	shalt  }
0x6f: {  	_ =	shalt  }
0x70: {  	_ =	shalt  }
0x71: {  	_ =	shalt  }
0x72: {  	_ =	shalt  }
0x73: {  	_ =	shalt  }
0x74: {  	_ =	shalt  }
0x75: {  	_ =	shalt  }
0x76: {  	_ =	shalt  }
0x77: {  	_ =	shalt  }
0x78: {  	_ =	shalt  }
0x79: {  	_ =	shalt  }
0x7a: {  	_ =	shalt  }
0x7b: {  	_ =	shalt  }
0x7c: {  	_ =	shalt  }
0x7d: {  	_ =	shalt  }
0x7e: {  	_ =	shalt  }
0x7f: {  	_ =	shalt  }
0x80: {  	_ =	shalt  }
0x81: {  	_ =	shalt  }
0x82: {  	_ =	shalt  }
0x83: {  	_ =	shalt  }
0x84: {  	_ =	shalt  }
0x85: {  	_ =	shalt  }
0x86: {  	_ =	shalt  }
0x87: {  	_ =	shalt  }
.Lfunc_end0:
.L_simem_size_0:
called_computation.3_lowered:
.L_overlay_start_0:
0x88: {  	s2 =	sld [smem:$0x3FD9]  }
0x89: {  	s3 =	sld [smem:$0x3FFE];
	_ =	sdelay $0x1  }
0x8a: {  	s1 =	srdreg.scid  }
0x8b: {  	s0 =	sand.u32 $0x1, s1  }
0x8c: {  	s16 =	sshll.u32 s0, $0xA;
	s2 =	sadd.s32 s3, s2  }
0x8d: {  	s2 =	sadd.s32 s2, s16  }
0x8e: {  	[smem:$0x3FC3] =	sst s2  }
0x8f: {  	_ = 	snop  }
0x90: {  	(tm) =	ssettm $0x1  }
0x91: {  	s17 =	sld [smem:$0x3FFB];
	_ =	sdelay $0x3  }
0x92: {  	_ =	strace s17  }
0x93: {  	s2 =	sld [smem:$0x3FFC];
	_ =	sdelay $0x3  }
0x94: {  	_ =	strace s2  }
0x95: {  	s2 =	sld [smem:$0x3FFD];
	_ =	sdelay $0x3  }
0x96: {  	_ =	strace s2  }
0x97: {  	_ =	strace $0x8FFFFFFF  }
0x98: {  	s18 =	sld [smem:$0x3FDB];
	_ =	sdelay $0x1  }
0x99: {  	s19 =	simm.s32 $_scs_section_size  }
0x9a: {  	s4 =	simm.s32 $_size__tile_overlayer_lowered;
	s5 =	simm.s32 $_tile_overlayer_lowered  }
0x9b: {  	s22 =	simm.s32 $0x1BFF;
	s21 =	sshll.u32 s5, $0x1;
	s2 =	sadd.s32 s19, s18  }
0x9c: {  	s6 =	simm.s32 $0x0;
	s20 =	sshll.u32 s4, $0x1;
	s4 =	sadd.s32 s21, s2  }
0x9d: {  	[timem:s6], [sflag:s22] =	dma.local [hbm:s4], s20  }
0x9e: {  	_ =	swait.ge [sflag:s22], s20  }
0x9f: {  	s3 =	ssub.s32 $0x0, s20;
	[sflag:s22] =	ssyncset.done $0x0  }
0xa0: {  	[sflag:s22] =	ssyncadd.s32 s3;
	_ =	sdelay $0x1  }
0xa1: {  	s23 =	simm.s32 $0x1B8B  }
0xa2: {  	_ =	swait.ge [sflag:s23], $0x1  }
0xa3: {  	[sflag:s23] =	ssyncset.done $0x0  }
0xa4: {  	s25 =	simm.s32 $0x1B8E;
	s24 =	sld [smem:$0x3FFE];
	[sflag:s23] =	ssyncadd.s32 $0xFFFFFFFF  }
0xa5: {  	s26 =	simm.s32 $execute0_lowered;
	[smem:$0x3FD2] =	sst s25  }
0xa6: {  	s4 =	sshll.u32 s26, $0x1;
	_ =	strace $0x80000046;
	[dreg:$0x1] =	wrdreg $0xFFFFFFFF  }
0xa7: {  	s28 =	simm.s32 $_size_execute0_lowered;
	s2 =	sadd.s32 s2, s4;
	[dreg:$0x0] =	wrdreg $0x0  }
0xa8: {  	s4 =	sshll.u32 s28, $0x1;
	[dreg:$0x2] =	wrdreg s2  }
0xa9: {  	[dreg:$0x3] =	wrdreg s4  }
0xaa: {  	[dreg:$0x4] =	wrdreg $0xC0  }
0xab: {  	_ =	task [dreg:s6], $0x5FFFF  }
0xac: {  	[dreg:$0x1] =	wrdreg $0xFFFFFFFF  }
0xad: {  	[dreg:$0x0] =	wrdreg $0x60  }
0xae: {  	[dreg:$0x2] =	wrdreg s24  }
0xaf: {  	[dreg:$0x3] =	wrdreg $0xC  }
0xb0: {  	_ =	task.clear_ibuf [dreg:s6], $0x4FFFF;
	_ =	strace $0x90000046  }
0xb1: {  	s29 =	simm.s32 $0xC;
	_ =	strace $0x80000048  }
0xb2: {  	_ =	swait.ge [sflag:s29], $0x1  }
0xb3: {  	[sflag:s29] =	ssyncadd.s32 $0xFFFFFFFF  }
0xb4: {  	_ =	strace $0x90000048  }
0xb5: {  	_ =	sfence  }
0xb6: {  	s30 =	sld [smem:$0x0];
	_ =	sdelay $0x2  }
0xb7: {  	s31 =	sshll.u32 s1, $0xD;
	s1 =	sshrl.u32 s1, $0x2  }
0xb8: {  	s3 =	sand.u32 $0x4000, s31;
	s1 =	sadd.s32 s1, s30  }
0xb9: {  	s0 =	sor.u32 s3, s0;
	s1 =	sshll.u32 s1, $0x11  }
0xba: {  	s0 =	sor.u32 s1, s0  }
0xbb: {  	s0 =	sadd.s32 $0x8F2B, s0  }
0xbc: {  	[sflag:s0] =	ssyncadd.remote.s32 $0x1  }
0xbd: {  	_ =	sfence.sel $0xFFFF  }
0xbe: {  	[dreg:$0x0] =	wrdreg $0xFFFFFFFF;
	(pc) =	sbr.abs _section_cstart, $3  }
0xbf: {  	[dreg:$0x1] =	wrdreg $0xFFFFFFFF  }
0xc0: {  	_ =	task.clear_ibuf [dreg:s6], $0x2FFFF;
	_ =	strace $0x9FFFFFFF  }
0xc1: {  	(tm) =	ssettm $0x7FFFFFFF  }
tec
execute0_lowered:
.L_overlay_start_1:
0x0: {  	(tag) =	ssettag $0x1  }
0x1: {  	s0 =	srdreg.scid  }
0x2: {  	s5 =	stileid.u32;
	s4 =	rddreg [dreg:$0x0];
	s15 =	simm.s32 $0x880  }
0x3: {  	s16 =	simm.s32 $0x1080;
	s18 =	simm.s32 $0x1880;
	s19 =	simm.s32 $0x2080  }
0x4: {  	s20 =	simm.s32 $0x2880;
	s21 =	simm.s32 $0x3080;
	s22 =	simm.s32 $0x3880  }
0x5: {  	s23 =	simm.s32 $0x4080;
	s24 =	simm.s32 $0x4880;
	s25 =	simm.s32 $0x5080  }
0x6: {  	s26 =	simm.s32 $0x5880;
	s8 =	simm.s32 $0x80;
	s0 =	sand.u32 $0x1, s0  }
0x7: {  	s9 =	simm.s32 $0x6080;
	s1 =	sshll.u32 s5, $0xA;
	s2 =	sshll.u32 s0, $0x9  }
0x8: {  	s10 =	simm.s32 $0x6880;
	s1 =	sor.u32 s2, s1;
	s2 =	simm.s32 $0x0  }
0x9: {  	s11 =	simm.s32 $0x7080;
	s12 =	simm.s32 $0x7880;
	[smem:$0x7FF] =	sst s2  }
0xa: {  	s13 =	simm.s32 $0x8080;
	_ =	strace $0x80000047;
	[dreg:$0x3] =	wrdreg s15  }
0xb: {  	s14 =	simm.s32 $0x8880;
	s28 =	simm.s32 $0xF080;
	[dreg:$0x4] =	wrdreg s16  }
0xc: {  	s29 =	simm.s32 $0xF880;
	s30 =	simm.s32 $0x1;
	[dreg:$0x5] =	wrdreg s18  }
0xd: {  	s31 =	simm.s32 $0x0;
	s5 =	sshll.u32 s5, $0x10;
	[dreg:$0x6] =	wrdreg s19  }
0xe: {  	s3 =	sadd.s32 $0x35E00, s4;
	s6 =	sadd.s32 s5, s4;
	[dreg:$0x7] =	wrdreg s20  }
0xf: {  	s17 =	ssub.s32 $0x2, s0;
	s0 =	sshll.u32 s0, $0xF;
	[dreg:$0x8] =	wrdreg s21  }
0x10: {  	s7 =	sshrl.u32 s17, $0x1;
	s0 =	sadd.s32 s0, s6;
	[dreg:$0x9] =	wrdreg s22  }
0x11: {  	s1 =	sshrl.u32 s1, $0x3;
	s0 =	sadd.s32 $0x135E00, s0;
	[dreg:$0xa] =	wrdreg s23  }
0x12: {  	s5 =	ssub.s32 s17, s7;
	s7 =	simm.s32 $0x2;
	[dreg:$0xf] =	wrdreg s0  }
0x13: {  	s17 =	simm.s32 $0xA080;
	s1 =	sadd.s32 s1, s4;
	[dreg:$0xb] =	wrdreg s24  }
0x14: {  	s4 =	sadd.s32 $0x35F00, s4;
	s5 =	smax.u32 s5, $0x1;
	[dreg:$0xc] =	wrdreg s25  }
0x15: {  	[dreg:$0xd] =	wrdreg s26;
	s15 =	simm.s32 $0x9080;
	s16 =	simm.s32 $0x9880  }
0x16: {  	s18 =	simm.s32 $0xA880;
	s19 =	simm.s32 $0xB080;
	s20 =	simm.s32 $0xB880  }
0x17: {  	v2 =	vlaneseq.u32;
	s21 =	simm.s32 $0xC080;
	s22 =	simm.s32 $0xC880;
	s23 =	simm.s32 $0xD080  }
0x18: {  	vm0 =	vmmov $0xffff;
	v1 =	vshrl.u32 v2, $0x3;
	s24 =	simm.s32 $0xD880;
	s1 =	sadd.s32 $0x34600, s1;
	[dreg:$0xe] =	wrdreg s5  }
0x19: {  	v0 =	vand.u32 $0x7, v2;
	v2 =	vor.u32 $0x8, v2;
	v1 =	vmul.u32 $0x8, v1;
	s25 =	simm.s32 $0xE080;
	s26 =	simm.s32 $0xE880;
	[dreg:$0x2] =	wrdreg s1  }
.LBB2_1:
0x1a: {  	s6 =	rddreg [dreg:$0xf];
	s0 =	simm.s32 $0x0  }
.LBB2_2:
0x1b: {  	s5 =	rddreg [dreg:$0x2]  }
0x1c: {  	s5 =	sadd.s32 s0, s5  }
0x1d: {  	[tilespmem:s2], [sflag:$0x2] =	stream.linear.gather [hbm4b:s5+s2], $0x80, $0x38;
	[tilespmem:$0x10080] =	vst v63  }
0x1e: {  	_ =	swait.ge [sflag:s7], $0x80  }
0x1f: {  	[sflag:s7] =	ssyncset.done $0x0  }
0x20: {  	[sflag:s7] =	ssyncadd.s32 $0xFFFFFF80  }
0x21: {  	v3 =	vld [tilespmem:$0x0];
	_ =	sdelay $0x4  }
0x22: {  	v4 =	vshll.u32 v3, $0x2  }
0x23: {  	v3 =	vand.u32 $0x7, v3;
	v4 =	vand.u32 $0xFFFFFFE0, v4  }
0x24: {  	v3 =	vor.u32 v3, v4  }
0x25: {  	v4 =	vperm.xlane v3, v0;
	_ =	sdelay $0x1  }
0x26: {  	v4 =	vadd.s32 v1, v4;
	_ =	sdelay $0x1  }
0x27: {  	v3 =	vperm.xlane v3, v2;
	_ =	sdelay $0x1  }
0x28: {  	v3 =	vadd.s32 v1, v3  }
0x29: {  	[tilespmem:s8], [sflag:$0x1] =	stream.indirect_vreg.gather [hbm4b:s3+s2], $0x80, v4, vm0, $0xb8;
	[tilespmem:$0x10080] =	vst v63  }
0x2a: {  	s5 =	rddreg [dreg:$0x3]  }
0x2b: {  	[tilespmem:s5], [sflag:$0x1] =	stream.indirect_vreg.gather [hbm4b:s4+s2], $0x80, v4, vm0, $0xb8;
	[tilespmem:$0x10080] =	vst v63  }
0x2c: {  	s1 =	rddreg [dreg:$0x4]  }
0x2d: {  	[tilespmem:s1], [sflag:$0x1] =	stream.indirect_vreg.gather [hbm4b:s3+s2], $0x80, v3, vm0, $0xb8;
	[tilespmem:$0x10080] =	vst v63  }
0x2e: {  	s5 =	rddreg [dreg:$0x5]  }
0x2f: {  	[tilespmem:s5], [sflag:$0x1] =	stream.indirect_vreg.gather [hbm4b:s4+s2], $0x80, v3, vm0, $0xb8;
	[tilespmem:$0x10080] =	vst v63  }
0x30: {  	v3 =	vld [tilespmem:$0x10];
	_ =	sdelay $0x4  }
0x31: {  	v57 =	vshll.u32 v3, $0x2  }
0x32: {  	v3 =	vand.u32 $0x7, v3;
	v4 =	vand.u32 $0xFFFFFFE0, v57  }
0x33: {  	v3 =	vor.u32 v3, v4  }
0x34: {  	v4 =	vperm.xlane v3, v0;
	_ =	sdelay $0x1  }
0x35: {  	v4 =	vadd.s32 v1, v4;
	_ =	sdelay $0x1  }
0x36: {  	v3 =	vperm.xlane v3, v2;
	_ =	sdelay $0x1  }
0x37: {  	s1 =	rddreg [dreg:$0x6];
	v3 =	vadd.s32 v1, v3  }
0x38: {  	[tilespmem:s1], [sflag:$0x1] =	stream.indirect_vreg.gather [hbm4b:s3+s2], $0x80, v4, vm0, $0xb8;
	[tilespmem:$0x10080] =	vst v63  }
0x39: {  	s5 =	rddreg [dreg:$0x7]  }
0x3a: {  	[tilespmem:s5], [sflag:$0x1] =	stream.indirect_vreg.gather [hbm4b:s4+s2], $0x80, v4, vm0, $0xb8;
	[tilespmem:$0x10080] =	vst v63  }
0x3b: {  	s1 =	rddreg [dreg:$0x8]  }
0x3c: {  	[tilespmem:s1], [sflag:$0x1] =	stream.indirect_vreg.gather [hbm4b:s3+s2], $0x80, v3, vm0, $0xb8;
	[tilespmem:$0x10080] =	vst v63  }
0x3d: {  	s5 =	rddreg [dreg:$0x9]  }
0x3e: {  	[tilespmem:s5], [sflag:$0x1] =	stream.indirect_vreg.gather [hbm4b:s4+s2], $0x80, v3, vm0, $0xb8;
	[tilespmem:$0x10080] =	vst v63  }
0x3f: {  	v3 =	vld [tilespmem:$0x20];
	_ =	sdelay $0x4  }
0x40: {  	v58 =	vshll.u32 v3, $0x2  }
0x41: {  	v3 =	vand.u32 $0x7, v3;
	v4 =	vand.u32 $0xFFFFFFE0, v58  }
0x42: {  	v3 =	vor.u32 v3, v4  }
0x43: {  	v4 =	vperm.xlane v3, v0;
	_ =	sdelay $0x1  }
0x44: {  	v4 =	vadd.s32 v1, v4;
	_ =	sdelay $0x1  }
0x45: {  	v3 =	vperm.xlane v3, v2;
	_ =	sdelay $0x1  }
0x46: {  	s1 =	rddreg [dreg:$0xa];
	v3 =	vadd.s32 v1, v3  }
0x47: {  	[tilespmem:s1], [sflag:$0x1] =	stream.indirect_vreg.gather [hbm4b:s3+s2], $0x80, v4, vm0, $0xb8;
	[tilespmem:$0x10080] =	vst v63  }
0x48: {  	s5 =	rddreg [dreg:$0xb]  }
0x49: {  	[tilespmem:s5], [sflag:$0x1] =	stream.indirect_vreg.gather [hbm4b:s4+s2], $0x80, v4, vm0, $0xb8;
	[tilespmem:$0x10080] =	vst v63  }
0x4a: {  	s1 =	rddreg [dreg:$0xc]  }
0x4b: {  	[tilespmem:s1], [sflag:$0x1] =	stream.indirect_vreg.gather [hbm4b:s3+s2], $0x80, v3, vm0, $0xb8;
	[tilespmem:$0x10080] =	vst v63  }
0x4c: {  	s5 =	rddreg [dreg:$0xd]  }
0x4d: {  	[tilespmem:s5], [sflag:$0x1] =	stream.indirect_vreg.gather [hbm4b:s4+s2], $0x80, v3, vm0, $0xb8;
	[tilespmem:$0x10080] =	vst v63  }
0x4e: {  	v3 =	vld [tilespmem:$0x30];
	_ =	sdelay $0x4  }
0x4f: {  	v59 =	vshll.u32 v3, $0x2  }
0x50: {  	v3 =	vand.u32 $0x7, v3;
	v4 =	vand.u32 $0xFFFFFFE0, v59  }
0x51: {  	v3 =	vor.u32 v3, v4  }
0x52: {  	v4 =	vperm.xlane v3, v0;
	_ =	sdelay $0x1  }
0x53: {  	v4 =	vadd.s32 v1, v4;
	_ =	sdelay $0x1  }
0x54: {  	v3 =	vperm.xlane v3, v2;
	_ =	sdelay $0x1  }
0x55: {  	v3 =	vadd.s32 v1, v3  }
0x56: {  	[tilespmem:s9], [sflag:$0x1] =	stream.indirect_vreg.gather [hbm4b:s3+s2], $0x80, v4, vm0, $0xb8;
	[tilespmem:$0x10080] =	vst v63  }
0x57: {  	_ = 	snop  }
0x58: {  	[tilespmem:s10], [sflag:$0x1] =	stream.indirect_vreg.gather [hbm4b:s4+s2], $0x80, v4, vm0, $0xb8;
	[tilespmem:$0x10080] =	vst v63  }
0x59: {  	_ = 	snop  }
0x5a: {  	[tilespmem:s11], [sflag:$0x1] =	stream.indirect_vreg.gather [hbm4b:s3+s2], $0x80, v3, vm0, $0xb8;
	[tilespmem:$0x10080] =	vst v63  }
0x5b: {  	_ = 	snop  }
0x5c: {  	[tilespmem:s12], [sflag:$0x1] =	stream.indirect_vreg.gather [hbm4b:s4+s2], $0x80, v3, vm0, $0xb8;
	[tilespmem:$0x10080] =	vst v63  }
0x5d: {  	v3 =	vld [tilespmem:$0x40];
	_ =	sdelay $0x4  }
0x5e: {  	v60 =	vshll.u32 v3, $0x2  }
0x5f: {  	v3 =	vand.u32 $0x7, v3;
	v4 =	vand.u32 $0xFFFFFFE0, v60  }
0x60: {  	v3 =	vor.u32 v3, v4  }
0x61: {  	v4 =	vperm.xlane v3, v0;
	_ =	sdelay $0x1  }
0x62: {  	v4 =	vadd.s32 v1, v4;
	_ =	sdelay $0x1  }
0x63: {  	v3 =	vperm.xlane v3, v2;
	_ =	sdelay $0x1  }
0x64: {  	v3 =	vadd.s32 v1, v3  }
0x65: {  	[tilespmem:s13], [sflag:$0x1] =	stream.indirect_vreg.gather [hbm4b:s3+s2], $0x80, v4, vm0, $0xb8;
	[tilespmem:$0x10080] =	vst v63  }
0x66: {  	_ = 	snop  }
0x67: {  	[tilespmem:s14], [sflag:$0x1] =	stream.indirect_vreg.gather [hbm4b:s4+s2], $0x80, v4, vm0, $0xb8;
	[tilespmem:$0x10080] =	vst v63  }
0x68: {  	_ = 	snop  }
0x69: {  	[tilespmem:s15], [sflag:$0x1] =	stream.indirect_vreg.gather [hbm4b:s3+s2], $0x80, v3, vm0, $0xb8;
	[tilespmem:$0x10080] =	vst v63  }
0x6a: {  	_ = 	snop  }
0x6b: {  	[tilespmem:s16], [sflag:$0x1] =	stream.indirect_vreg.gather [hbm4b:s4+s2], $0x80, v3, vm0, $0xb8;
	[tilespmem:$0x10080] =	vst v63  }
0x6c: {  	v3 =	vld [tilespmem:$0x50];
	_ =	sdelay $0x4  }
0x6d: {  	v61 =	vshll.u32 v3, $0x2  }
0x6e: {  	v3 =	vand.u32 $0x7, v3;
	v4 =	vand.u32 $0xFFFFFFE0, v61  }
0x6f: {  	v3 =	vor.u32 v3, v4  }
0x70: {  	v4 =	vperm.xlane v3, v0;
	_ =	sdelay $0x1  }
0x71: {  	v4 =	vadd.s32 v1, v4;
	_ =	sdelay $0x1  }
0x72: {  	v3 =	vperm.xlane v3, v2;
	_ =	sdelay $0x1  }
0x73: {  	v3 =	vadd.s32 v1, v3  }
0x74: {  	[tilespmem:s17], [sflag:$0x1] =	stream.indirect_vreg.gather [hbm4b:s3+s2], $0x80, v4, vm0, $0xb8;
	[tilespmem:$0x10080] =	vst v63  }
0x75: {  	_ = 	snop  }
0x76: {  	[tilespmem:s18], [sflag:$0x1] =	stream.indirect_vreg.gather [hbm4b:s4+s2], $0x80, v4, vm0, $0xb8;
	[tilespmem:$0x10080] =	vst v63  }
0x77: {  	_ = 	snop  }
0x78: {  	[tilespmem:s19], [sflag:$0x1] =	stream.indirect_vreg.gather [hbm4b:s3+s2], $0x80, v3, vm0, $0xb8;
	[tilespmem:$0x10080] =	vst v63  }
0x79: {  	_ = 	snop  }
0x7a: {  	[tilespmem:s20], [sflag:$0x1] =	stream.indirect_vreg.gather [hbm4b:s4+s2], $0x80, v3, vm0, $0xb8;
	[tilespmem:$0x10080] =	vst v63  }
0x7b: {  	v3 =	vld [tilespmem:$0x60];
	_ =	sdelay $0x4  }
0x7c: {  	v62 =	vshll.u32 v3, $0x2  }
0x7d: {  	v3 =	vand.u32 $0x7, v3;
	v4 =	vand.u32 $0xFFFFFFE0, v62  }
0x7e: {  	v3 =	vor.u32 v3, v4  }
0x7f: {  	v4 =	vperm.xlane v3, v0;
	_ =	sdelay $0x1  }
0x80: {  	v4 =	vadd.s32 v1, v4;
	_ =	sdelay $0x1  }
0x81: {  	v3 =	vperm.xlane v3, v2;
	_ =	sdelay $0x1  }
0x82: {  	v3 =	vadd.s32 v1, v3  }
0x83: {  	[tilespmem:s21], [sflag:$0x1] =	stream.indirect_vreg.gather [hbm4b:s3+s2], $0x80, v4, vm0, $0xb8;
	[tilespmem:$0x10080] =	vst v63  }
0x84: {  	_ = 	snop  }
0x85: {  	[tilespmem:s22], [sflag:$0x1] =	stream.indirect_vreg.gather [hbm4b:s4+s2], $0x80, v4, vm0, $0xb8;
	[tilespmem:$0x10080] =	vst v63  }
0x86: {  	_ = 	snop  }
0x87: {  	[tilespmem:s23], [sflag:$0x1] =	stream.indirect_vreg.gather [hbm4b:s3+s2], $0x80, v3, vm0, $0xb8;
	[tilespmem:$0x10080] =	vst v63  }
0x88: {  	_ = 	snop  }
0x89: {  	[tilespmem:s24], [sflag:$0x1] =	stream.indirect_vreg.gather [hbm4b:s4+s2], $0x80, v3, vm0, $0xb8;
	[tilespmem:$0x10080] =	vst v63  }
0x8a: {  	v3 =	vld [tilespmem:$0x70];
	_ =	sdelay $0x4  }
0x8b: {  	v63 =	vshll.u32 v3, $0x2  }
0x8c: {  	v3 =	vand.u32 $0x7, v3;
	v4 =	vand.u32 $0xFFFFFFE0, v63  }
0x8d: {  	v3 =	vor.u32 v3, v4  }
0x8e: {  	v4 =	vperm.xlane v3, v0;
	_ =	sdelay $0x1  }
0x8f: {  	v4 =	vadd.s32 v1, v4;
	_ =	sdelay $0x1  }
0x90: {  	v3 =	vperm.xlane v3, v2;
	_ =	sdelay $0x1  }
0x91: {  	v3 =	vadd.s32 v1, v3  }
0x92: {  	[tilespmem:s25], [sflag:$0x1] =	stream.indirect_vreg.gather [hbm4b:s3+s2], $0x80, v4, vm0, $0xb8;
	[tilespmem:$0x10080] =	vst v63  }
0x93: {  	_ = 	snop  }
0x94: {  	[tilespmem:s26], [sflag:$0x1] =	stream.indirect_vreg.gather [hbm4b:s4+s2], $0x80, v4, vm0, $0xb8;
	[tilespmem:$0x10080] =	vst v63  }
0x95: {  	_ = 	snop  }
0x96: {  	[tilespmem:s28], [sflag:$0x1] =	stream.indirect_vreg.gather [hbm4b:s3+s2], $0x80, v3, vm0, $0xb8;
	[tilespmem:$0x10080] =	vst v63  }
0x97: {  	_ = 	snop  }
0x98: {  	[tilespmem:s29], [sflag:$0x1] =	stream.indirect_vreg.gather [hbm4b:s4+s2], $0x80, v3, vm0, $0xb8;
	[tilespmem:$0x10080] =	vst v63  }
0x99: {  	_ =	swait.ge [sflag:s30], $0x10000  }
0x9a: {  	p0 =	sne.s32 s0, $0x30;
	[sflag:s30] =	ssyncset.done $0x0  }
.Ltmp0:
0x9b: {  	[sflag:s30] =	ssyncadd.s32 $0xFFFF0000;
	(pc) =	sbr.rel @p0 .LBB2_2-.Ltmp0, $4  }
0x9c: {  	[hbm4b:s6+s2] =	stream.linear.scatter [tilespmem:s8], [sflag:$0x2], $0x10000, $0x38;
	[tilespmem:$0x10080] =	vst v63  }
0x9d: {  	_ =	swait.ge [sflag:s7], $0x10000  }
0x9e: {  	[sflag:s7] =	ssyncset.done $0x0  }
0x9f: {  	s0 =	sadd.s32 $0x10, s0;
	s6 =	sadd.s32 $0x2000, s6;
	[sflag:s7] =	ssyncadd.s32 $0xFFFF0000  }
0xa0: {  	s31 =	sadd.s32 $0x1, s31;
	s0 =	rddreg [dreg:$0xe]  }
0xa1: {  	p0 =	sne.s32 s31, s0  }
.Ltmp1:
0xa2: {  	_ = 	snop;
	(pc) =	sbr.rel @p0 .LBB2_1-.Ltmp1, $1  }
0xa3: {  	_ =	sdelay $0x3  }
0xa4: {  	_ =	sfence.sel $0x180000  }
0xa5: {  	[bflag:$0x0] =	sbarrier.arrive $0xFFFF  }
0xa6: {  	_ =	strace $0x90000047  }
0xa7: {  	s0 =	stileid.u32;
	[bflag:$0x2] =	sbarrier.arrive $0xFFFF  }
0xa8: {  	p0 =	sne.s32 s0, $0x0;
	s0 =	rddreg [dreg:$0x1]  }
0xa9: {  	s0 =	sadd.s32 @!p0 $0x100000, s0  }
0xaa: {  	[sflag:s0] =	ssyncadd.tile.s32 @!p0 $0x1;
	_ =	shalt  }
.Lfunc_end2:
_tile_overlayer_lowered:
.L_overlay_start_2:
0xab: {  	(tag) =	ssettag $0x2  }
0xac: {  	s0 =	rddreg [dreg:$0x0];
	s2 =	stileid.u32  }
0xad: {  	s1 =	rddreg [dreg:$0x1];
	p0 =	sne.s32 s2, $0x0  }
0xae: {  	s3 =	rddreg [dreg:$0x2];
	[bflag:$0x3] =	sbarrier.arrive $0xFFFF;
	s2 =	simm.s32 @!p0 $0x1C02  }
0xaf: {  	[timem:s3], [sflag:s2] =	dma.local @!p0 [hbm:s0], s1  }
0xb0: {  	s0 =	simm.s32 @!p0 $0x2  }
0xb1: {  	_ =	swait.ge @!p0 [sflag:s0], s1  }
0xb2: {  	s1 =	ssub.s32 @!p0 $0x0, s1;
	[sflag:s0] =	ssyncset.done @!p0 $0x0  }
0xb3: {  	[sflag:s0] =	ssyncadd.s32 @!p0 s1  }
0xb4: {  	[bflag:$0x3] =	sbarrier.arrive $0xFFFF  }
0xb5: {  	_ =	shalt  }

</sc_bundles>
